<compile_context>
chip_gen: v7x
topology: tpu7x:2x2x1
jax: 0.10.2.dev20260603
libtpu: 0.0.44.dev20260713+nightly
codegen_flags: <defaults>
</compile_context>

<pallas_src>
import functools

import jax
import jax.numpy as jnp
from jax import lax
from jax.experimental import pallas as pl
from jax.experimental.pallas import tpu as pltpu
from jax.experimental.pallas import tpu_sc as plsc

N = 10000
E = 160000
D = 256
B = 10
NPG = N // B
K = NPG // 2


_EPW = E // 32
_STRIPE = 640
_HPAD = 16 * _STRIPE


def _deg_body(ei_hbm, deg_hbm,
              edges, hist, acc, tmp, shared, sem):
    nc = 2
    c = lax.axis_index("c")
    s = lax.axis_index("s")
    w = s * nc + c

    for which in range(2):
        pltpu.sync_copy(ei_hbm.at[pl.ds(which * E + w * _EPW, _EPW)], edges)

        zero16 = jnp.zeros((16,), jnp.float32)

        @pl.loop(0, _HPAD // 16)
        def _z(i):
            hist[pl.ds(i * 16, 16)] = zero16

        @pl.loop(0, _EPW // 16)
        def _count(i):
            idx = edges[pl.ds(i * 16, 16)]
            cnt, last = plsc.scan_count(idx)
            plsc.addupdate_scatter(hist, [idx], cnt.astype(jnp.float32),
                                   mask=last)

        rem = _EPW % 16
        if rem:
            lanes = lax.iota(jnp.int32, 16)
            idx = edges[pl.ds(_EPW - 16, 16)]
            inmask = lanes >= (16 - rem)
            cnt, last = plsc.scan_count(idx, inmask)
            plsc.addupdate_scatter(hist, [idx], cnt.astype(jnp.float32),
                                   mask=last & inmask)

        pltpu.sync_copy(hist, shared.at[pl.ds(s * _HPAD, _HPAD)])
        plsc.subcore_barrier()

        @pl.loop(0, _STRIPE // 16)
        def _z2(i):
            acc[pl.ds(i * 16, 16)] = zero16

        for t in range(16):
            pltpu.sync_copy(
                shared.at[pl.ds(t * _HPAD + s * _STRIPE, _STRIPE)], tmp)

            @pl.loop(0, _STRIPE // 16)
            def _add(i):
                acc[pl.ds(i * 16, 16)] = (
                    acc[pl.ds(i * 16, 16)] + tmp[pl.ds(i * 16, 16)])

        pltpu.sync_copy(
            acc,
            deg_hbm.at[pl.ds((which * 2 + c) * _HPAD + s * _STRIPE, _STRIPE)])
        plsc.subcore_barrier()


def _degrees_sc(edge_index):
    mesh = plsc.VectorSubcoreMesh(core_axis_name="c", subcore_axis_name="s")
    f = pl.kernel(
        _deg_body,
        out_type=jax.ShapeDtypeStruct((4 * _HPAD,), jnp.float32),
        mesh=mesh,
        compiler_params=pltpu.CompilerParams(needs_layout_passes=False),
        scratch_types=[
            pltpu.VMEM((_EPW,), jnp.int32),
            pltpu.VMEM((_HPAD,), jnp.float32),
            pltpu.VMEM((_STRIPE,), jnp.float32),
            pltpu.VMEM((_STRIPE,), jnp.float32),
            pltpu.VMEM_SHARED((16 * _HPAD,), jnp.float32),
            pltpu.SemaphoreType.DMA,
        ],
    )
    deg = f(edge_index.reshape(-1))
    return deg.reshape(4, _HPAD)


def _h0_body(feat_ref, w_ref, h0_ref):
    h0_ref[...] = jnp.dot(feat_ref[...].astype(jnp.bfloat16),
                          w_ref[...].astype(jnp.bfloat16),
                          preferred_element_type=jnp.float32)


def _h0_tc(feature, W):
    rblk = 1000
    return pl.pallas_call(
        _h0_body,
        grid=(N // rblk,),
        in_specs=[
            pl.BlockSpec((rblk, D), lambda g: (g, 0)),
            pl.BlockSpec((D, 1), lambda g: (0, 0)),
        ],
        out_specs=pl.BlockSpec((rblk, 1), lambda g: (g, 0)),
        out_shape=jax.ShapeDtypeStruct((N, 1), jnp.float32),
    )(feature, W)


def _scale_body(h0_ref, d0_ref, d1_ref, hs_ref):
    deg = d0_ref[...] + d1_ref[...]
    norm = jnp.where(deg > 0, lax.rsqrt(jnp.maximum(deg, 1.0)), 0.0)
    hs_ref[...] = h0_ref[...] * norm


def _hs_tc(h0, deg_p0, deg_p1):
    return pl.pallas_call(
        _scale_body,
        in_specs=[
            pl.BlockSpec((N, 1), lambda: (0, 0)),
            pl.BlockSpec((N, 1), lambda: (0, 0)),
            pl.BlockSpec((N, 1), lambda: (0, 0)),
        ],
        out_specs=pl.BlockSpec((N, 1), lambda: (0, 0)),
        out_shape=jax.ShapeDtypeStruct((N, 1), jnp.float32),
    )(h0, deg_p0.reshape(N, 1), deg_p1.reshape(N, 1))


def _rank_body(agg_ref, deg0_ref, deg1_ref, b_ref, rank_ref, g_ref):
    deg = deg0_ref[0] + deg1_ref[0]
    norm = jnp.where(deg > 0, lax.rsqrt(jnp.maximum(deg, 1.0)), 0.0)
    s = agg_ref[0] * norm + b_ref[0, 0]
    st = jnp.transpose(s, (1, 0))
    gt = st > s
    eq = st == s
    ii = lax.broadcasted_iota(jnp.int32, (NPG, NPG), 0)
    jj = lax.broadcasted_iota(jnp.int32, (NPG, NPG), 1)
    mask = gt | (eq & (ii < jj))
    rank_ref[0] = jnp.sum(mask.astype(jnp.int32), axis=0, keepdims=True)
    g_ref[0] = jnp.tanh(s)


def _ranks_tc(agg2d, deg_p0, deg_p1, b2d):
    blk = pl.BlockSpec((1, 1, NPG), lambda g: (g, 0, 0))
    rank3, g3 = pl.pallas_call(
        _rank_body,
        grid=(B,),
        in_specs=[blk, blk, blk, pl.BlockSpec((1, 1), lambda g: (0, 0))],
        out_specs=[blk, blk],
        out_shape=[
            jax.ShapeDtypeStruct((B, 1, NPG), jnp.int32),
            jax.ShapeDtypeStruct((B, 1, NPG), jnp.float32),
        ],
    )(agg2d.reshape(B, 1, NPG), deg_p0.reshape(B, 1, NPG),
      deg_p1.reshape(B, 1, NPG), b2d)
    return rank3.reshape(B, NPG), g3.reshape(B, NPG)


_ROWS_PER_W = 160
_PERM_PAD = 5120


def _pool_body(rank_hbm, g_hbm, feat_hbm, perm_hbm, pooled_hbm,
               rankv, permv, permslice, posv, gvals, rows, shared_perm, sem):
    nc = 2
    c = lax.axis_index("c")
    s = lax.axis_index("s")
    w = s * nc + c

    @pl.when(s == 0)
    def _build():
        zero16 = jnp.zeros((16,), jnp.int32)
        @pl.loop(0, _PERM_PAD // 16)
        def _z(i):
            permv[pl.ds(i * 16, 16)] = zero16

        pltpu.sync_copy(rank_hbm, rankv)

        @pl.loop(0, N // 16)
        def _scatter(i):
            r16 = rankv[pl.ds(i * 16, 16)]
            nodes = lax.iota(jnp.int32, 16) + i * 16
            graph = lax.shift_right_logical(nodes * 8389, 23)
            pos = graph * K + r16
            plsc.store_scatter(permv, [pos], nodes, mask=r16 < K)

        @pl.when(c == 0)
        def _wp():
            pltpu.sync_copy(permv.at[pl.ds(0, B * K)], perm_hbm)

        pltpu.sync_copy(permv, shared_perm)

    plsc.subcore_barrier()

    base = w * _ROWS_PER_W
    pltpu.sync_copy(shared_perm.at[pl.ds(base, _ROWS_PER_W)], permslice)
    cps = []
    for ch in range(2):
        idx = permslice.at[pl.ds(ch * 80, 80)]
        cps.append(pltpu.async_copy(
            feat_hbm.at[idx], rows.at[pl.ds(ch * 80, 80)], sem))
        cps.append(pltpu.async_copy(g_hbm.at[idx], gvals.at[pl.ds(ch * 80, 80)], sem))
    for cp in cps:
        cp.wait()

    @pl.loop(0, _ROWS_PER_W)
    def _scale(r):
        splat = plsc.load_gather(gvals, [jnp.full((16,), 0, jnp.int32) + r])
        for k in range(D // 16):
            rows[r, pl.ds(k * 16, 16)] = rows[r, pl.ds(k * 16, 16)] * splat

    @pl.when(w < 31)
    def _wfull():
        pltpu.sync_copy(rows.at[pl.ds(0, _ROWS_PER_W)],
                        pooled_hbm.at[pl.ds(base, _ROWS_PER_W)])

    @pl.when(w == 31)
    def _wtail():
        pltpu.sync_copy(rows.at[pl.ds(0, 40)], pooled_hbm.at[pl.ds(4960, 40)])


def _pool_sc(rank_flat, g_flat, feature):
    mesh = plsc.VectorSubcoreMesh(core_axis_name="c", subcore_axis_name="s")
    f = pl.kernel(
        _pool_body,
        out_type=[
            jax.ShapeDtypeStruct((B * K,), jnp.int32),
            jax.ShapeDtypeStruct((B * K, D), jnp.float32),
        ],
        mesh=mesh,
        compiler_params=pltpu.CompilerParams(needs_layout_passes=False),
        scratch_types=[
            pltpu.VMEM((N,), jnp.int32),
            pltpu.VMEM((_PERM_PAD,), jnp.int32),
            pltpu.VMEM((_ROWS_PER_W,), jnp.int32),
            pltpu.VMEM((_ROWS_PER_W,), jnp.int32),
            pltpu.VMEM((_ROWS_PER_W,), jnp.float32),
            pltpu.VMEM((_ROWS_PER_W, D), jnp.float32),
            pltpu.VMEM_SHARED((_PERM_PAD,), jnp.int32),
            pltpu.SemaphoreType.DMA,
        ],
    )
    return f(rank_flat, g_flat, feature)


def kernel(feature, edge_index, W, b):
    src = edge_index[0]
    dst = edge_index[1]
    deg4 = _degrees_sc(edge_index)
    h0 = _h0_tc(feature, W)
    h = _hs_tc(h0, deg4[0, :N], deg4[1, :N])
    agg = jnp.zeros((N, 1), jnp.float32).at[dst].add(h[src])

    agg2d = agg[:, 0].reshape(B, NPG)
    b2d = b.reshape(1, 1)
    rank, g = _ranks_tc(agg2d, deg4[2, :N], deg4[3, :N], b2d)

    perm, pooled = _pool_sc(rank.reshape(-1), g.reshape(-1), feature)
    next_batch_num_nodes = jnp.full((B,), K, dtype=jnp.int32)
    return pooled, perm, next_batch_num_nodes

# --- scband reference (transcript-rebuilt; emitter-appended) ---
"""Pipeline reference for scband-sagpool-12730283065984 (READ-ONLY COPY).

The authoritative reference and input builder live on the scoring server;
editing this copy changes nothing except your own understanding.
"""

import jax, jax.numpy as jnp
import numpy as np

N = 10000          # total nodes (batched graph)
E = 160000         # edges
D = 256            # in_dim
B = 10             # number of graphs in the DGL batch
NPG = N // B       # nodes per graph (equal-sized batch)
RATIO = 0.5
K = int(RATIO * NPG)  # nodes kept per graph (dgl topk: max(1, int(ratio*n)))


def setup_inputs(seed: int = 0) -> dict:
    key = jax.random.key(seed)
    k1, k2, k3 = jax.random.split(key, 3)
    feature = jax.random.normal(k1, (N, D), dtype=jnp.float32)
    edge_index = jax.random.randint(k2, (2, E), 0, N)
    # GraphConv(in_dim, 1) parameters (dgl defaults: weight + bias, norm='both')
    W = jax.random.normal(k3, (D, 1), dtype=jnp.float32) * (1.0 / np.sqrt(D))
    b = jnp.zeros((1,), dtype=jnp.float32)
    return {"feature": feature, "edge_index": edge_index, "W": W, "b": b}


def reference(feature, edge_index, W, b):
    src = edge_index[0]
    dst = edge_index[1]
    # --- dgl.nn.GraphConv(in_dim, 1), norm='both' ---
    deg_out = jnp.zeros((N,), jnp.float32).at[src].add(1.0)
    deg_in = jnp.zeros((N,), jnp.float32).at[dst].add(1.0)
    norm_src = jnp.where(deg_out > 0, jax.lax.rsqrt(jnp.maximum(deg_out, 1.0)), 0.0)
    norm_dst = jnp.where(deg_in > 0, jax.lax.rsqrt(jnp.maximum(deg_in, 1.0)), 0.0)
    # in_dim > out_dim: multiply by W first, then aggregate (dgl optimization)
    h = feature @ W                       # [N, 1]
    h = h * norm_src[:, None]             # D_out^{-1/2} scaling on source side
    agg = jnp.zeros((N, 1), jnp.float32).at[dst].add(h[src])  # scatter-add over edges
    score = (agg * norm_dst[:, None] + b)[:, 0]               # squeeze -> [N]
    # --- per-graph topk (graph.batch_num_nodes() == NPG for every graph) ---
    sc = score.reshape(B, NPG)
    _, topi = jax.lax.top_k(sc, K)        # [B, K] local indices, descending score
    offsets = (jnp.arange(B) * NPG)[:, None]
    perm = (topi + offsets).reshape(-1)   # [B*K] global node ids
    # --- gate kept features by tanh(score) ---
    pooled = feature[perm] * jnp.tanh(score[perm])[:, None]   # [B*K, D]
    next_batch_num_nodes = jnp.full((B,), K, dtype=jnp.int32)
    return pooled, perm, next_batch_num_nodes

if __name__ == "__main__":
    import jax
    _d = setup_inputs()
    print(jax.jit(kernel)(*tuple(_d.values())))

</pallas_src>

<mosaic_0001>
#map = affine_map<(d0, d1) -> (0)>
module attributes {stable_mosaic.version = 14 : i64} {
  func.func @_deg_body(%arg0: i32, %arg1: i32, %arg2: memref<320000xi32, #tpu.memory_space<hbm>>, %arg3: memref<40960xf32, #tpu.memory_space<hbm>>, %arg4: memref<5000xi32, #tpu.memory_space<vmem>>, %arg5: memref<10240xf32, #tpu.memory_space<vmem>>, %arg6: memref<640xf32, #tpu.memory_space<vmem>>, %arg7: memref<640xf32, #tpu.memory_space<vmem>>, %arg8: memref<163840xf32, #tpu.memory_space<vmem_shared>>, %arg9: memref<!tpu.dma_semaphore, #tpu.memory_space<semaphore_mem>>) attributes {dimension_semantics = [#tpu.dimension_semantics<core_parallel>, #tpu.dimension_semantics<subcore_parallel>], iteration_bounds = array<i64: 2, 16>, scalar_prefetch = 0 : i64, scratch_operands = 6 : i64, tpu.core_type = #tpu.core_type<sc_vector_subcore>, window_params = [{transform_indices = #map}, {transform_indices = #map}]} {
    %mul3A = arith.constant 2 : i32
    %mul3A_0 = arith.muli %arg1, %mul3A : i32
    %add3A = arith.addi %mul3A_0, %arg0 : i32
    %mul3A_1 = arith.constant 5000 : i32
    %mul3A_2 = arith.muli %add3A, %mul3A_1 : i32
    %add3A_3 = arith.constant 0 : i32
    %add3A_4 = arith.addi %add3A_3, %mul3A_2 : i32
    "tpu.region"() ({
      %run_scoped3A = tpu.sem_alloc : memref<!tpu.dma_semaphore, #tpu.memory_space<semaphore_mem>>
      %dma_start3A = tpu.memref_slice %arg2[%add3A_4] : memref<320000xi32, #tpu.memory_space<hbm>> -> memref<5000xi32, #tpu.memory_space<hbm>>
      %dma_start3A_364 = tpu.memref_slice %arg2[%add3A_4] : memref<320000xi32, #tpu.memory_space<hbm>> -> memref<5000xi32, #tpu.memory_space<hbm>>
      tpu.enqueue_dma source(%dma_start3A_364 : memref<5000xi32, #tpu.memory_space<hbm>>) target(%arg4 : memref<5000xi32, #tpu.memory_space<vmem>>) target_semaphore(%run_scoped3A : memref<!tpu.dma_semaphore, #tpu.memory_space<semaphore_mem>>)
      %dma_wait3A = tpu.memref_slice %arg2[%add3A_4] : memref<320000xi32, #tpu.memory_space<hbm>> -> memref<5000xi32, #tpu.memory_space<hbm>>
      %dma_wait3A_365 = tpu.memref_slice %arg2[%add3A_4] : memref<320000xi32, #tpu.memory_space<hbm>> -> memref<5000xi32, #tpu.memory_space<hbm>>
      tpu.wait_dma2 semaphore(%run_scoped3A : memref<!tpu.dma_semaphore, #tpu.memory_space<semaphore_mem>>) src(%dma_wait3A_365 : memref<5000xi32, #tpu.memory_space<hbm>>) dst(%arg4 : memref<5000xi32, #tpu.memory_space<vmem>>)
      tpu.yield
    }) : () -> ()
    %broadcast_in_dim3A = arith.constant 0.000000e+00 : f32
    %broadcast_in_dim3A_5 = vector.broadcast %broadcast_in_dim3A : f32 to vector<16xf32>
    %scan3A = arith.constant 0 : i32
    %scan3A_6 = arith.constant 640 : i32
    %scan3A_7 = arith.addi %scan3A, %scan3A_6 : i32
    %scan3A_8 = arith.constant 1 : i32
    scf.for %scan3A_364 = %scan3A to %scan3A_7 step %scan3A_8  : i32 {
      %mul3A_365 = arith.constant 1 : i32
      %mul3A_366 = arith.muli %scan3A_364, %mul3A_365 : i32
      %add3A_367 = arith.constant 0 : i32
      %add3A_368 = arith.addi %add3A_367, %mul3A_366 : i32
      %mul3A_369 = arith.constant 16 : i32
      %mul3A_370 = arith.muli %add3A_368, %mul3A_369 : i32
      %swap3A = arith.index_cast %mul3A_370 : i32 to index
      %swap3A_371 = tpu.vector_load %arg5[%swap3A] {strides = array<i32>} : memref<10240xf32, #tpu.memory_space<vmem>>, vector<16xf32>,
      tpu.vector_store %arg5[%swap3A], %broadcast_in_dim3A_5 {strides = array<i32>} : memref<10240xf32, #tpu.memory_space<vmem>>, vector<16xf32>,
    }
    %scan3A_9 = arith.constant 640 : i32
    %scan3A_10 = arith.constant 0 : i32
    %scan3A_11 = arith.constant 312 : i32
    %scan3A_12 = arith.addi %scan3A_10, %scan3A_11 : i32
    %scan3A_13 = arith.constant 1 : i32
    scf.for %scan3A_364 = %scan3A_10 to %scan3A_12 step %scan3A_13  : i32 {
      %mul3A_365 = arith.constant 1 : i32
      %mul3A_366 = arith.muli %scan3A_364, %mul3A_365 : i32
      %add3A_367 = arith.constant 0 : i32
      %add3A_368 = arith.addi %add3A_367, %mul3A_366 : i32
      %mul3A_369 = arith.constant 16 : i32
      %mul3A_370 = arith.muli %add3A_368, %mul3A_369 : i32
      %get3A_371 = arith.index_cast %mul3A_370 : i32 to index
      %get3A_372 = tpu.vector_load %arg4[%get3A_371] {strides = array<i32>} : memref<5000xi32, #tpu.memory_space<vmem>>, vector<16xi32>,
      %broadcast_in_dim3A_373 = arith.constant true
      %broadcast_in_dim3A_374 = vector.broadcast %broadcast_in_dim3A_373 : i1 to vector<16xi1>
      %unique3A_375, %unique3A_376 = tpu.scan_count mask(%broadcast_in_dim3A_374 : vector<16xi1>) value(%get3A_372 : vector<16xi32>) : vector<16xi1>, vector<16xi32>
      %convert_element_type3A_377 = arith.sitofp %unique3A_376 : vector<16xi32> to vector<16xf32>
      tpu.vector_store_idx %arg5[%get3A_372], %convert_element_type3A_377 masked %unique3A_375 {add = true} : memref<10240xf32, #tpu.memory_space<vmem>>[vector<16xi32>], vector<16xf32>, vector<16xi1>
    }
    %scan3A_14 = arith.constant 312 : i32
    %iota3A = tpu.iota {dimensions = array<i32: 0>} : vector<16xi32>
    %get3A = arith.constant 4984 : index
    %get3A_15 = tpu.vector_load %arg4[%get3A] {strides = array<i32>} : memref<5000xi32, #tpu.memory_space<vmem>>, vector<16xi32>,
    %ge3A = arith.constant 8 : i32
    %ge3A_16 = vector.broadcast %ge3A : i32 to vector<16xi32>
    %ge3A_17 = arith.cmpi sge, %iota3A, %ge3A_16 : vector<16xi32>
    %unique3A, %unique3A_18 = tpu.scan_count mask(%ge3A_17 : vector<16xi1>) value(%get3A_15 : vector<16xi32>) : vector<16xi1>, vector<16xi32>
    %convert_element_type3A = arith.sitofp %unique3A_18 : vector<16xi32> to vector<16xf32>
    %and3A = arith.andi %unique3A, %ge3A_17 : vector<16xi1>
    tpu.vector_store_idx %arg5[%get3A_15], %convert_element_type3A masked %and3A {add = true} : memref<10240xf32, #tpu.memory_space<vmem>>[vector<16xi32>], vector<16xf32>, vector<16xi1>
    %mul3A_19 = arith.constant 10240 : i32
    %mul3A_20 = arith.muli %arg1, %mul3A_19 : i32
    "tpu.region"() ({
      %run_scoped3A = tpu.sem_alloc : memref<!tpu.dma_semaphore, #tpu.memory_space<semaphore_mem>>
      %dma_start3A = tpu.memref_slice %arg8[%mul3A_20] : memref<163840xf32, #tpu.memory_space<vmem_shared>> -> memref<10240xf32, #tpu.memory_space<vmem_shared>>
      %dma_start3A_364 = tpu.memref_slice %arg8[%mul3A_20] : memref<163840xf32, #tpu.memory_space<vmem_shared>> -> memref<10240xf32, #tpu.memory_space<vmem_shared>>
      tpu.enqueue_dma source(%arg5 : memref<10240xf32, #tpu.memory_space<vmem>>) target(%dma_start3A_364 : memref<10240xf32, #tpu.memory_space<vmem_shared>>) target_semaphore(%run_scoped3A : memref<!tpu.dma_semaphore, #tpu.memory_space<semaphore_mem>>)
      %dma_wait3A = tpu.memref_slice %arg8[%mul3A_20] : memref<163840xf32, #tpu.memory_space<vmem_shared>> -> memref<10240xf32, #tpu.memory_space<vmem_shared>>
      %dma_wait3A_365 = tpu.memref_slice %arg8[%mul3A_20] : memref<163840xf32, #tpu.memory_space<vmem_shared>> -> memref<10240xf32, #tpu.memory_space<vmem_shared>>
      tpu.wait_dma2 semaphore(%run_scoped3A : memref<!tpu.dma_semaphore, #tpu.memory_space<semaphore_mem>>) src(%arg5 : memref<10240xf32, #tpu.memory_space<vmem>>) dst(%dma_wait3A_365 : memref<10240xf32, #tpu.memory_space<vmem_shared>>)
      tpu.yield
    }) : () -> ()
    %barrier3A = arith.constant 0 : index
    tpu.barrier barrier_id(%barrier3A)
    %scan3A_21 = arith.constant 0 : i32
    %scan3A_22 = arith.constant 40 : i32
    %scan3A_23 = arith.addi %scan3A_21, %scan3A_22 : i32
    %scan3A_24 = arith.constant 1 : i32
    scf.for %scan3A_364 = %scan3A_21 to %scan3A_23 step %scan3A_24  : i32 {
      %mul3A_365 = arith.constant 1 : i32
      %mul3A_366 = arith.muli %scan3A_364, %mul3A_365 : i32
      %add3A_367 = arith.constant 0 : i32
      %add3A_368 = arith.addi %add3A_367, %mul3A_366 : i32
      %mul3A_369 = arith.constant 16 : i32
      %mul3A_370 = arith.muli %add3A_368, %mul3A_369 : i32
      %swap3A = arith.index_cast %mul3A_370 : i32 to index
      %swap3A_371 = tpu.vector_load %arg6[%swap3A] {strides = array<i32>} : memref<640xf32, #tpu.memory_space<vmem>>, vector<16xf32>,
      tpu.vector_store %arg6[%swap3A], %broadcast_in_dim3A_5 {strides = array<i32>} : memref<640xf32, #tpu.memory_space<vmem>>, vector<16xf32>,
    }
    %scan3A_25 = arith.constant 40 : i32
    %mul3A_26 = arith.constant 640 : i32
    %mul3A_27 = arith.muli %arg1, %mul3A_26 : i32
    %add3A_28 = arith.constant 0 : i32
    %add3A_29 = arith.addi %add3A_28, %mul3A_27 : i32
    "tpu.region"() ({
      %run_scoped3A = tpu.sem_alloc : memref<!tpu.dma_semaphore, #tpu.memory_space<semaphore_mem>>
      %dma_start3A = tpu.memref_slice %arg8[%add3A_29] : memref<163840xf32, #tpu.memory_space<vmem_shared>> -> memref<640xf32, #tpu.memory_space<vmem_shared>>
      %dma_start3A_364 = tpu.memref_slice %arg8[%add3A_29] : memref<163840xf32, #tpu.memory_space<vmem_shared>> -> memref<640xf32, #tpu.memory_space<vmem_shared>>
      tpu.enqueue_dma source(%dma_start3A_364 : memref<640xf32, #tpu.memory_space<vmem_shared>>) target(%arg7 : memref<640xf32, #tpu.memory_space<vmem>>) target_semaphore(%run_scoped3A : memref<!tpu.dma_semaphore, #tpu.memory_space<semaphore_mem>>)
      %dma_wait3A = tpu.memref_slice %arg8[%add3A_29] : memref<163840xf32, #tpu.memory_space<vmem_shared>> -> memref<640xf32, #tpu.memory_space<vmem_shared>>
      %dma_wait3A_365 = tpu.memref_slice %arg8[%add3A_29] : memref<163840xf32, #tpu.memory_space<vmem_shared>> -> memref<640xf32, #tpu.memory_space<vmem_shared>>
      tpu.wait_dma2 semaphore(%run_scoped3A : memref<!tpu.dma_semaphore, #tpu.memory_space<semaphore_mem>>) src(%dma_wait3A_365 : memref<640xf32, #tpu.memory_space<vmem_shared>>) dst(%arg7 : memref<640xf32, #tpu.memory_space<vmem>>)
      tpu.yield
    }) : () -> ()
    %scan3A_30 = arith.constant 0 : i32
    %scan3A_31 = arith.constant 40 : i32
    %scan3A_32 = arith.addi %scan3A_30, %scan3A_31 : i32
    %scan3A_33 = arith.constant 1 : i32
    scf.for %scan3A_364 = %scan3A_30 to %scan3A_32 step %scan3A_33  : i32 {
      %mul3A_365 = arith.constant 1 : i32
      %mul3A_366 = arith.muli %scan3A_364, %mul3A_365 : i32
      %add3A_367 = arith.constant 0 : i32
      %add3A_368 = arith.addi %add3A_367, %mul3A_366 : i32
      %mul3A_369 = arith.constant 16 : i32
      %mul3A_370 = arith.muli %add3A_368, %mul3A_369 : i32
      %get3A_371 = arith.index_cast %mul3A_370 : i32 to index
      %get3A_372 = tpu.vector_load %arg6[%get3A_371] {strides = array<i32>} : memref<640xf32, #tpu.memory_space<vmem>>, vector<16xf32>,
      %mul3A_373 = arith.constant 16 : i32
      %mul3A_374 = arith.muli %add3A_368, %mul3A_373 : i32
      %get3A_375 = arith.index_cast %mul3A_374 : i32 to index
      %get3A_376 = tpu.vector_load %arg7[%get3A_375] {strides = array<i32>} : memref<640xf32, #tpu.memory_space<vmem>>, vector<16xf32>,
      %add3A_377 = arith.addf %get3A_372, %get3A_376 : vector<16xf32>
      %mul3A_378 = arith.constant 16 : i32
      %mul3A_379 = arith.muli %add3A_368, %mul3A_378 : i32
      %swap3A = arith.index_cast %mul3A_379 : i32 to index
      %swap3A_380 = tpu.vector_load %arg6[%swap3A] {strides = array<i32>} : memref<640xf32, #tpu.memory_space<vmem>>, vector<16xf32>,
      tpu.vector_store %arg6[%swap3A], %add3A_377 {strides = array<i32>} : memref<640xf32, #tpu.memory_space<vmem>>, vector<16xf32>,
    }
    %scan3A_34 = arith.constant 40 : i32
    %mul3A_35 = arith.constant 640 : i32
    %mul3A_36 = arith.muli %arg1, %mul3A_35 : i32
    %add3A_37 = arith.constant 10240 : i32
    %add3A_38 = arith.addi %add3A_37, %mul3A_36 : i32
    "tpu.region"() ({
      %run_scoped3A = tpu.sem_alloc : memref<!tpu.dma_semaphore, #tpu.memory_space<semaphore_mem>>
      %dma_start3A = tpu.memref_slice %arg8[%add3A_38] : memref<163840xf32, #tpu.memory_space<vmem_shared>> -> memref<640xf32, #tpu.memory_space<vmem_shared>>
      %dma_start3A_364 = tpu.memref_slice %arg8[%add3A_38] : memref<163840xf32, #tpu.memory_space<vmem_shared>> -> memref<640xf32, #tpu.memory_space<vmem_shared>>
      tpu.enqueue_dma source(%dma_start3A_364 : memref<640xf32, #tpu.memory_space<vmem_shared>>) target(%arg7 : memref<640xf32, #tpu.memory_space<vmem>>) target_semaphore(%run_scoped3A : memref<!tpu.dma_semaphore, #tpu.memory_space<semaphore_mem>>)
      %dma_wait3A = tpu.memref_slice %arg8[%add3A_38] : memref<163840xf32, #tpu.memory_space<vmem_shared>> -> memref<640xf32, #tpu.memory_space<vmem_shared>>
      %dma_wait3A_365 = tpu.memref_slice %arg8[%add3A_38] : memref<163840xf32, #tpu.memory_space<vmem_shared>> -> memref<640xf32, #tpu.memory_space<vmem_shared>>
      tpu.wait_dma2 semaphore(%run_scoped3A : memref<!tpu.dma_semaphore, #tpu.memory_space<semaphore_mem>>) src(%dma_wait3A_365 : memref<640xf32, #tpu.memory_space<vmem_shared>>) dst(%arg7 : memref<640xf32, #tpu.memory_space<vmem>>)
      tpu.yield
    }) : () -> ()
    %scan3A_39 = arith.constant 0 : i32
    %scan3A_40 = arith.constant 40 : i32
    %scan3A_41 = arith.addi %scan3A_39, %scan3A_40 : i32
    %scan3A_42 = arith.constant 1 : i32
    scf.for %scan3A_364 = %scan3A_39 to %scan3A_41 step %scan3A_42  : i32 {
      %mul3A_365 = arith.constant 1 : i32
      %mul3A_366 = arith.muli %scan3A_364, %mul3A_365 : i32
      %add3A_367 = arith.constant 0 : i32
      %add3A_368 = arith.addi %add3A_367, %mul3A_366 : i32
      %mul3A_369 = arith.constant 16 : i32
      %mul3A_370 = arith.muli %add3A_368, %mul3A_369 : i32
      %get3A_371 = arith.index_cast %mul3A_370 : i32 to index
      %get3A_372 = tpu.vector_load %arg6[%get3A_371] {strides = array<i32>} : memref<640xf32, #tpu.memory_space<vmem>>, vector<16xf32>,
      %mul3A_373 = arith.constant 16 : i32
      %mul3A_374 = arith.muli %add3A_368, %mul3A_373 : i32
      %get3A_375 = arith.index_cast %mul3A_374 : i32 to index
      %get3A_376 = tpu.vector_load %arg7[%get3A_375] {strides = array<i32>} : memref<640xf32, #tpu.memory_space<vmem>>, vector<16xf32>,
      %add3A_377 = arith.addf %get3A_372, %get3A_376 : vector<16xf32>
      %mul3A_378 = arith.constant 16 : i32
      %mul3A_379 = arith.muli %add3A_368, %mul3A_378 : i32
      %swap3A = arith.index_cast %mul3A_379 : i32 to index
      %swap3A_380 = tpu.vector_load %arg6[%swap3A] {strides = array<i32>} : memref<640xf32, #tpu.memory_space<vmem>>, vector<16xf32>,
      tpu.vector_store %arg6[%swap3A], %add3A_377 {strides = array<i32>} : memref<640xf32, #tpu.memory_space<vmem>>, vector<16xf32>,
    }
    %scan3A_43 = arith.constant 40 : i32
    %mul3A_44 = arith.constant 640 : i32
    %mul3A_45 = arith.muli %arg1, %mul3A_44 : i32
    %add3A_46 = arith.constant 20480 : i32
    %add3A_47 = arith.addi %add3A_46, %mul3A_45 : i32
    "tpu.region"() ({
      %run_scoped3A = tpu.sem_alloc : memref<!tpu.dma_semaphore, #tpu.memory_space<semaphore_mem>>
      %dma_start3A = tpu.memref_slice %arg8[%add3A_47] : memref<163840xf32, #tpu.memory_space<vmem_shared>> -> memref<640xf32, #tpu.memory_space<vmem_shared>>
      %dma_start3A_364 = tpu.memref_slice %arg8[%add3A_47] : memref<163840xf32, #tpu.memory_space<vmem_shared>> -> memref<640xf32, #tpu.memory_space<vmem_shared>>
      tpu.enqueue_dma source(%dma_start3A_364 : memref<640xf32, #tpu.memory_space<vmem_shared>>) target(%arg7 : memref<640xf32, #tpu.memory_space<vmem>>) target_semaphore(%run_scoped3A : memref<!tpu.dma_semaphore, #tpu.memory_space<semaphore_mem>>)
      %dma_wait3A = tpu.memref_slice %arg8[%add3A_47] : memref<163840xf32, #tpu.memory_space<vmem_shared>> -> memref<640xf32, #tpu.memory_space<vmem_shared>>
      %dma_wait3A_365 = tpu.memref_slice %arg8[%add3A_47] : memref<163840xf32, #tpu.memory_space<vmem_shared>> -> memref<640xf32, #tpu.memory_space<vmem_shared>>
      tpu.wait_dma2 semaphore(%run_scoped3A : memref<!tpu.dma_semaphore, #tpu.memory_space<semaphore_mem>>) src(%dma_wait3A_365 : memref<640xf32, #tpu.memory_space<vmem_shared>>) dst(%arg7 : memref<640xf32, #tpu.memory_space<vmem>>)
      tpu.yield
    }) : () -> ()
    %scan3A_48 = arith.constant 0 : i32
    %scan3A_49 = arith.constant 40 : i32
    %scan3A_50 = arith.addi %scan3A_48, %scan3A_49 : i32
    %scan3A_51 = arith.constant 1 : i32
    scf.for %scan3A_364 = %scan3A_48 to %scan3A_50 step %scan3A_51  : i32 {
      %mul3A_365 = arith.constant 1 : i32
      %mul3A_366 = arith.muli %scan3A_364, %mul3A_365 : i32
      %add3A_367 = arith.constant 0 : i32
      %add3A_368 = arith.addi %add3A_367, %mul3A_366 : i32
      %mul3A_369 = arith.constant 16 : i32
      %mul3A_370 = arith.muli %add3A_368, %mul3A_369 : i32
      %get3A_371 = arith.index_cast %mul3A_370 : i32 to index
      %get3A_372 = tpu.vector_load %arg6[%get3A_371] {strides = array<i32>} : memref<640xf32, #tpu.memory_space<vmem>>, vector<16xf32>,
      %mul3A_373 = arith.constant 16 : i32
      %mul3A_374 = arith.muli %add3A_368, %mul3A_373 : i32
      %get3A_375 = arith.index_cast %mul3A_374 : i32 to index
      %get3A_376 = tpu.vector_load %arg7[%get3A_375] {strides = array<i32>} : memref<640xf32, #tpu.memory_space<vmem>>, vector<16xf32>,
      %add3A_377 = arith.addf %get3A_372, %get3A_376 : vector<16xf32>
      %mul3A_378 = arith.constant 16 : i32
      %mul3A_379 = arith.muli %add3A_368, %mul3A_378 : i32
      %swap3A = arith.index_cast %mul3A_379 : i32 to index
      %swap3A_380 = tpu.vector_load %arg6[%swap3A] {strides = array<i32>} : memref<640xf32, #tpu.memory_space<vmem>>, vector<16xf32>,
      tpu.vector_store %arg6[%swap3A], %add3A_377 {strides = array<i32>} : memref<640xf32, #tpu.memory_space<vmem>>, vector<16xf32>,
    }
    %scan3A_52 = arith.constant 40 : i32
    %mul3A_53 = arith.constant 640 : i32
    %mul3A_54 = arith.muli %arg1, %mul3A_53 : i32
    %add3A_55 = arith.constant 30720 : i32
    %add3A_56 = arith.addi %add3A_55, %mul3A_54 : i32
    "tpu.region"() ({
      %run_scoped3A = tpu.sem_alloc : memref<!tpu.dma_semaphore, #tpu.memory_space<semaphore_mem>>
      %dma_start3A = tpu.memref_slice %arg8[%add3A_56] : memref<163840xf32, #tpu.memory_space<vmem_shared>> -> memref<640xf32, #tpu.memory_space<vmem_shared>>
      %dma_start3A_364 = tpu.memref_slice %arg8[%add3A_56] : memref<163840xf32, #tpu.memory_space<vmem_shared>> -> memref<640xf32, #tpu.memory_space<vmem_shared>>
      tpu.enqueue_dma source(%dma_start3A_364 : memref<640xf32, #tpu.memory_space<vmem_shared>>) target(%arg7 : memref<640xf32, #tpu.memory_space<vmem>>) target_semaphore(%run_scoped3A : memref<!tpu.dma_semaphore, #tpu.memory_space<semaphore_mem>>)
      %dma_wait3A = tpu.memref_slice %arg8[%add3A_56] : memref<163840xf32, #tpu.memory_space<vmem_shared>> -> memref<640xf32, #tpu.memory_space<vmem_shared>>
      %dma_wait3A_365 = tpu.memref_slice %arg8[%add3A_56] : memref<163840xf32, #tpu.memory_space<vmem_shared>> -> memref<640xf32, #tpu.memory_space<vmem_shared>>
      tpu.wait_dma2 semaphore(%run_scoped3A : memref<!tpu.dma_semaphore, #tpu.memory_space<semaphore_mem>>) src(%dma_wait3A_365 : memref<640xf32, #tpu.memory_space<vmem_shared>>) dst(%arg7 : memref<640xf32, #tpu.memory_space<vmem>>)
      tpu.yield
    }) : () -> ()
    %scan3A_57 = arith.constant 0 : i32
    %scan3A_58 = arith.constant 40 : i32
    %scan3A_59 = arith.addi %scan3A_57, %scan3A_58 : i32
    %scan3A_60 = arith.constant 1 : i32
    scf.for %scan3A_364 = %scan3A_57 to %scan3A_59 step %scan3A_60  : i32 {
      %mul3A_365 = arith.constant 1 : i32
      %mul3A_366 = arith.muli %scan3A_364, %mul3A_365 : i32
      %add3A_367 = arith.constant 0 : i32
      %add3A_368 = arith.addi %add3A_367, %mul3A_366 : i32
      %mul3A_369 = arith.constant 16 : i32
      %mul3A_370 = arith.muli %add3A_368, %mul3A_369 : i32
      %get3A_371 = arith.index_cast %mul3A_370 : i32 to index
      %get3A_372 = tpu.vector_load %arg6[%get3A_371] {strides = array<i32>} : memref<640xf32, #tpu.memory_space<vmem>>, vector<16xf32>,
      %mul3A_373 = arith.constant 16 : i32
      %mul3A_374 = arith.muli %add3A_368, %mul3A_373 : i32
      %get3A_375 = arith.index_cast %mul3A_374 : i32 to index
      %get3A_376 = tpu.vector_load %arg7[%get3A_375] {strides = array<i32>} : memref<640xf32, #tpu.memory_space<vmem>>, vector<16xf32>,
      %add3A_377 = arith.addf %get3A_372, %get3A_376 : vector<16xf32>
      %mul3A_378 = arith.constant 16 : i32
      %mul3A_379 = arith.muli %add3A_368, %mul3A_378 : i32
      %swap3A = arith.index_cast %mul3A_379 : i32 to index
      %swap3A_380 = tpu.vector_load %arg6[%swap3A] {strides = array<i32>} : memref<640xf32, #tpu.memory_space<vmem>>, vector<16xf32>,
      tpu.vector_store %arg6[%swap3A], %add3A_377 {strides = array<i32>} : memref<640xf32, #tpu.memory_space<vmem>>, vector<16xf32>,
    }
    %scan3A_61 = arith.constant 40 : i32
    %mul3A_62 = arith.constant 640 : i32
    %mul3A_63 = arith.muli %arg1, %mul3A_62 : i32
    %add3A_64 = arith.constant 40960 : i32
    %add3A_65 = arith.addi %add3A_64, %mul3A_63 : i32
    "tpu.region"() ({
      %run_scoped3A = tpu.sem_alloc : memref<!tpu.dma_semaphore, #tpu.memory_space<semaphore_mem>>
      %dma_start3A = tpu.memref_slice %arg8[%add3A_65] : memref<163840xf32, #tpu.memory_space<vmem_shared>> -> memref<640xf32, #tpu.memory_space<vmem_shared>>
      %dma_start3A_364 = tpu.memref_slice %arg8[%add3A_65] : memref<163840xf32, #tpu.memory_space<vmem_shared>> -> memref<640xf32, #tpu.memory_space<vmem_shared>>
      tpu.enqueue_dma source(%dma_start3A_364 : memref<640xf32, #tpu.memory_space<vmem_shared>>) target(%arg7 : memref<640xf32, #tpu.memory_space<vmem>>) target_semaphore(%run_scoped3A : memref<!tpu.dma_semaphore, #tpu.memory_space<semaphore_mem>>)
      %dma_wait3A = tpu.memref_slice %arg8[%add3A_65] : memref<163840xf32, #tpu.memory_space<vmem_shared>> -> memref<640xf32, #tpu.memory_space<vmem_shared>>
      %dma_wait3A_365 = tpu.memref_slice %arg8[%add3A_65] : memref<163840xf32, #tpu.memory_space<vmem_shared>> -> memref<640xf32, #tpu.memory_space<vmem_shared>>
      tpu.wait_dma2 semaphore(%run_scoped3A : memref<!tpu.dma_semaphore, #tpu.memory_space<semaphore_mem>>) src(%dma_wait3A_365 : memref<640xf32, #tpu.memory_space<vmem_shared>>) dst(%arg7 : memref<640xf32, #tpu.memory_space<vmem>>)
      tpu.yield
    }) : () -> ()
    %scan3A_66 = arith.constant 0 : i32
    %scan3A_67 = arith.constant 40 : i32
    %scan3A_68 = arith.addi %scan3A_66, %scan3A_67 : i32
    %scan3A_69 = arith.constant 1 : i32
    scf.for %scan3A_364 = %scan3A_66 to %scan3A_68 step %scan3A_69  : i32 {
      %mul3A_365 = arith.constant 1 : i32
      %mul3A_366 = arith.muli %scan3A_364, %mul3A_365 : i32
      %add3A_367 = arith.constant 0 : i32
      %add3A_368 = arith.addi %add3A_367, %mul3A_366 : i32
      %mul3A_369 = arith.constant 16 : i32
      %mul3A_370 = arith.muli %add3A_368, %mul3A_369 : i32
      %get3A_371 = arith.index_cast %mul3A_370 : i32 to index
      %get3A_372 = tpu.vector_load %arg6[%get3A_371] {strides = array<i32>} : memref<640xf32, #tpu.memory_space<vmem>>, vector<16xf32>,
      %mul3A_373 = arith.constant 16 : i32
      %mul3A_374 = arith.muli %add3A_368, %mul3A_373 : i32
      %get3A_375 = arith.index_cast %mul3A_374 : i32 to index
      %get3A_376 = tpu.vector_load %arg7[%get3A_375] {strides = array<i32>} : memref<640xf32, #tpu.memory_space<vmem>>, vector<16xf32>,
      %add3A_377 = arith.addf %get3A_372, %get3A_376 : vector<16xf32>
      %mul3A_378 = arith.constant 16 : i32
      %mul3A_379 = arith.muli %add3A_368, %mul3A_378 : i32
      %swap3A = arith.index_cast %mul3A_379 : i32 to index
      %swap3A_380 = tpu.vector_load %arg6[%swap3A] {strides = array<i32>} : memref<640xf32, #tpu.memory_space<vmem>>, vector<16xf32>,
      tpu.vector_store %arg6[%swap3A], %add3A_377 {strides = array<i32>} : memref<640xf32, #tpu.memory_space<vmem>>, vector<16xf32>,
    }
    %scan3A_70 = arith.constant 40 : i32
    %mul3A_71 = arith.constant 640 : i32
    %mul3A_72 = arith.muli %arg1, %mul3A_71 : i32
    %add3A_73 = arith.constant 51200 : i32
    %add3A_74 = arith.addi %add3A_73, %mul3A_72 : i32
    "tpu.region"() ({
      %run_scoped3A = tpu.sem_alloc : memref<!tpu.dma_semaphore, #tpu.memory_space<semaphore_mem>>
      %dma_start3A = tpu.memref_slice %arg8[%add3A_74] : memref<163840xf32, #tpu.memory_space<vmem_shared>> -> memref<640xf32, #tpu.memory_space<vmem_shared>>
      %dma_start3A_364 = tpu.memref_slice %arg8[%add3A_74] : memref<163840xf32, #tpu.memory_space<vmem_shared>> -> memref<640xf32, #tpu.memory_space<vmem_shared>>
      tpu.enqueue_dma source(%dma_start3A_364 : memref<640xf32, #tpu.memory_space<vmem_shared>>) target(%arg7 : memref<640xf32, #tpu.memory_space<vmem>>) target_semaphore(%run_scoped3A : memref<!tpu.dma_semaphore, #tpu.memory_space<semaphore_mem>>)
      %dma_wait3A = tpu.memref_slice %arg8[%add3A_74] : memref<163840xf32, #tpu.memory_space<vmem_shared>> -> memref<640xf32, #tpu.memory_space<vmem_shared>>
      %dma_wait3A_365 = tpu.memref_slice %arg8[%add3A_74] : memref<163840xf32, #tpu.memory_space<vmem_shared>> -> memref<640xf32, #tpu.memory_space<vmem_shared>>
      tpu.wait_dma2 semaphore(%run_scoped3A : memref<!tpu.dma_semaphore, #tpu.memory_space<semaphore_mem>>) src(%dma_wait3A_365 : memref<640xf32, #tpu.memory_space<vmem_shared>>) dst(%arg7 : memref<640xf32, #tpu.memory_space<vmem>>)
      tpu.yield
    }) : () -> ()
    %scan3A_75 = arith.constant 0 : i32
    %scan3A_76 = arith.constant 40 : i32
    %scan3A_77 = arith.addi %scan3A_75, %scan3A_76 : i32
    %scan3A_78 = arith.constant 1 : i32
    scf.for %scan3A_364 = %scan3A_75 to %scan3A_77 step %scan3A_78  : i32 {
      %mul3A_365 = arith.constant 1 : i32
      %mul3A_366 = arith.muli %scan3A_364, %mul3A_365 : i32
      %add3A_367 = arith.constant 0 : i32
      %add3A_368 = arith.addi %add3A_367, %mul3A_366 : i32
      %mul3A_369 = arith.constant 16 : i32
      %mul3A_370 = arith.muli %add3A_368, %mul3A_369 : i32
      %get3A_371 = arith.index_cast %mul3A_370 : i32 to index
      %get3A_372 = tpu.vector_load %arg6[%get3A_371] {strides = array<i32>} : memref<640xf32, #tpu.memory_space<vmem>>, vector<16xf32>,
      %mul3A_373 = arith.constant 16 : i32
      %mul3A_374 = arith.muli %add3A_368, %mul3A_373 : i32
      %get3A_375 = arith.index_cast %mul3A_374 : i32 to index
      %get3A_376 = tpu.vector_load %arg7[%get3A_375] {strides = array<i32>} : memref<640xf32, #tpu.memory_space<vmem>>, vector<16xf32>,
      %add3A_377 = arith.addf %get3A_372, %get3A_376 : vector<16xf32>
      %mul3A_378 = arith.constant 16 : i32
      %mul3A_379 = arith.muli %add3A_368, %mul3A_378 : i32
      %swap3A = arith.index_cast %mul3A_379 : i32 to index
      %swap3A_380 = tpu.vector_load %arg6[%swap3A] {strides = array<i32>} : memref<640xf32, #tpu.memory_space<vmem>>, vector<16xf32>,
      tpu.vector_store %arg6[%swap3A], %add3A_377 {strides = array<i32>} : memref<640xf32, #tpu.memory_space<vmem>>, vector<16xf32>,
    }
    %scan3A_79 = arith.constant 40 : i32
    %mul3A_80 = arith.constant 640 : i32
    %mul3A_81 = arith.muli %arg1, %mul3A_80 : i32
    %add3A_82 = arith.constant 61440 : i32
    %add3A_83 = arith.addi %add3A_82, %mul3A_81 : i32
    "tpu.region"() ({
      %run_scoped3A = tpu.sem_alloc : memref<!tpu.dma_semaphore, #tpu.memory_space<semaphore_mem>>
      %dma_start3A = tpu.memref_slice %arg8[%add3A_83] : memref<163840xf32, #tpu.memory_space<vmem_shared>> -> memref<640xf32, #tpu.memory_space<vmem_shared>>
      %dma_start3A_364 = tpu.memref_slice %arg8[%add3A_83] : memref<163840xf32, #tpu.memory_space<vmem_shared>> -> memref<640xf32, #tpu.memory_space<vmem_shared>>
      tpu.enqueue_dma source(%dma_start3A_364 : memref<640xf32, #tpu.memory_space<vmem_shared>>) target(%arg7 : memref<640xf32, #tpu.memory_space<vmem>>) target_semaphore(%run_scoped3A : memref<!tpu.dma_semaphore, #tpu.memory_space<semaphore_mem>>)
      %dma_wait3A = tpu.memref_slice %arg8[%add3A_83] : memref<163840xf32, #tpu.memory_space<vmem_shared>> -> memref<640xf32, #tpu.memory_space<vmem_shared>>
      %dma_wait3A_365 = tpu.memref_slice %arg8[%add3A_83] : memref<163840xf32, #tpu.memory_space<vmem_shared>> -> memref<640xf32, #tpu.memory_space<vmem_shared>>
      tpu.wait_dma2 semaphore(%run_scoped3A : memref<!tpu.dma_semaphore, #tpu.memory_space<semaphore_mem>>) src(%dma_wait3A_365 : memref<640xf32, #tpu.memory_space<vmem_shared>>) dst(%arg7 : memref<640xf32, #tpu.memory_space<vmem>>)
      tpu.yield
    }) : () -> ()
    %scan3A_84 = arith.constant 0 : i32
    %scan3A_85 = arith.constant 40 : i32
    %scan3A_86 = arith.addi %scan3A_84, %scan3A_85 : i32
    %scan3A_87 = arith.constant 1 : i32
    scf.for %scan3A_364 = %scan3A_84 to %scan3A_86 step %scan3A_87  : i32 {
      %mul3A_365 = arith.constant 1 : i32
      %mul3A_366 = arith.muli %scan3A_364, %mul3A_365 : i32
      %add3A_367 = arith.constant 0 : i32
      %add3A_368 = arith.addi %add3A_367, %mul3A_366 : i32
      %mul3A_369 = arith.constant 16 : i32
      %mul3A_370 = arith.muli %add3A_368, %mul3A_369 : i32
      %get3A_371 = arith.index_cast %mul3A_370 : i32 to index
      %get3A_372 = tpu.vector_load %arg6[%get3A_371] {strides = array<i32>} : memref<640xf32, #tpu.memory_space<vmem>>, vector<16xf32>,
      %mul3A_373 = arith.constant 16 : i32
      %mul3A_374 = arith.muli %add3A_368, %mul3A_373 : i32
      %get3A_375 = arith.index_cast %mul3A_374 : i32 to index
      %get3A_376 = tpu.vector_load %arg7[%get3A_375] {strides = array<i32>} : memref<640xf32, #tpu.memory_space<vmem>>, vector<16xf32>,
      %add3A_377 = arith.addf %get3A_372, %get3A_376 : vector<16xf32>
      %mul3A_378 = arith.constant 16 : i32
      %mul3A_379 = arith.muli %add3A_368, %mul3A_378 : i32
      %swap3A = arith.index_cast %mul3A_379 : i32 to index
      %swap3A_380 = tpu.vector_load %arg6[%swap3A] {strides = array<i32>} : memref<640xf32, #tpu.memory_space<vmem>>, vector<16xf32>,
      tpu.vector_store %arg6[%swap3A], %add3A_377 {strides = array<i32>} : memref<640xf32, #tpu.memory_space<vmem>>, vector<16xf32>,
    }
    %scan3A_88 = arith.constant 40 : i32
    %mul3A_89 = arith.constant 640 : i32
    %mul3A_90 = arith.muli %arg1, %mul3A_89 : i32
    %add3A_91 = arith.constant 71680 : i32
    %add3A_92 = arith.addi %add3A_91, %mul3A_90 : i32
    "tpu.region"() ({
      %run_scoped3A = tpu.sem_alloc : memref<!tpu.dma_semaphore, #tpu.memory_space<semaphore_mem>>
      %dma_start3A = tpu.memref_slice %arg8[%add3A_92] : memref<163840xf32, #tpu.memory_space<vmem_shared>> -> memref<640xf32, #tpu.memory_space<vmem_shared>>
      %dma_start3A_364 = tpu.memref_slice %arg8[%add3A_92] : memref<163840xf32, #tpu.memory_space<vmem_shared>> -> memref<640xf32, #tpu.memory_space<vmem_shared>>
      tpu.enqueue_dma source(%dma_start3A_364 : memref<640xf32, #tpu.memory_space<vmem_shared>>) target(%arg7 : memref<640xf32, #tpu.memory_space<vmem>>) target_semaphore(%run_scoped3A : memref<!tpu.dma_semaphore, #tpu.memory_space<semaphore_mem>>)
      %dma_wait3A = tpu.memref_slice %arg8[%add3A_92] : memref<163840xf32, #tpu.memory_space<vmem_shared>> -> memref<640xf32, #tpu.memory_space<vmem_shared>>
      %dma_wait3A_365 = tpu.memref_slice %arg8[%add3A_92] : memref<163840xf32, #tpu.memory_space<vmem_shared>> -> memref<640xf32, #tpu.memory_space<vmem_shared>>
      tpu.wait_dma2 semaphore(%run_scoped3A : memref<!tpu.dma_semaphore, #tpu.memory_space<semaphore_mem>>) src(%dma_wait3A_365 : memref<640xf32, #tpu.memory_space<vmem_shared>>) dst(%arg7 : memref<640xf32, #tpu.memory_space<vmem>>)
      tpu.yield
    }) : () -> ()
    %scan3A_93 = arith.constant 0 : i32
    %scan3A_94 = arith.constant 40 : i32
    %scan3A_95 = arith.addi %scan3A_93, %scan3A_94 : i32
    %scan3A_96 = arith.constant 1 : i32
    scf.for %scan3A_364 = %scan3A_93 to %scan3A_95 step %scan3A_96  : i32 {
      %mul3A_365 = arith.constant 1 : i32
      %mul3A_366 = arith.muli %scan3A_364, %mul3A_365 : i32
      %add3A_367 = arith.constant 0 : i32
      %add3A_368 = arith.addi %add3A_367, %mul3A_366 : i32
      %mul3A_369 = arith.constant 16 : i32
      %mul3A_370 = arith.muli %add3A_368, %mul3A_369 : i32
      %get3A_371 = arith.index_cast %mul3A_370 : i32 to index
      %get3A_372 = tpu.vector_load %arg6[%get3A_371] {strides = array<i32>} : memref<640xf32, #tpu.memory_space<vmem>>, vector<16xf32>,
      %mul3A_373 = arith.constant 16 : i32
      %mul3A_374 = arith.muli %add3A_368, %mul3A_373 : i32
      %get3A_375 = arith.index_cast %mul3A_374 : i32 to index
      %get3A_376 = tpu.vector_load %arg7[%get3A_375] {strides = array<i32>} : memref<640xf32, #tpu.memory_space<vmem>>, vector<16xf32>,
      %add3A_377 = arith.addf %get3A_372, %get3A_376 : vector<16xf32>
      %mul3A_378 = arith.constant 16 : i32
      %mul3A_379 = arith.muli %add3A_368, %mul3A_378 : i32
      %swap3A = arith.index_cast %mul3A_379 : i32 to index
      %swap3A_380 = tpu.vector_load %arg6[%swap3A] {strides = array<i32>} : memref<640xf32, #tpu.memory_space<vmem>>, vector<16xf32>,
      tpu.vector_store %arg6[%swap3A], %add3A_377 {strides = array<i32>} : memref<640xf32, #tpu.memory_space<vmem>>, vector<16xf32>,
    }
    %scan3A_97 = arith.constant 40 : i32
    %mul3A_98 = arith.constant 640 : i32
    %mul3A_99 = arith.muli %arg1, %mul3A_98 : i32
    %add3A_100 = arith.constant 81920 : i32
    %add3A_101 = arith.addi %add3A_100, %mul3A_99 : i32
    "tpu.region"() ({
      %run_scoped3A = tpu.sem_alloc : memref<!tpu.dma_semaphore, #tpu.memory_space<semaphore_mem>>
      %dma_start3A = tpu.memref_slice %arg8[%add3A_101] : memref<163840xf32, #tpu.memory_space<vmem_shared>> -> memref<640xf32, #tpu.memory_space<vmem_shared>>
      %dma_start3A_364 = tpu.memref_slice %arg8[%add3A_101] : memref<163840xf32, #tpu.memory_space<vmem_shared>> -> memref<640xf32, #tpu.memory_space<vmem_shared>>
      tpu.enqueue_dma source(%dma_start3A_364 : memref<640xf32, #tpu.memory_space<vmem_shared>>) target(%arg7 : memref<640xf32, #tpu.memory_space<vmem>>) target_semaphore(%run_scoped3A : memref<!tpu.dma_semaphore, #tpu.memory_space<semaphore_mem>>)
      %dma_wait3A = tpu.memref_slice %arg8[%add3A_101] : memref<163840xf32, #tpu.memory_space<vmem_shared>> -> memref<640xf32, #tpu.memory_space<vmem_shared>>
      %dma_wait3A_365 = tpu.memref_slice %arg8[%add3A_101] : memref<163840xf32, #tpu.memory_space<vmem_shared>> -> memref<640xf32, #tpu.memory_space<vmem_shared>>
      tpu.wait_dma2 semaphore(%run_scoped3A : memref<!tpu.dma_semaphore, #tpu.memory_space<semaphore_mem>>) src(%dma_wait3A_365 : memref<640xf32, #tpu.memory_space<vmem_shared>>) dst(%arg7 : memref<640xf32, #tpu.memory_space<vmem>>)
      tpu.yield
    }) : () -> ()
    %scan3A_102 = arith.constant 0 : i32
    %scan3A_103 = arith.constant 40 : i32
    %scan3A_104 = arith.addi %scan3A_102, %scan3A_103 : i32
    %scan3A_105 = arith.constant 1 : i32
    scf.for %scan3A_364 = %scan3A_102 to %scan3A_104 step %scan3A_105  : i32 {
      %mul3A_365 = arith.constant 1 : i32
      %mul3A_366 = arith.muli %scan3A_364, %mul3A_365 : i32
      %add3A_367 = arith.constant 0 : i32
      %add3A_368 = arith.addi %add3A_367, %mul3A_366 : i32
      %mul3A_369 = arith.constant 16 : i32
      %mul3A_370 = arith.muli %add3A_368, %mul3A_369 : i32
      %get3A_371 = arith.index_cast %mul3A_370 : i32 to index
      %get3A_372 = tpu.vector_load %arg6[%get3A_371] {strides = array<i32>} : memref<640xf32, #tpu.memory_space<vmem>>, vector<16xf32>,
      %mul3A_373 = arith.constant 16 : i32
      %mul3A_374 = arith.muli %add3A_368, %mul3A_373 : i32
      %get3A_375 = arith.index_cast %mul3A_374 : i32 to index
      %get3A_376 = tpu.vector_load %arg7[%get3A_375] {strides = array<i32>} : memref<640xf32, #tpu.memory_space<vmem>>, vector<16xf32>,
      %add3A_377 = arith.addf %get3A_372, %get3A_376 : vector<16xf32>
      %mul3A_378 = arith.constant 16 : i32
      %mul3A_379 = arith.muli %add3A_368, %mul3A_378 : i32
      %swap3A = arith.index_cast %mul3A_379 : i32 to index
      %swap3A_380 = tpu.vector_load %arg6[%swap3A] {strides = array<i32>} : memref<640xf32, #tpu.memory_space<vmem>>, vector<16xf32>,
      tpu.vector_store %arg6[%swap3A], %add3A_377 {strides = array<i32>} : memref<640xf32, #tpu.memory_space<vmem>>, vector<16xf32>,
    }
    %scan3A_106 = arith.constant 40 : i32
    %mul3A_107 = arith.constant 640 : i32
    %mul3A_108 = arith.muli %arg1, %mul3A_107 : i32
    %add3A_109 = arith.constant 92160 : i32
    %add3A_110 = arith.addi %add3A_109, %mul3A_108 : i32
    "tpu.region"() ({
      %run_scoped3A = tpu.sem_alloc : memref<!tpu.dma_semaphore, #tpu.memory_space<semaphore_mem>>
      %dma_start3A = tpu.memref_slice %arg8[%add3A_110] : memref<163840xf32, #tpu.memory_space<vmem_shared>> -> memref<640xf32, #tpu.memory_space<vmem_shared>>
      %dma_start3A_364 = tpu.memref_slice %arg8[%add3A_110] : memref<163840xf32, #tpu.memory_space<vmem_shared>> -> memref<640xf32, #tpu.memory_space<vmem_shared>>
      tpu.enqueue_dma source(%dma_start3A_364 : memref<640xf32, #tpu.memory_space<vmem_shared>>) target(%arg7 : memref<640xf32, #tpu.memory_space<vmem>>) target_semaphore(%run_scoped3A : memref<!tpu.dma_semaphore, #tpu.memory_space<semaphore_mem>>)
      %dma_wait3A = tpu.memref_slice %arg8[%add3A_110] : memref<163840xf32, #tpu.memory_space<vmem_shared>> -> memref<640xf32, #tpu.memory_space<vmem_shared>>
      %dma_wait3A_365 = tpu.memref_slice %arg8[%add3A_110] : memref<163840xf32, #tpu.memory_space<vmem_shared>> -> memref<640xf32, #tpu.memory_space<vmem_shared>>
      tpu.wait_dma2 semaphore(%run_scoped3A : memref<!tpu.dma_semaphore, #tpu.memory_space<semaphore_mem>>) src(%dma_wait3A_365 : memref<640xf32, #tpu.memory_space<vmem_shared>>) dst(%arg7 : memref<640xf32, #tpu.memory_space<vmem>>)
      tpu.yield
    }) : () -> ()
    %scan3A_111 = arith.constant 0 : i32
    %scan3A_112 = arith.constant 40 : i32
    %scan3A_113 = arith.addi %scan3A_111, %scan3A_112 : i32
    %scan3A_114 = arith.constant 1 : i32
    scf.for %scan3A_364 = %scan3A_111 to %scan3A_113 step %scan3A_114  : i32 {
      %mul3A_365 = arith.constant 1 : i32
      %mul3A_366 = arith.muli %scan3A_364, %mul3A_365 : i32
      %add3A_367 = arith.constant 0 : i32
      %add3A_368 = arith.addi %add3A_367, %mul3A_366 : i32
      %mul3A_369 = arith.constant 16 : i32
      %mul3A_370 = arith.muli %add3A_368, %mul3A_369 : i32
      %get3A_371 = arith.index_cast %mul3A_370 : i32 to index
      %get3A_372 = tpu.vector_load %arg6[%get3A_371] {strides = array<i32>} : memref<640xf32, #tpu.memory_space<vmem>>, vector<16xf32>,
      %mul3A_373 = arith.constant 16 : i32
      %mul3A_374 = arith.muli %add3A_368, %mul3A_373 : i32
      %get3A_375 = arith.index_cast %mul3A_374 : i32 to index
      %get3A_376 = tpu.vector_load %arg7[%get3A_375] {strides = array<i32>} : memref<640xf32, #tpu.memory_space<vmem>>, vector<16xf32>,
      %add3A_377 = arith.addf %get3A_372, %get3A_376 : vector<16xf32>
      %mul3A_378 = arith.constant 16 : i32
      %mul3A_379 = arith.muli %add3A_368, %mul3A_378 : i32
      %swap3A = arith.index_cast %mul3A_379 : i32 to index
      %swap3A_380 = tpu.vector_load %arg6[%swap3A] {strides = array<i32>} : memref<640xf32, #tpu.memory_space<vmem>>, vector<16xf32>,
      tpu.vector_store %arg6[%swap3A], %add3A_377 {strides = array<i32>} : memref<640xf32, #tpu.memory_space<vmem>>, vector<16xf32>,
    }
    %scan3A_115 = arith.constant 40 : i32
    %mul3A_116 = arith.constant 640 : i32
    %mul3A_117 = arith.muli %arg1, %mul3A_116 : i32
    %add3A_118 = arith.constant 102400 : i32
    %add3A_119 = arith.addi %add3A_118, %mul3A_117 : i32
    "tpu.region"() ({
      %run_scoped3A = tpu.sem_alloc : memref<!tpu.dma_semaphore, #tpu.memory_space<semaphore_mem>>
      %dma_start3A = tpu.memref_slice %arg8[%add3A_119] : memref<163840xf32, #tpu.memory_space<vmem_shared>> -> memref<640xf32, #tpu.memory_space<vmem_shared>>
      %dma_start3A_364 = tpu.memref_slice %arg8[%add3A_119] : memref<163840xf32, #tpu.memory_space<vmem_shared>> -> memref<640xf32, #tpu.memory_space<vmem_shared>>
      tpu.enqueue_dma source(%dma_start3A_364 : memref<640xf32, #tpu.memory_space<vmem_shared>>) target(%arg7 : memref<640xf32, #tpu.memory_space<vmem>>) target_semaphore(%run_scoped3A : memref<!tpu.dma_semaphore, #tpu.memory_space<semaphore_mem>>)
      %dma_wait3A = tpu.memref_slice %arg8[%add3A_119] : memref<163840xf32, #tpu.memory_space<vmem_shared>> -> memref<640xf32, #tpu.memory_space<vmem_shared>>
      %dma_wait3A_365 = tpu.memref_slice %arg8[%add3A_119] : memref<163840xf32, #tpu.memory_space<vmem_shared>> -> memref<640xf32, #tpu.memory_space<vmem_shared>>
      tpu.wait_dma2 semaphore(%run_scoped3A : memref<!tpu.dma_semaphore, #tpu.memory_space<semaphore_mem>>) src(%dma_wait3A_365 : memref<640xf32, #tpu.memory_space<vmem_shared>>) dst(%arg7 : memref<640xf32, #tpu.memory_space<vmem>>)
      tpu.yield
    }) : () -> ()
    %scan3A_120 = arith.constant 0 : i32
    %scan3A_121 = arith.constant 40 : i32
    %scan3A_122 = arith.addi %scan3A_120, %scan3A_121 : i32
    %scan3A_123 = arith.constant 1 : i32
    scf.for %scan3A_364 = %scan3A_120 to %scan3A_122 step %scan3A_123  : i32 {
      %mul3A_365 = arith.constant 1 : i32
      %mul3A_366 = arith.muli %scan3A_364, %mul3A_365 : i32
      %add3A_367 = arith.constant 0 : i32
      %add3A_368 = arith.addi %add3A_367, %mul3A_366 : i32
      %mul3A_369 = arith.constant 16 : i32
      %mul3A_370 = arith.muli %add3A_368, %mul3A_369 : i32
      %get3A_371 = arith.index_cast %mul3A_370 : i32 to index
      %get3A_372 = tpu.vector_load %arg6[%get3A_371] {strides = array<i32>} : memref<640xf32, #tpu.memory_space<vmem>>, vector<16xf32>,
      %mul3A_373 = arith.constant 16 : i32
      %mul3A_374 = arith.muli %add3A_368, %mul3A_373 : i32
      %get3A_375 = arith.index_cast %mul3A_374 : i32 to index
      %get3A_376 = tpu.vector_load %arg7[%get3A_375] {strides = array<i32>} : memref<640xf32, #tpu.memory_space<vmem>>, vector<16xf32>,
      %add3A_377 = arith.addf %get3A_372, %get3A_376 : vector<16xf32>
      %mul3A_378 = arith.constant 16 : i32
      %mul3A_379 = arith.muli %add3A_368, %mul3A_378 : i32
      %swap3A = arith.index_cast %mul3A_379 : i32 to index
      %swap3A_380 = tpu.vector_load %arg6[%swap3A] {strides = array<i32>} : memref<640xf32, #tpu.memory_space<vmem>>, vector<16xf32>,
      tpu.vector_store %arg6[%swap3A], %add3A_377 {strides = array<i32>} : memref<640xf32, #tpu.memory_space<vmem>>, vector<16xf32>,
    }
    %scan3A_124 = arith.constant 40 : i32
    %mul3A_125 = arith.constant 640 : i32
    %mul3A_126 = arith.muli %arg1, %mul3A_125 : i32
    %add3A_127 = arith.constant 112640 : i32
    %add3A_128 = arith.addi %add3A_127, %mul3A_126 : i32
    "tpu.region"() ({
      %run_scoped3A = tpu.sem_alloc : memref<!tpu.dma_semaphore, #tpu.memory_space<semaphore_mem>>
      %dma_start3A = tpu.memref_slice %arg8[%add3A_128] : memref<163840xf32, #tpu.memory_space<vmem_shared>> -> memref<640xf32, #tpu.memory_space<vmem_shared>>
      %dma_start3A_364 = tpu.memref_slice %arg8[%add3A_128] : memref<163840xf32, #tpu.memory_space<vmem_shared>> -> memref<640xf32, #tpu.memory_space<vmem_shared>>
      tpu.enqueue_dma source(%dma_start3A_364 : memref<640xf32, #tpu.memory_space<vmem_shared>>) target(%arg7 : memref<640xf32, #tpu.memory_space<vmem>>) target_semaphore(%run_scoped3A : memref<!tpu.dma_semaphore, #tpu.memory_space<semaphore_mem>>)
      %dma_wait3A = tpu.memref_slice %arg8[%add3A_128] : memref<163840xf32, #tpu.memory_space<vmem_shared>> -> memref<640xf32, #tpu.memory_space<vmem_shared>>
      %dma_wait3A_365 = tpu.memref_slice %arg8[%add3A_128] : memref<163840xf32, #tpu.memory_space<vmem_shared>> -> memref<640xf32, #tpu.memory_space<vmem_shared>>
      tpu.wait_dma2 semaphore(%run_scoped3A : memref<!tpu.dma_semaphore, #tpu.memory_space<semaphore_mem>>) src(%dma_wait3A_365 : memref<640xf32, #tpu.memory_space<vmem_shared>>) dst(%arg7 : memref<640xf32, #tpu.memory_space<vmem>>)
      tpu.yield
    }) : () -> ()
    %scan3A_129 = arith.constant 0 : i32
    %scan3A_130 = arith.constant 40 : i32
    %scan3A_131 = arith.addi %scan3A_129, %scan3A_130 : i32
    %scan3A_132 = arith.constant 1 : i32
    scf.for %scan3A_364 = %scan3A_129 to %scan3A_131 step %scan3A_132  : i32 {
      %mul3A_365 = arith.constant 1 : i32
      %mul3A_366 = arith.muli %scan3A_364, %mul3A_365 : i32
      %add3A_367 = arith.constant 0 : i32
      %add3A_368 = arith.addi %add3A_367, %mul3A_366 : i32
      %mul3A_369 = arith.constant 16 : i32
      %mul3A_370 = arith.muli %add3A_368, %mul3A_369 : i32
      %get3A_371 = arith.index_cast %mul3A_370 : i32 to index
      %get3A_372 = tpu.vector_load %arg6[%get3A_371] {strides = array<i32>} : memref<640xf32, #tpu.memory_space<vmem>>, vector<16xf32>,
      %mul3A_373 = arith.constant 16 : i32
      %mul3A_374 = arith.muli %add3A_368, %mul3A_373 : i32
      %get3A_375 = arith.index_cast %mul3A_374 : i32 to index
      %get3A_376 = tpu.vector_load %arg7[%get3A_375] {strides = array<i32>} : memref<640xf32, #tpu.memory_space<vmem>>, vector<16xf32>,
      %add3A_377 = arith.addf %get3A_372, %get3A_376 : vector<16xf32>
      %mul3A_378 = arith.constant 16 : i32
      %mul3A_379 = arith.muli %add3A_368, %mul3A_378 : i32
      %swap3A = arith.index_cast %mul3A_379 : i32 to index
      %swap3A_380 = tpu.vector_load %arg6[%swap3A] {strides = array<i32>} : memref<640xf32, #tpu.memory_space<vmem>>, vector<16xf32>,
      tpu.vector_store %arg6[%swap3A], %add3A_377 {strides = array<i32>} : memref<640xf32, #tpu.memory_space<vmem>>, vector<16xf32>,
    }
    %scan3A_133 = arith.constant 40 : i32
    %mul3A_134 = arith.constant 640 : i32
    %mul3A_135 = arith.muli %arg1, %mul3A_134 : i32
    %add3A_136 = arith.constant 122880 : i32
    %add3A_137 = arith.addi %add3A_136, %mul3A_135 : i32
    "tpu.region"() ({
      %run_scoped3A = tpu.sem_alloc : memref<!tpu.dma_semaphore, #tpu.memory_space<semaphore_mem>>
      %dma_start3A = tpu.memref_slice %arg8[%add3A_137] : memref<163840xf32, #tpu.memory_space<vmem_shared>> -> memref<640xf32, #tpu.memory_space<vmem_shared>>
      %dma_start3A_364 = tpu.memref_slice %arg8[%add3A_137] : memref<163840xf32, #tpu.memory_space<vmem_shared>> -> memref<640xf32, #tpu.memory_space<vmem_shared>>
      tpu.enqueue_dma source(%dma_start3A_364 : memref<640xf32, #tpu.memory_space<vmem_shared>>) target(%arg7 : memref<640xf32, #tpu.memory_space<vmem>>) target_semaphore(%run_scoped3A : memref<!tpu.dma_semaphore, #tpu.memory_space<semaphore_mem>>)
      %dma_wait3A = tpu.memref_slice %arg8[%add3A_137] : memref<163840xf32, #tpu.memory_space<vmem_shared>> -> memref<640xf32, #tpu.memory_space<vmem_shared>>
      %dma_wait3A_365 = tpu.memref_slice %arg8[%add3A_137] : memref<163840xf32, #tpu.memory_space<vmem_shared>> -> memref<640xf32, #tpu.memory_space<vmem_shared>>
      tpu.wait_dma2 semaphore(%run_scoped3A : memref<!tpu.dma_semaphore, #tpu.memory_space<semaphore_mem>>) src(%dma_wait3A_365 : memref<640xf32, #tpu.memory_space<vmem_shared>>) dst(%arg7 : memref<640xf32, #tpu.memory_space<vmem>>)
      tpu.yield
    }) : () -> ()
    %scan3A_138 = arith.constant 0 : i32
    %scan3A_139 = arith.constant 40 : i32
    %scan3A_140 = arith.addi %scan3A_138, %scan3A_139 : i32
    %scan3A_141 = arith.constant 1 : i32
    scf.for %scan3A_364 = %scan3A_138 to %scan3A_140 step %scan3A_141  : i32 {
      %mul3A_365 = arith.constant 1 : i32
      %mul3A_366 = arith.muli %scan3A_364, %mul3A_365 : i32
      %add3A_367 = arith.constant 0 : i32
      %add3A_368 = arith.addi %add3A_367, %mul3A_366 : i32
      %mul3A_369 = arith.constant 16 : i32
      %mul3A_370 = arith.muli %add3A_368, %mul3A_369 : i32
      %get3A_371 = arith.index_cast %mul3A_370 : i32 to index
      %get3A_372 = tpu.vector_load %arg6[%get3A_371] {strides = array<i32>} : memref<640xf32, #tpu.memory_space<vmem>>, vector<16xf32>,
      %mul3A_373 = arith.constant 16 : i32
      %mul3A_374 = arith.muli %add3A_368, %mul3A_373 : i32
      %get3A_375 = arith.index_cast %mul3A_374 : i32 to index
      %get3A_376 = tpu.vector_load %arg7[%get3A_375] {strides = array<i32>} : memref<640xf32, #tpu.memory_space<vmem>>, vector<16xf32>,
      %add3A_377 = arith.addf %get3A_372, %get3A_376 : vector<16xf32>
      %mul3A_378 = arith.constant 16 : i32
      %mul3A_379 = arith.muli %add3A_368, %mul3A_378 : i32
      %swap3A = arith.index_cast %mul3A_379 : i32 to index
      %swap3A_380 = tpu.vector_load %arg6[%swap3A] {strides = array<i32>} : memref<640xf32, #tpu.memory_space<vmem>>, vector<16xf32>,
      tpu.vector_store %arg6[%swap3A], %add3A_377 {strides = array<i32>} : memref<640xf32, #tpu.memory_space<vmem>>, vector<16xf32>,
    }
    %scan3A_142 = arith.constant 40 : i32
    %mul3A_143 = arith.constant 640 : i32
    %mul3A_144 = arith.muli %arg1, %mul3A_143 : i32
    %add3A_145 = arith.constant 133120 : i32
    %add3A_146 = arith.addi %add3A_145, %mul3A_144 : i32
    "tpu.region"() ({
      %run_scoped3A = tpu.sem_alloc : memref<!tpu.dma_semaphore, #tpu.memory_space<semaphore_mem>>
      %dma_start3A = tpu.memref_slice %arg8[%add3A_146] : memref<163840xf32, #tpu.memory_space<vmem_shared>> -> memref<640xf32, #tpu.memory_space<vmem_shared>>
      %dma_start3A_364 = tpu.memref_slice %arg8[%add3A_146] : memref<163840xf32, #tpu.memory_space<vmem_shared>> -> memref<640xf32, #tpu.memory_space<vmem_shared>>
      tpu.enqueue_dma source(%dma_start3A_364 : memref<640xf32, #tpu.memory_space<vmem_shared>>) target(%arg7 : memref<640xf32, #tpu.memory_space<vmem>>) target_semaphore(%run_scoped3A : memref<!tpu.dma_semaphore, #tpu.memory_space<semaphore_mem>>)
      %dma_wait3A = tpu.memref_slice %arg8[%add3A_146] : memref<163840xf32, #tpu.memory_space<vmem_shared>> -> memref<640xf32, #tpu.memory_space<vmem_shared>>
      %dma_wait3A_365 = tpu.memref_slice %arg8[%add3A_146] : memref<163840xf32, #tpu.memory_space<vmem_shared>> -> memref<640xf32, #tpu.memory_space<vmem_shared>>
      tpu.wait_dma2 semaphore(%run_scoped3A : memref<!tpu.dma_semaphore, #tpu.memory_space<semaphore_mem>>) src(%dma_wait3A_365 : memref<640xf32, #tpu.memory_space<vmem_shared>>) dst(%arg7 : memref<640xf32, #tpu.memory_space<vmem>>)
      tpu.yield
    }) : () -> ()
    %scan3A_147 = arith.constant 0 : i32
    %scan3A_148 = arith.constant 40 : i32
    %scan3A_149 = arith.addi %scan3A_147, %scan3A_148 : i32
    %scan3A_150 = arith.constant 1 : i32
    scf.for %scan3A_364 = %scan3A_147 to %scan3A_149 step %scan3A_150  : i32 {
      %mul3A_365 = arith.constant 1 : i32
      %mul3A_366 = arith.muli %scan3A_364, %mul3A_365 : i32
      %add3A_367 = arith.constant 0 : i32
      %add3A_368 = arith.addi %add3A_367, %mul3A_366 : i32
      %mul3A_369 = arith.constant 16 : i32
      %mul3A_370 = arith.muli %add3A_368, %mul3A_369 : i32
      %get3A_371 = arith.index_cast %mul3A_370 : i32 to index
      %get3A_372 = tpu.vector_load %arg6[%get3A_371] {strides = array<i32>} : memref<640xf32, #tpu.memory_space<vmem>>, vector<16xf32>,
      %mul3A_373 = arith.constant 16 : i32
      %mul3A_374 = arith.muli %add3A_368, %mul3A_373 : i32
      %get3A_375 = arith.index_cast %mul3A_374 : i32 to index
      %get3A_376 = tpu.vector_load %arg7[%get3A_375] {strides = array<i32>} : memref<640xf32, #tpu.memory_space<vmem>>, vector<16xf32>,
      %add3A_377 = arith.addf %get3A_372, %get3A_376 : vector<16xf32>
      %mul3A_378 = arith.constant 16 : i32
      %mul3A_379 = arith.muli %add3A_368, %mul3A_378 : i32
      %swap3A = arith.index_cast %mul3A_379 : i32 to index
      %swap3A_380 = tpu.vector_load %arg6[%swap3A] {strides = array<i32>} : memref<640xf32, #tpu.memory_space<vmem>>, vector<16xf32>,
      tpu.vector_store %arg6[%swap3A], %add3A_377 {strides = array<i32>} : memref<640xf32, #tpu.memory_space<vmem>>, vector<16xf32>,
    }
    %scan3A_151 = arith.constant 40 : i32
    %mul3A_152 = arith.constant 640 : i32
    %mul3A_153 = arith.muli %arg1, %mul3A_152 : i32
    %add3A_154 = arith.constant 143360 : i32
    %add3A_155 = arith.addi %add3A_154, %mul3A_153 : i32
    "tpu.region"() ({
      %run_scoped3A = tpu.sem_alloc : memref<!tpu.dma_semaphore, #tpu.memory_space<semaphore_mem>>
      %dma_start3A = tpu.memref_slice %arg8[%add3A_155] : memref<163840xf32, #tpu.memory_space<vmem_shared>> -> memref<640xf32, #tpu.memory_space<vmem_shared>>
      %dma_start3A_364 = tpu.memref_slice %arg8[%add3A_155] : memref<163840xf32, #tpu.memory_space<vmem_shared>> -> memref<640xf32, #tpu.memory_space<vmem_shared>>
      tpu.enqueue_dma source(%dma_start3A_364 : memref<640xf32, #tpu.memory_space<vmem_shared>>) target(%arg7 : memref<640xf32, #tpu.memory_space<vmem>>) target_semaphore(%run_scoped3A : memref<!tpu.dma_semaphore, #tpu.memory_space<semaphore_mem>>)
      %dma_wait3A = tpu.memref_slice %arg8[%add3A_155] : memref<163840xf32, #tpu.memory_space<vmem_shared>> -> memref<640xf32, #tpu.memory_space<vmem_shared>>
      %dma_wait3A_365 = tpu.memref_slice %arg8[%add3A_155] : memref<163840xf32, #tpu.memory_space<vmem_shared>> -> memref<640xf32, #tpu.memory_space<vmem_shared>>
      tpu.wait_dma2 semaphore(%run_scoped3A : memref<!tpu.dma_semaphore, #tpu.memory_space<semaphore_mem>>) src(%dma_wait3A_365 : memref<640xf32, #tpu.memory_space<vmem_shared>>) dst(%arg7 : memref<640xf32, #tpu.memory_space<vmem>>)
      tpu.yield
    }) : () -> ()
    %scan3A_156 = arith.constant 0 : i32
    %scan3A_157 = arith.constant 40 : i32
    %scan3A_158 = arith.addi %scan3A_156, %scan3A_157 : i32
    %scan3A_159 = arith.constant 1 : i32
    scf.for %scan3A_364 = %scan3A_156 to %scan3A_158 step %scan3A_159  : i32 {
      %mul3A_365 = arith.constant 1 : i32
      %mul3A_366 = arith.muli %scan3A_364, %mul3A_365 : i32
      %add3A_367 = arith.constant 0 : i32
      %add3A_368 = arith.addi %add3A_367, %mul3A_366 : i32
      %mul3A_369 = arith.constant 16 : i32
      %mul3A_370 = arith.muli %add3A_368, %mul3A_369 : i32
      %get3A_371 = arith.index_cast %mul3A_370 : i32 to index
      %get3A_372 = tpu.vector_load %arg6[%get3A_371] {strides = array<i32>} : memref<640xf32, #tpu.memory_space<vmem>>, vector<16xf32>,
      %mul3A_373 = arith.constant 16 : i32
      %mul3A_374 = arith.muli %add3A_368, %mul3A_373 : i32
      %get3A_375 = arith.index_cast %mul3A_374 : i32 to index
      %get3A_376 = tpu.vector_load %arg7[%get3A_375] {strides = array<i32>} : memref<640xf32, #tpu.memory_space<vmem>>, vector<16xf32>,
      %add3A_377 = arith.addf %get3A_372, %get3A_376 : vector<16xf32>
      %mul3A_378 = arith.constant 16 : i32
      %mul3A_379 = arith.muli %add3A_368, %mul3A_378 : i32
      %swap3A = arith.index_cast %mul3A_379 : i32 to index
      %swap3A_380 = tpu.vector_load %arg6[%swap3A] {strides = array<i32>} : memref<640xf32, #tpu.memory_space<vmem>>, vector<16xf32>,
      tpu.vector_store %arg6[%swap3A], %add3A_377 {strides = array<i32>} : memref<640xf32, #tpu.memory_space<vmem>>, vector<16xf32>,
    }
    %scan3A_160 = arith.constant 40 : i32
    %mul3A_161 = arith.constant 640 : i32
    %mul3A_162 = arith.muli %arg1, %mul3A_161 : i32
    %add3A_163 = arith.constant 153600 : i32
    %add3A_164 = arith.addi %add3A_163, %mul3A_162 : i32
    "tpu.region"() ({
      %run_scoped3A = tpu.sem_alloc : memref<!tpu.dma_semaphore, #tpu.memory_space<semaphore_mem>>
      %dma_start3A = tpu.memref_slice %arg8[%add3A_164] : memref<163840xf32, #tpu.memory_space<vmem_shared>> -> memref<640xf32, #tpu.memory_space<vmem_shared>>
      %dma_start3A_364 = tpu.memref_slice %arg8[%add3A_164] : memref<163840xf32, #tpu.memory_space<vmem_shared>> -> memref<640xf32, #tpu.memory_space<vmem_shared>>
      tpu.enqueue_dma source(%dma_start3A_364 : memref<640xf32, #tpu.memory_space<vmem_shared>>) target(%arg7 : memref<640xf32, #tpu.memory_space<vmem>>) target_semaphore(%run_scoped3A : memref<!tpu.dma_semaphore, #tpu.memory_space<semaphore_mem>>)
      %dma_wait3A = tpu.memref_slice %arg8[%add3A_164] : memref<163840xf32, #tpu.memory_space<vmem_shared>> -> memref<640xf32, #tpu.memory_space<vmem_shared>>
      %dma_wait3A_365 = tpu.memref_slice %arg8[%add3A_164] : memref<163840xf32, #tpu.memory_space<vmem_shared>> -> memref<640xf32, #tpu.memory_space<vmem_shared>>
      tpu.wait_dma2 semaphore(%run_scoped3A : memref<!tpu.dma_semaphore, #tpu.memory_space<semaphore_mem>>) src(%dma_wait3A_365 : memref<640xf32, #tpu.memory_space<vmem_shared>>) dst(%arg7 : memref<640xf32, #tpu.memory_space<vmem>>)
      tpu.yield
    }) : () -> ()
    %scan3A_165 = arith.constant 0 : i32
    %scan3A_166 = arith.constant 40 : i32
    %scan3A_167 = arith.addi %scan3A_165, %scan3A_166 : i32
    %scan3A_168 = arith.constant 1 : i32
    scf.for %scan3A_364 = %scan3A_165 to %scan3A_167 step %scan3A_168  : i32 {
      %mul3A_365 = arith.constant 1 : i32
      %mul3A_366 = arith.muli %scan3A_364, %mul3A_365 : i32
      %add3A_367 = arith.constant 0 : i32
      %add3A_368 = arith.addi %add3A_367, %mul3A_366 : i32
      %mul3A_369 = arith.constant 16 : i32
      %mul3A_370 = arith.muli %add3A_368, %mul3A_369 : i32
      %get3A_371 = arith.index_cast %mul3A_370 : i32 to index
      %get3A_372 = tpu.vector_load %arg6[%get3A_371] {strides = array<i32>} : memref<640xf32, #tpu.memory_space<vmem>>, vector<16xf32>,
      %mul3A_373 = arith.constant 16 : i32
      %mul3A_374 = arith.muli %add3A_368, %mul3A_373 : i32
      %get3A_375 = arith.index_cast %mul3A_374 : i32 to index
      %get3A_376 = tpu.vector_load %arg7[%get3A_375] {strides = array<i32>} : memref<640xf32, #tpu.memory_space<vmem>>, vector<16xf32>,
      %add3A_377 = arith.addf %get3A_372, %get3A_376 : vector<16xf32>
      %mul3A_378 = arith.constant 16 : i32
      %mul3A_379 = arith.muli %add3A_368, %mul3A_378 : i32
      %swap3A = arith.index_cast %mul3A_379 : i32 to index
      %swap3A_380 = tpu.vector_load %arg6[%swap3A] {strides = array<i32>} : memref<640xf32, #tpu.memory_space<vmem>>, vector<16xf32>,
      tpu.vector_store %arg6[%swap3A], %add3A_377 {strides = array<i32>} : memref<640xf32, #tpu.memory_space<vmem>>, vector<16xf32>,
    }
    %scan3A_169 = arith.constant 40 : i32
    %add3A_170 = arith.constant 0 : i32
    %add3A_171 = arith.addi %add3A_170, %arg0 : i32
    %mul3A_172 = arith.constant 10240 : i32
    %mul3A_173 = arith.muli %add3A_171, %mul3A_172 : i32
    %mul3A_174 = arith.constant 640 : i32
    %mul3A_175 = arith.muli %arg1, %mul3A_174 : i32
    %add3A_176 = arith.addi %mul3A_173, %mul3A_175 : i32
    "tpu.region"() ({
      %run_scoped3A = tpu.sem_alloc : memref<!tpu.dma_semaphore, #tpu.memory_space<semaphore_mem>>
      %dma_start3A = tpu.memref_slice %arg3[%add3A_176] : memref<40960xf32, #tpu.memory_space<hbm>> -> memref<640xf32, #tpu.memory_space<hbm>>
      %dma_start3A_364 = tpu.memref_slice %arg3[%add3A_176] : memref<40960xf32, #tpu.memory_space<hbm>> -> memref<640xf32, #tpu.memory_space<hbm>>
      tpu.enqueue_dma source(%arg6 : memref<640xf32, #tpu.memory_space<vmem>>) target(%dma_start3A_364 : memref<640xf32, #tpu.memory_space<hbm>>) target_semaphore(%run_scoped3A : memref<!tpu.dma_semaphore, #tpu.memory_space<semaphore_mem>>)
      %dma_wait3A = tpu.memref_slice %arg3[%add3A_176] : memref<40960xf32, #tpu.memory_space<hbm>> -> memref<640xf32, #tpu.memory_space<hbm>>
      %dma_wait3A_365 = tpu.memref_slice %arg3[%add3A_176] : memref<40960xf32, #tpu.memory_space<hbm>> -> memref<640xf32, #tpu.memory_space<hbm>>
      tpu.wait_dma2 semaphore(%run_scoped3A : memref<!tpu.dma_semaphore, #tpu.memory_space<semaphore_mem>>) src(%arg6 : memref<640xf32, #tpu.memory_space<vmem>>) dst(%dma_wait3A_365 : memref<640xf32, #tpu.memory_space<hbm>>)
      tpu.yield
    }) : () -> ()
    %barrier3A_177 = arith.constant 0 : index
    tpu.barrier barrier_id(%barrier3A_177)
    %mul3A_178 = arith.constant 5000 : i32
    %mul3A_179 = arith.muli %add3A, %mul3A_178 : i32
    %add3A_180 = arith.constant 160000 : i32
    %add3A_181 = arith.addi %add3A_180, %mul3A_179 : i32
    "tpu.region"() ({
      %run_scoped3A = tpu.sem_alloc : memref<!tpu.dma_semaphore, #tpu.memory_space<semaphore_mem>>
      %dma_start3A = tpu.memref_slice %arg2[%add3A_181] : memref<320000xi32, #tpu.memory_space<hbm>> -> memref<5000xi32, #tpu.memory_space<hbm>>
      %dma_start3A_364 = tpu.memref_slice %arg2[%add3A_181] : memref<320000xi32, #tpu.memory_space<hbm>> -> memref<5000xi32, #tpu.memory_space<hbm>>
      tpu.enqueue_dma source(%dma_start3A_364 : memref<5000xi32, #tpu.memory_space<hbm>>) target(%arg4 : memref<5000xi32, #tpu.memory_space<vmem>>) target_semaphore(%run_scoped3A : memref<!tpu.dma_semaphore, #tpu.memory_space<semaphore_mem>>)
      %dma_wait3A = tpu.memref_slice %arg2[%add3A_181] : memref<320000xi32, #tpu.memory_space<hbm>> -> memref<5000xi32, #tpu.memory_space<hbm>>
      %dma_wait3A_365 = tpu.memref_slice %arg2[%add3A_181] : memref<320000xi32, #tpu.memory_space<hbm>> -> memref<5000xi32, #tpu.memory_space<hbm>>
      tpu.wait_dma2 semaphore(%run_scoped3A : memref<!tpu.dma_semaphore, #tpu.memory_space<semaphore_mem>>) src(%dma_wait3A_365 : memref<5000xi32, #tpu.memory_space<hbm>>) dst(%arg4 : memref<5000xi32, #tpu.memory_space<vmem>>)
      tpu.yield
    }) : () -> ()
    %broadcast_in_dim3A_182 = arith.constant 0.000000e+00 : f32
    %broadcast_in_dim3A_183 = vector.broadcast %broadcast_in_dim3A_182 : f32 to vector<16xf32>
    %scan3A_184 = arith.constant 0 : i32
    %scan3A_185 = arith.constant 640 : i32
    %scan3A_186 = arith.addi %scan3A_184, %scan3A_185 : i32
    %scan3A_187 = arith.constant 1 : i32
    scf.for %scan3A_364 = %scan3A_184 to %scan3A_186 step %scan3A_187  : i32 {
      %mul3A_365 = arith.constant 1 : i32
      %mul3A_366 = arith.muli %scan3A_364, %mul3A_365 : i32
      %add3A_367 = arith.constant 0 : i32
      %add3A_368 = arith.addi %add3A_367, %mul3A_366 : i32
      %mul3A_369 = arith.constant 16 : i32
      %mul3A_370 = arith.muli %add3A_368, %mul3A_369 : i32
      %swap3A = arith.index_cast %mul3A_370 : i32 to index
      %swap3A_371 = tpu.vector_load %arg5[%swap3A] {strides = array<i32>} : memref<10240xf32, #tpu.memory_space<vmem>>, vector<16xf32>,
      tpu.vector_store %arg5[%swap3A], %broadcast_in_dim3A_183 {strides = array<i32>} : memref<10240xf32, #tpu.memory_space<vmem>>, vector<16xf32>,
    }
    %scan3A_188 = arith.constant 640 : i32
    %scan3A_189 = arith.constant 0 : i32
    %scan3A_190 = arith.constant 312 : i32
    %scan3A_191 = arith.addi %scan3A_189, %scan3A_190 : i32
    %scan3A_192 = arith.constant 1 : i32
    scf.for %scan3A_364 = %scan3A_189 to %scan3A_191 step %scan3A_192  : i32 {
      %mul3A_365 = arith.constant 1 : i32
      %mul3A_366 = arith.muli %scan3A_364, %mul3A_365 : i32
      %add3A_367 = arith.constant 0 : i32
      %add3A_368 = arith.addi %add3A_367, %mul3A_366 : i32
      %mul3A_369 = arith.constant 16 : i32
      %mul3A_370 = arith.muli %add3A_368, %mul3A_369 : i32
      %get3A_371 = arith.index_cast %mul3A_370 : i32 to index
      %get3A_372 = tpu.vector_load %arg4[%get3A_371] {strides = array<i32>} : memref<5000xi32, #tpu.memory_space<vmem>>, vector<16xi32>,
      %broadcast_in_dim3A_373 = arith.constant true
      %broadcast_in_dim3A_374 = vector.broadcast %broadcast_in_dim3A_373 : i1 to vector<16xi1>
      %unique3A_375, %unique3A_376 = tpu.scan_count mask(%broadcast_in_dim3A_374 : vector<16xi1>) value(%get3A_372 : vector<16xi32>) : vector<16xi1>, vector<16xi32>
      %convert_element_type3A_377 = arith.sitofp %unique3A_376 : vector<16xi32> to vector<16xf32>
      tpu.vector_store_idx %arg5[%get3A_372], %convert_element_type3A_377 masked %unique3A_375 {add = true} : memref<10240xf32, #tpu.memory_space<vmem>>[vector<16xi32>], vector<16xf32>, vector<16xi1>
    }
    %scan3A_193 = arith.constant 312 : i32
    %iota3A_194 = tpu.iota {dimensions = array<i32: 0>} : vector<16xi32>
    %get3A_195 = arith.constant 4984 : index
    %get3A_196 = tpu.vector_load %arg4[%get3A_195] {strides = array<i32>} : memref<5000xi32, #tpu.memory_space<vmem>>, vector<16xi32>,
    %ge3A_197 = arith.constant 8 : i32
    %ge3A_198 = vector.broadcast %ge3A_197 : i32 to vector<16xi32>
    %ge3A_199 = arith.cmpi sge, %iota3A_194, %ge3A_198 : vector<16xi32>
    %unique3A_200, %unique3A_201 = tpu.scan_count mask(%ge3A_199 : vector<16xi1>) value(%get3A_196 : vector<16xi32>) : vector<16xi1>, vector<16xi32>
    %convert_element_type3A_202 = arith.sitofp %unique3A_201 : vector<16xi32> to vector<16xf32>
    %and3A_203 = arith.andi %unique3A_200, %ge3A_199 : vector<16xi1>
    tpu.vector_store_idx %arg5[%get3A_196], %convert_element_type3A_202 masked %and3A_203 {add = true} : memref<10240xf32, #tpu.memory_space<vmem>>[vector<16xi32>], vector<16xf32>, vector<16xi1>
    %mul3A_204 = arith.constant 10240 : i32
    %mul3A_205 = arith.muli %arg1, %mul3A_204 : i32
    "tpu.region"() ({
      %run_scoped3A = tpu.sem_alloc : memref<!tpu.dma_semaphore, #tpu.memory_space<semaphore_mem>>
      %dma_start3A = tpu.memref_slice %arg8[%mul3A_205] : memref<163840xf32, #tpu.memory_space<vmem_shared>> -> memref<10240xf32, #tpu.memory_space<vmem_shared>>
      %dma_start3A_364 = tpu.memref_slice %arg8[%mul3A_205] : memref<163840xf32, #tpu.memory_space<vmem_shared>> -> memref<10240xf32, #tpu.memory_space<vmem_shared>>
      tpu.enqueue_dma source(%arg5 : memref<10240xf32, #tpu.memory_space<vmem>>) target(%dma_start3A_364 : memref<10240xf32, #tpu.memory_space<vmem_shared>>) target_semaphore(%run_scoped3A : memref<!tpu.dma_semaphore, #tpu.memory_space<semaphore_mem>>)
      %dma_wait3A = tpu.memref_slice %arg8[%mul3A_205] : memref<163840xf32, #tpu.memory_space<vmem_shared>> -> memref<10240xf32, #tpu.memory_space<vmem_shared>>
      %dma_wait3A_365 = tpu.memref_slice %arg8[%mul3A_205] : memref<163840xf32, #tpu.memory_space<vmem_shared>> -> memref<10240xf32, #tpu.memory_space<vmem_shared>>
      tpu.wait_dma2 semaphore(%run_scoped3A : memref<!tpu.dma_semaphore, #tpu.memory_space<semaphore_mem>>) src(%arg5 : memref<10240xf32, #tpu.memory_space<vmem>>) dst(%dma_wait3A_365 : memref<10240xf32, #tpu.memory_space<vmem_shared>>)
      tpu.yield
    }) : () -> ()
    %barrier3A_206 = arith.constant 0 : index
    tpu.barrier barrier_id(%barrier3A_206)
    %scan3A_207 = arith.constant 0 : i32
    %scan3A_208 = arith.constant 40 : i32
    %scan3A_209 = arith.addi %scan3A_207, %scan3A_208 : i32
    %scan3A_210 = arith.constant 1 : i32
    scf.for %scan3A_364 = %scan3A_207 to %scan3A_209 step %scan3A_210  : i32 {
      %mul3A_365 = arith.constant 1 : i32
      %mul3A_366 = arith.muli %scan3A_364, %mul3A_365 : i32
      %add3A_367 = arith.constant 0 : i32
      %add3A_368 = arith.addi %add3A_367, %mul3A_366 : i32
      %mul3A_369 = arith.constant 16 : i32
      %mul3A_370 = arith.muli %add3A_368, %mul3A_369 : i32
      %swap3A = arith.index_cast %mul3A_370 : i32 to index
      %swap3A_371 = tpu.vector_load %arg6[%swap3A] {strides = array<i32>} : memref<640xf32, #tpu.memory_space<vmem>>, vector<16xf32>,
      tpu.vector_store %arg6[%swap3A], %broadcast_in_dim3A_183 {strides = array<i32>} : memref<640xf32, #tpu.memory_space<vmem>>, vector<16xf32>,
    }
    %scan3A_211 = arith.constant 40 : i32
    %mul3A_212 = arith.constant 640 : i32
    %mul3A_213 = arith.muli %arg1, %mul3A_212 : i32
    %add3A_214 = arith.constant 0 : i32
    %add3A_215 = arith.addi %add3A_214, %mul3A_213 : i32
    "tpu.region"() ({
      %run_scoped3A = tpu.sem_alloc : memref<!tpu.dma_semaphore, #tpu.memory_space<semaphore_mem>>
      %dma_start3A = tpu.memref_slice %arg8[%add3A_215] : memref<163840xf32, #tpu.memory_space<vmem_shared>> -> memref<640xf32, #tpu.memory_space<vmem_shared>>
      %dma_start3A_364 = tpu.memref_slice %arg8[%add3A_215] : memref<163840xf32, #tpu.memory_space<vmem_shared>> -> memref<640xf32, #tpu.memory_space<vmem_shared>>
      tpu.enqueue_dma source(%dma_start3A_364 : memref<640xf32, #tpu.memory_space<vmem_shared>>) target(%arg7 : memref<640xf32, #tpu.memory_space<vmem>>) target_semaphore(%run_scoped3A : memref<!tpu.dma_semaphore, #tpu.memory_space<semaphore_mem>>)
      %dma_wait3A = tpu.memref_slice %arg8[%add3A_215] : memref<163840xf32, #tpu.memory_space<vmem_shared>> -> memref<640xf32, #tpu.memory_space<vmem_shared>>
      %dma_wait3A_365 = tpu.memref_slice %arg8[%add3A_215] : memref<163840xf32, #tpu.memory_space<vmem_shared>> -> memref<640xf32, #tpu.memory_space<vmem_shared>>
      tpu.wait_dma2 semaphore(%run_scoped3A : memref<!tpu.dma_semaphore, #tpu.memory_space<semaphore_mem>>) src(%dma_wait3A_365 : memref<640xf32, #tpu.memory_space<vmem_shared>>) dst(%arg7 : memref<640xf32, #tpu.memory_space<vmem>>)
      tpu.yield
    }) : () -> ()
    %scan3A_216 = arith.constant 0 : i32
    %scan3A_217 = arith.constant 40 : i32
    %scan3A_218 = arith.addi %scan3A_216, %scan3A_217 : i32
    %scan3A_219 = arith.constant 1 : i32
    scf.for %scan3A_364 = %scan3A_216 to %scan3A_218 step %scan3A_219  : i32 {
      %mul3A_365 = arith.constant 1 : i32
      %mul3A_366 = arith.muli %scan3A_364, %mul3A_365 : i32
      %add3A_367 = arith.constant 0 : i32
      %add3A_368 = arith.addi %add3A_367, %mul3A_366 : i32
      %mul3A_369 = arith.constant 16 : i32
      %mul3A_370 = arith.muli %add3A_368, %mul3A_369 : i32
      %get3A_371 = arith.index_cast %mul3A_370 : i32 to index
      %get3A_372 = tpu.vector_load %arg6[%get3A_371] {strides = array<i32>} : memref<640xf32, #tpu.memory_space<vmem>>, vector<16xf32>,
      %mul3A_373 = arith.constant 16 : i32
      %mul3A_374 = arith.muli %add3A_368, %mul3A_373 : i32
      %get3A_375 = arith.index_cast %mul3A_374 : i32 to index
      %get3A_376 = tpu.vector_load %arg7[%get3A_375] {strides = array<i32>} : memref<640xf32, #tpu.memory_space<vmem>>, vector<16xf32>,
      %add3A_377 = arith.addf %get3A_372, %get3A_376 : vector<16xf32>
      %mul3A_378 = arith.constant 16 : i32
      %mul3A_379 = arith.muli %add3A_368, %mul3A_378 : i32
      %swap3A = arith.index_cast %mul3A_379 : i32 to index
      %swap3A_380 = tpu.vector_load %arg6[%swap3A] {strides = array<i32>} : memref<640xf32, #tpu.memory_space<vmem>>, vector<16xf32>,
      tpu.vector_store %arg6[%swap3A], %add3A_377 {strides = array<i32>} : memref<640xf32, #tpu.memory_space<vmem>>, vector<16xf32>,
    }
    %scan3A_220 = arith.constant 40 : i32
    %mul3A_221 = arith.constant 640 : i32
    %mul3A_222 = arith.muli %arg1, %mul3A_221 : i32
    %add3A_223 = arith.constant 10240 : i32
    %add3A_224 = arith.addi %add3A_223, %mul3A_222 : i32
    "tpu.region"() ({
      %run_scoped3A = tpu.sem_alloc : memref<!tpu.dma_semaphore, #tpu.memory_space<semaphore_mem>>
      %dma_start3A = tpu.memref_slice %arg8[%add3A_224] : memref<163840xf32, #tpu.memory_space<vmem_shared>> -> memref<640xf32, #tpu.memory_space<vmem_shared>>
      %dma_start3A_364 = tpu.memref_slice %arg8[%add3A_224] : memref<163840xf32, #tpu.memory_space<vmem_shared>> -> memref<640xf32, #tpu.memory_space<vmem_shared>>
      tpu.enqueue_dma source(%dma_start3A_364 : memref<640xf32, #tpu.memory_space<vmem_shared>>) target(%arg7 : memref<640xf32, #tpu.memory_space<vmem>>) target_semaphore(%run_scoped3A : memref<!tpu.dma_semaphore, #tpu.memory_space<semaphore_mem>>)
      %dma_wait3A = tpu.memref_slice %arg8[%add3A_224] : memref<163840xf32, #tpu.memory_space<vmem_shared>> -> memref<640xf32, #tpu.memory_space<vmem_shared>>
      %dma_wait3A_365 = tpu.memref_slice %arg8[%add3A_224] : memref<163840xf32, #tpu.memory_space<vmem_shared>> -> memref<640xf32, #tpu.memory_space<vmem_shared>>
      tpu.wait_dma2 semaphore(%run_scoped3A : memref<!tpu.dma_semaphore, #tpu.memory_space<semaphore_mem>>) src(%dma_wait3A_365 : memref<640xf32, #tpu.memory_space<vmem_shared>>) dst(%arg7 : memref<640xf32, #tpu.memory_space<vmem>>)
      tpu.yield
    }) : () -> ()
    %scan3A_225 = arith.constant 0 : i32
    %scan3A_226 = arith.constant 40 : i32
    %scan3A_227 = arith.addi %scan3A_225, %scan3A_226 : i32
    %scan3A_228 = arith.constant 1 : i32
    scf.for %scan3A_364 = %scan3A_225 to %scan3A_227 step %scan3A_228  : i32 {
      %mul3A_365 = arith.constant 1 : i32
      %mul3A_366 = arith.muli %scan3A_364, %mul3A_365 : i32
      %add3A_367 = arith.constant 0 : i32
      %add3A_368 = arith.addi %add3A_367, %mul3A_366 : i32
      %mul3A_369 = arith.constant 16 : i32
      %mul3A_370 = arith.muli %add3A_368, %mul3A_369 : i32
      %get3A_371 = arith.index_cast %mul3A_370 : i32 to index
      %get3A_372 = tpu.vector_load %arg6[%get3A_371] {strides = array<i32>} : memref<640xf32, #tpu.memory_space<vmem>>, vector<16xf32>,
      %mul3A_373 = arith.constant 16 : i32
      %mul3A_374 = arith.muli %add3A_368, %mul3A_373 : i32
      %get3A_375 = arith.index_cast %mul3A_374 : i32 to index
      %get3A_376 = tpu.vector_load %arg7[%get3A_375] {strides = array<i32>} : memref<640xf32, #tpu.memory_space<vmem>>, vector<16xf32>,
      %add3A_377 = arith.addf %get3A_372, %get3A_376 : vector<16xf32>
      %mul3A_378 = arith.constant 16 : i32
      %mul3A_379 = arith.muli %add3A_368, %mul3A_378 : i32
      %swap3A = arith.index_cast %mul3A_379 : i32 to index
      %swap3A_380 = tpu.vector_load %arg6[%swap3A] {strides = array<i32>} : memref<640xf32, #tpu.memory_space<vmem>>, vector<16xf32>,
      tpu.vector_store %arg6[%swap3A], %add3A_377 {strides = array<i32>} : memref<640xf32, #tpu.memory_space<vmem>>, vector<16xf32>,
    }
    %scan3A_229 = arith.constant 40 : i32
    %mul3A_230 = arith.constant 640 : i32
    %mul3A_231 = arith.muli %arg1, %mul3A_230 : i32
    %add3A_232 = arith.constant 20480 : i32
    %add3A_233 = arith.addi %add3A_232, %mul3A_231 : i32
    "tpu.region"() ({
      %run_scoped3A = tpu.sem_alloc : memref<!tpu.dma_semaphore, #tpu.memory_space<semaphore_mem>>
      %dma_start3A = tpu.memref_slice %arg8[%add3A_233] : memref<163840xf32, #tpu.memory_space<vmem_shared>> -> memref<640xf32, #tpu.memory_space<vmem_shared>>
      %dma_start3A_364 = tpu.memref_slice %arg8[%add3A_233] : memref<163840xf32, #tpu.memory_space<vmem_shared>> -> memref<640xf32, #tpu.memory_space<vmem_shared>>
      tpu.enqueue_dma source(%dma_start3A_364 : memref<640xf32, #tpu.memory_space<vmem_shared>>) target(%arg7 : memref<640xf32, #tpu.memory_space<vmem>>) target_semaphore(%run_scoped3A : memref<!tpu.dma_semaphore, #tpu.memory_space<semaphore_mem>>)
      %dma_wait3A = tpu.memref_slice %arg8[%add3A_233] : memref<163840xf32, #tpu.memory_space<vmem_shared>> -> memref<640xf32, #tpu.memory_space<vmem_shared>>
      %dma_wait3A_365 = tpu.memref_slice %arg8[%add3A_233] : memref<163840xf32, #tpu.memory_space<vmem_shared>> -> memref<640xf32, #tpu.memory_space<vmem_shared>>
      tpu.wait_dma2 semaphore(%run_scoped3A : memref<!tpu.dma_semaphore, #tpu.memory_space<semaphore_mem>>) src(%dma_wait3A_365 : memref<640xf32, #tpu.memory_space<vmem_shared>>) dst(%arg7 : memref<640xf32, #tpu.memory_space<vmem>>)
      tpu.yield
    }) : () -> ()
    %scan3A_234 = arith.constant 0 : i32
    %scan3A_235 = arith.constant 40 : i32
    %scan3A_236 = arith.addi %scan3A_234, %scan3A_235 : i32
    %scan3A_237 = arith.constant 1 : i32
    scf.for %scan3A_364 = %scan3A_234 to %scan3A_236 step %scan3A_237  : i32 {
      %mul3A_365 = arith.constant 1 : i32
      %mul3A_366 = arith.muli %scan3A_364, %mul3A_365 : i32
      %add3A_367 = arith.constant 0 : i32
      %add3A_368 = arith.addi %add3A_367, %mul3A_366 : i32
      %mul3A_369 = arith.constant 16 : i32
      %mul3A_370 = arith.muli %add3A_368, %mul3A_369 : i32
      %get3A_371 = arith.index_cast %mul3A_370 : i32 to index
      %get3A_372 = tpu.vector_load %arg6[%get3A_371] {strides = array<i32>} : memref<640xf32, #tpu.memory_space<vmem>>, vector<16xf32>,
      %mul3A_373 = arith.constant 16 : i32
      %mul3A_374 = arith.muli %add3A_368, %mul3A_373 : i32
      %get3A_375 = arith.index_cast %mul3A_374 : i32 to index
      %get3A_376 = tpu.vector_load %arg7[%get3A_375] {strides = array<i32>} : memref<640xf32, #tpu.memory_space<vmem>>, vector<16xf32>,
      %add3A_377 = arith.addf %get3A_372, %get3A_376 : vector<16xf32>
      %mul3A_378 = arith.constant 16 : i32
      %mul3A_379 = arith.muli %add3A_368, %mul3A_378 : i32
      %swap3A = arith.index_cast %mul3A_379 : i32 to index
      %swap3A_380 = tpu.vector_load %arg6[%swap3A] {strides = array<i32>} : memref<640xf32, #tpu.memory_space<vmem>>, vector<16xf32>,
      tpu.vector_store %arg6[%swap3A], %add3A_377 {strides = array<i32>} : memref<640xf32, #tpu.memory_space<vmem>>, vector<16xf32>,
    }
    %scan3A_238 = arith.constant 40 : i32
    %mul3A_239 = arith.constant 640 : i32
    %mul3A_240 = arith.muli %arg1, %mul3A_239 : i32
    %add3A_241 = arith.constant 30720 : i32
    %add3A_242 = arith.addi %add3A_241, %mul3A_240 : i32
    "tpu.region"() ({
      %run_scoped3A = tpu.sem_alloc : memref<!tpu.dma_semaphore, #tpu.memory_space<semaphore_mem>>
      %dma_start3A = tpu.memref_slice %arg8[%add3A_242] : memref<163840xf32, #tpu.memory_space<vmem_shared>> -> memref<640xf32, #tpu.memory_space<vmem_shared>>
      %dma_start3A_364 = tpu.memref_slice %arg8[%add3A_242] : memref<163840xf32, #tpu.memory_space<vmem_shared>> -> memref<640xf32, #tpu.memory_space<vmem_shared>>
      tpu.enqueue_dma source(%dma_start3A_364 : memref<640xf32, #tpu.memory_space<vmem_shared>>) target(%arg7 : memref<640xf32, #tpu.memory_space<vmem>>) target_semaphore(%run_scoped3A : memref<!tpu.dma_semaphore, #tpu.memory_space<semaphore_mem>>)
      %dma_wait3A = tpu.memref_slice %arg8[%add3A_242] : memref<163840xf32, #tpu.memory_space<vmem_shared>> -> memref<640xf32, #tpu.memory_space<vmem_shared>>
      %dma_wait3A_365 = tpu.memref_slice %arg8[%add3A_242] : memref<163840xf32, #tpu.memory_space<vmem_shared>> -> memref<640xf32, #tpu.memory_space<vmem_shared>>
      tpu.wait_dma2 semaphore(%run_scoped3A : memref<!tpu.dma_semaphore, #tpu.memory_space<semaphore_mem>>) src(%dma_wait3A_365 : memref<640xf32, #tpu.memory_space<vmem_shared>>) dst(%arg7 : memref<640xf32, #tpu.memory_space<vmem>>)
      tpu.yield
    }) : () -> ()
    %scan3A_243 = arith.constant 0 : i32
    %scan3A_244 = arith.constant 40 : i32
    %scan3A_245 = arith.addi %scan3A_243, %scan3A_244 : i32
    %scan3A_246 = arith.constant 1 : i32
    scf.for %scan3A_364 = %scan3A_243 to %scan3A_245 step %scan3A_246  : i32 {
      %mul3A_365 = arith.constant 1 : i32
      %mul3A_366 = arith.muli %scan3A_364, %mul3A_365 : i32
      %add3A_367 = arith.constant 0 : i32
      %add3A_368 = arith.addi %add3A_367, %mul3A_366 : i32
      %mul3A_369 = arith.constant 16 : i32
      %mul3A_370 = arith.muli %add3A_368, %mul3A_369 : i32
      %get3A_371 = arith.index_cast %mul3A_370 : i32 to index
      %get3A_372 = tpu.vector_load %arg6[%get3A_371] {strides = array<i32>} : memref<640xf32, #tpu.memory_space<vmem>>, vector<16xf32>,
      %mul3A_373 = arith.constant 16 : i32
      %mul3A_374 = arith.muli %add3A_368, %mul3A_373 : i32
      %get3A_375 = arith.index_cast %mul3A_374 : i32 to index
      %get3A_376 = tpu.vector_load %arg7[%get3A_375] {strides = array<i32>} : memref<640xf32, #tpu.memory_space<vmem>>, vector<16xf32>,
      %add3A_377 = arith.addf %get3A_372, %get3A_376 : vector<16xf32>
      %mul3A_378 = arith.constant 16 : i32
      %mul3A_379 = arith.muli %add3A_368, %mul3A_378 : i32
      %swap3A = arith.index_cast %mul3A_379 : i32 to index
      %swap3A_380 = tpu.vector_load %arg6[%swap3A] {strides = array<i32>} : memref<640xf32, #tpu.memory_space<vmem>>, vector<16xf32>,
      tpu.vector_store %arg6[%swap3A], %add3A_377 {strides = array<i32>} : memref<640xf32, #tpu.memory_space<vmem>>, vector<16xf32>,
    }
    %scan3A_247 = arith.constant 40 : i32
    %mul3A_248 = arith.constant 640 : i32
    %mul3A_249 = arith.muli %arg1, %mul3A_248 : i32
    %add3A_250 = arith.constant 40960 : i32
    %add3A_251 = arith.addi %add3A_250, %mul3A_249 : i32
    "tpu.region"() ({
      %run_scoped3A = tpu.sem_alloc : memref<!tpu.dma_semaphore, #tpu.memory_space<semaphore_mem>>
      %dma_start3A = tpu.memref_slice %arg8[%add3A_251] : memref<163840xf32, #tpu.memory_space<vmem_shared>> -> memref<640xf32, #tpu.memory_space<vmem_shared>>
      %dma_start3A_364 = tpu.memref_slice %arg8[%add3A_251] : memref<163840xf32, #tpu.memory_space<vmem_shared>> -> memref<640xf32, #tpu.memory_space<vmem_shared>>
      tpu.enqueue_dma source(%dma_start3A_364 : memref<640xf32, #tpu.memory_space<vmem_shared>>) target(%arg7 : memref<640xf32, #tpu.memory_space<vmem>>) target_semaphore(%run_scoped3A : memref<!tpu.dma_semaphore, #tpu.memory_space<semaphore_mem>>)
      %dma_wait3A = tpu.memref_slice %arg8[%add3A_251] : memref<163840xf32, #tpu.memory_space<vmem_shared>> -> memref<640xf32, #tpu.memory_space<vmem_shared>>
      %dma_wait3A_365 = tpu.memref_slice %arg8[%add3A_251] : memref<163840xf32, #tpu.memory_space<vmem_shared>> -> memref<640xf32, #tpu.memory_space<vmem_shared>>
      tpu.wait_dma2 semaphore(%run_scoped3A : memref<!tpu.dma_semaphore, #tpu.memory_space<semaphore_mem>>) src(%dma_wait3A_365 : memref<640xf32, #tpu.memory_space<vmem_shared>>) dst(%arg7 : memref<640xf32, #tpu.memory_space<vmem>>)
      tpu.yield
    }) : () -> ()
    %scan3A_252 = arith.constant 0 : i32
    %scan3A_253 = arith.constant 40 : i32
    %scan3A_254 = arith.addi %scan3A_252, %scan3A_253 : i32
    %scan3A_255 = arith.constant 1 : i32
    scf.for %scan3A_364 = %scan3A_252 to %scan3A_254 step %scan3A_255  : i32 {
      %mul3A_365 = arith.constant 1 : i32
      %mul3A_366 = arith.muli %scan3A_364, %mul3A_365 : i32
      %add3A_367 = arith.constant 0 : i32
      %add3A_368 = arith.addi %add3A_367, %mul3A_366 : i32
      %mul3A_369 = arith.constant 16 : i32
      %mul3A_370 = arith.muli %add3A_368, %mul3A_369 : i32
      %get3A_371 = arith.index_cast %mul3A_370 : i32 to index
      %get3A_372 = tpu.vector_load %arg6[%get3A_371] {strides = array<i32>} : memref<640xf32, #tpu.memory_space<vmem>>, vector<16xf32>,
      %mul3A_373 = arith.constant 16 : i32
      %mul3A_374 = arith.muli %add3A_368, %mul3A_373 : i32
      %get3A_375 = arith.index_cast %mul3A_374 : i32 to index
      %get3A_376 = tpu.vector_load %arg7[%get3A_375] {strides = array<i32>} : memref<640xf32, #tpu.memory_space<vmem>>, vector<16xf32>,
      %add3A_377 = arith.addf %get3A_372, %get3A_376 : vector<16xf32>
      %mul3A_378 = arith.constant 16 : i32
      %mul3A_379 = arith.muli %add3A_368, %mul3A_378 : i32
      %swap3A = arith.index_cast %mul3A_379 : i32 to index
      %swap3A_380 = tpu.vector_load %arg6[%swap3A] {strides = array<i32>} : memref<640xf32, #tpu.memory_space<vmem>>, vector<16xf32>,
      tpu.vector_store %arg6[%swap3A], %add3A_377 {strides = array<i32>} : memref<640xf32, #tpu.memory_space<vmem>>, vector<16xf32>,
    }
    %scan3A_256 = arith.constant 40 : i32
    %mul3A_257 = arith.constant 640 : i32
    %mul3A_258 = arith.muli %arg1, %mul3A_257 : i32
    %add3A_259 = arith.constant 51200 : i32
    %add3A_260 = arith.addi %add3A_259, %mul3A_258 : i32
    "tpu.region"() ({
      %run_scoped3A = tpu.sem_alloc : memref<!tpu.dma_semaphore, #tpu.memory_space<semaphore_mem>>
      %dma_start3A = tpu.memref_slice %arg8[%add3A_260] : memref<163840xf32, #tpu.memory_space<vmem_shared>> -> memref<640xf32, #tpu.memory_space<vmem_shared>>
      %dma_start3A_364 = tpu.memref_slice %arg8[%add3A_260] : memref<163840xf32, #tpu.memory_space<vmem_shared>> -> memref<640xf32, #tpu.memory_space<vmem_shared>>
      tpu.enqueue_dma source(%dma_start3A_364 : memref<640xf32, #tpu.memory_space<vmem_shared>>) target(%arg7 : memref<640xf32, #tpu.memory_space<vmem>>) target_semaphore(%run_scoped3A : memref<!tpu.dma_semaphore, #tpu.memory_space<semaphore_mem>>)
      %dma_wait3A = tpu.memref_slice %arg8[%add3A_260] : memref<163840xf32, #tpu.memory_space<vmem_shared>> -> memref<640xf32, #tpu.memory_space<vmem_shared>>
      %dma_wait3A_365 = tpu.memref_slice %arg8[%add3A_260] : memref<163840xf32, #tpu.memory_space<vmem_shared>> -> memref<640xf32, #tpu.memory_space<vmem_shared>>
      tpu.wait_dma2 semaphore(%run_scoped3A : memref<!tpu.dma_semaphore, #tpu.memory_space<semaphore_mem>>) src(%dma_wait3A_365 : memref<640xf32, #tpu.memory_space<vmem_shared>>) dst(%arg7 : memref<640xf32, #tpu.memory_space<vmem>>)
      tpu.yield
    }) : () -> ()
    %scan3A_261 = arith.constant 0 : i32
    %scan3A_262 = arith.constant 40 : i32
    %scan3A_263 = arith.addi %scan3A_261, %scan3A_262 : i32
    %scan3A_264 = arith.constant 1 : i32
    scf.for %scan3A_364 = %scan3A_261 to %scan3A_263 step %scan3A_264  : i32 {
      %mul3A_365 = arith.constant 1 : i32
      %mul3A_366 = arith.muli %scan3A_364, %mul3A_365 : i32
      %add3A_367 = arith.constant 0 : i32
      %add3A_368 = arith.addi %add3A_367, %mul3A_366 : i32
      %mul3A_369 = arith.constant 16 : i32
      %mul3A_370 = arith.muli %add3A_368, %mul3A_369 : i32
      %get3A_371 = arith.index_cast %mul3A_370 : i32 to index
      %get3A_372 = tpu.vector_load %arg6[%get3A_371] {strides = array<i32>} : memref<640xf32, #tpu.memory_space<vmem>>, vector<16xf32>,
      %mul3A_373 = arith.constant 16 : i32
      %mul3A_374 = arith.muli %add3A_368, %mul3A_373 : i32
      %get3A_375 = arith.index_cast %mul3A_374 : i32 to index
      %get3A_376 = tpu.vector_load %arg7[%get3A_375] {strides = array<i32>} : memref<640xf32, #tpu.memory_space<vmem>>, vector<16xf32>,
      %add3A_377 = arith.addf %get3A_372, %get3A_376 : vector<16xf32>
      %mul3A_378 = arith.constant 16 : i32
      %mul3A_379 = arith.muli %add3A_368, %mul3A_378 : i32
      %swap3A = arith.index_cast %mul3A_379 : i32 to index
      %swap3A_380 = tpu.vector_load %arg6[%swap3A] {strides = array<i32>} : memref<640xf32, #tpu.memory_space<vmem>>, vector<16xf32>,
      tpu.vector_store %arg6[%swap3A], %add3A_377 {strides = array<i32>} : memref<640xf32, #tpu.memory_space<vmem>>, vector<16xf32>,
    }
    %scan3A_265 = arith.constant 40 : i32
    %mul3A_266 = arith.constant 640 : i32
    %mul3A_267 = arith.muli %arg1, %mul3A_266 : i32
    %add3A_268 = arith.constant 61440 : i32
    %add3A_269 = arith.addi %add3A_268, %mul3A_267 : i32
    "tpu.region"() ({
      %run_scoped3A = tpu.sem_alloc : memref<!tpu.dma_semaphore, #tpu.memory_space<semaphore_mem>>
      %dma_start3A = tpu.memref_slice %arg8[%add3A_269] : memref<163840xf32, #tpu.memory_space<vmem_shared>> -> memref<640xf32, #tpu.memory_space<vmem_shared>>
      %dma_start3A_364 = tpu.memref_slice %arg8[%add3A_269] : memref<163840xf32, #tpu.memory_space<vmem_shared>> -> memref<640xf32, #tpu.memory_space<vmem_shared>>
      tpu.enqueue_dma source(%dma_start3A_364 : memref<640xf32, #tpu.memory_space<vmem_shared>>) target(%arg7 : memref<640xf32, #tpu.memory_space<vmem>>) target_semaphore(%run_scoped3A : memref<!tpu.dma_semaphore, #tpu.memory_space<semaphore_mem>>)
      %dma_wait3A = tpu.memref_slice %arg8[%add3A_269] : memref<163840xf32, #tpu.memory_space<vmem_shared>> -> memref<640xf32, #tpu.memory_space<vmem_shared>>
      %dma_wait3A_365 = tpu.memref_slice %arg8[%add3A_269] : memref<163840xf32, #tpu.memory_space<vmem_shared>> -> memref<640xf32, #tpu.memory_space<vmem_shared>>
      tpu.wait_dma2 semaphore(%run_scoped3A : memref<!tpu.dma_semaphore, #tpu.memory_space<semaphore_mem>>) src(%dma_wait3A_365 : memref<640xf32, #tpu.memory_space<vmem_shared>>) dst(%arg7 : memref<640xf32, #tpu.memory_space<vmem>>)
      tpu.yield
    }) : () -> ()
    %scan3A_270 = arith.constant 0 : i32
    %scan3A_271 = arith.constant 40 : i32
    %scan3A_272 = arith.addi %scan3A_270, %scan3A_271 : i32
    %scan3A_273 = arith.constant 1 : i32
    scf.for %scan3A_364 = %scan3A_270 to %scan3A_272 step %scan3A_273  : i32 {
      %mul3A_365 = arith.constant 1 : i32
      %mul3A_366 = arith.muli %scan3A_364, %mul3A_365 : i32
      %add3A_367 = arith.constant 0 : i32
      %add3A_368 = arith.addi %add3A_367, %mul3A_366 : i32
      %mul3A_369 = arith.constant 16 : i32
      %mul3A_370 = arith.muli %add3A_368, %mul3A_369 : i32
      %get3A_371 = arith.index_cast %mul3A_370 : i32 to index
      %get3A_372 = tpu.vector_load %arg6[%get3A_371] {strides = array<i32>} : memref<640xf32, #tpu.memory_space<vmem>>, vector<16xf32>,
      %mul3A_373 = arith.constant 16 : i32
      %mul3A_374 = arith.muli %add3A_368, %mul3A_373 : i32
      %get3A_375 = arith.index_cast %mul3A_374 : i32 to index
      %get3A_376 = tpu.vector_load %arg7[%get3A_375] {strides = array<i32>} : memref<640xf32, #tpu.memory_space<vmem>>, vector<16xf32>,
      %add3A_377 = arith.addf %get3A_372, %get3A_376 : vector<16xf32>
      %mul3A_378 = arith.constant 16 : i32
      %mul3A_379 = arith.muli %add3A_368, %mul3A_378 : i32
      %swap3A = arith.index_cast %mul3A_379 : i32 to index
      %swap3A_380 = tpu.vector_load %arg6[%swap3A] {strides = array<i32>} : memref<640xf32, #tpu.memory_space<vmem>>, vector<16xf32>,
      tpu.vector_store %arg6[%swap3A], %add3A_377 {strides = array<i32>} : memref<640xf32, #tpu.memory_space<vmem>>, vector<16xf32>,
    }
    %scan3A_274 = arith.constant 40 : i32
    %mul3A_275 = arith.constant 640 : i32
    %mul3A_276 = arith.muli %arg1, %mul3A_275 : i32
    %add3A_277 = arith.constant 71680 : i32
    %add3A_278 = arith.addi %add3A_277, %mul3A_276 : i32
    "tpu.region"() ({
      %run_scoped3A = tpu.sem_alloc : memref<!tpu.dma_semaphore, #tpu.memory_space<semaphore_mem>>
      %dma_start3A = tpu.memref_slice %arg8[%add3A_278] : memref<163840xf32, #tpu.memory_space<vmem_shared>> -> memref<640xf32, #tpu.memory_space<vmem_shared>>
      %dma_start3A_364 = tpu.memref_slice %arg8[%add3A_278] : memref<163840xf32, #tpu.memory_space<vmem_shared>> -> memref<640xf32, #tpu.memory_space<vmem_shared>>
      tpu.enqueue_dma source(%dma_start3A_364 : memref<640xf32, #tpu.memory_space<vmem_shared>>) target(%arg7 : memref<640xf32, #tpu.memory_space<vmem>>) target_semaphore(%run_scoped3A : memref<!tpu.dma_semaphore, #tpu.memory_space<semaphore_mem>>)
      %dma_wait3A = tpu.memref_slice %arg8[%add3A_278] : memref<163840xf32, #tpu.memory_space<vmem_shared>> -> memref<640xf32, #tpu.memory_space<vmem_shared>>
      %dma_wait3A_365 = tpu.memref_slice %arg8[%add3A_278] : memref<163840xf32, #tpu.memory_space<vmem_shared>> -> memref<640xf32, #tpu.memory_space<vmem_shared>>
      tpu.wait_dma2 semaphore(%run_scoped3A : memref<!tpu.dma_semaphore, #tpu.memory_space<semaphore_mem>>) src(%dma_wait3A_365 : memref<640xf32, #tpu.memory_space<vmem_shared>>) dst(%arg7 : memref<640xf32, #tpu.memory_space<vmem>>)
      tpu.yield
    }) : () -> ()
    %scan3A_279 = arith.constant 0 : i32
    %scan3A_280 = arith.constant 40 : i32
    %scan3A_281 = arith.addi %scan3A_279, %scan3A_280 : i32
    %scan3A_282 = arith.constant 1 : i32
    scf.for %scan3A_364 = %scan3A_279 to %scan3A_281 step %scan3A_282  : i32 {
      %mul3A_365 = arith.constant 1 : i32
      %mul3A_366 = arith.muli %scan3A_364, %mul3A_365 : i32
      %add3A_367 = arith.constant 0 : i32
      %add3A_368 = arith.addi %add3A_367, %mul3A_366 : i32
      %mul3A_369 = arith.constant 16 : i32
      %mul3A_370 = arith.muli %add3A_368, %mul3A_369 : i32
      %get3A_371 = arith.index_cast %mul3A_370 : i32 to index
      %get3A_372 = tpu.vector_load %arg6[%get3A_371] {strides = array<i32>} : memref<640xf32, #tpu.memory_space<vmem>>, vector<16xf32>,
      %mul3A_373 = arith.constant 16 : i32
      %mul3A_374 = arith.muli %add3A_368, %mul3A_373 : i32
      %get3A_375 = arith.index_cast %mul3A_374 : i32 to index
      %get3A_376 = tpu.vector_load %arg7[%get3A_375] {strides = array<i32>} : memref<640xf32, #tpu.memory_space<vmem>>, vector<16xf32>,
      %add3A_377 = arith.addf %get3A_372, %get3A_376 : vector<16xf32>
      %mul3A_378 = arith.constant 16 : i32
      %mul3A_379 = arith.muli %add3A_368, %mul3A_378 : i32
      %swap3A = arith.index_cast %mul3A_379 : i32 to index
      %swap3A_380 = tpu.vector_load %arg6[%swap3A] {strides = array<i32>} : memref<640xf32, #tpu.memory_space<vmem>>, vector<16xf32>,
      tpu.vector_store %arg6[%swap3A], %add3A_377 {strides = array<i32>} : memref<640xf32, #tpu.memory_space<vmem>>, vector<16xf32>,
    }
    %scan3A_283 = arith.constant 40 : i32
    %mul3A_284 = arith.constant 640 : i32
    %mul3A_285 = arith.muli %arg1, %mul3A_284 : i32
    %add3A_286 = arith.constant 81920 : i32
    %add3A_287 = arith.addi %add3A_286, %mul3A_285 : i32
    "tpu.region"() ({
      %run_scoped3A = tpu.sem_alloc : memref<!tpu.dma_semaphore, #tpu.memory_space<semaphore_mem>>
      %dma_start3A = tpu.memref_slice %arg8[%add3A_287] : memref<163840xf32, #tpu.memory_space<vmem_shared>> -> memref<640xf32, #tpu.memory_space<vmem_shared>>
      %dma_start3A_364 = tpu.memref_slice %arg8[%add3A_287] : memref<163840xf32, #tpu.memory_space<vmem_shared>> -> memref<640xf32, #tpu.memory_space<vmem_shared>>
      tpu.enqueue_dma source(%dma_start3A_364 : memref<640xf32, #tpu.memory_space<vmem_shared>>) target(%arg7 : memref<640xf32, #tpu.memory_space<vmem>>) target_semaphore(%run_scoped3A : memref<!tpu.dma_semaphore, #tpu.memory_space<semaphore_mem>>)
      %dma_wait3A = tpu.memref_slice %arg8[%add3A_287] : memref<163840xf32, #tpu.memory_space<vmem_shared>> -> memref<640xf32, #tpu.memory_space<vmem_shared>>
      %dma_wait3A_365 = tpu.memref_slice %arg8[%add3A_287] : memref<163840xf32, #tpu.memory_space<vmem_shared>> -> memref<640xf32, #tpu.memory_space<vmem_shared>>
      tpu.wait_dma2 semaphore(%run_scoped3A : memref<!tpu.dma_semaphore, #tpu.memory_space<semaphore_mem>>) src(%dma_wait3A_365 : memref<640xf32, #tpu.memory_space<vmem_shared>>) dst(%arg7 : memref<640xf32, #tpu.memory_space<vmem>>)
      tpu.yield
    }) : () -> ()
    %scan3A_288 = arith.constant 0 : i32
    %scan3A_289 = arith.constant 40 : i32
    %scan3A_290 = arith.addi %scan3A_288, %scan3A_289 : i32
    %scan3A_291 = arith.constant 1 : i32
    scf.for %scan3A_364 = %scan3A_288 to %scan3A_290 step %scan3A_291  : i32 {
      %mul3A_365 = arith.constant 1 : i32
      %mul3A_366 = arith.muli %scan3A_364, %mul3A_365 : i32
      %add3A_367 = arith.constant 0 : i32
      %add3A_368 = arith.addi %add3A_367, %mul3A_366 : i32
      %mul3A_369 = arith.constant 16 : i32
      %mul3A_370 = arith.muli %add3A_368, %mul3A_369 : i32
      %get3A_371 = arith.index_cast %mul3A_370 : i32 to index
      %get3A_372 = tpu.vector_load %arg6[%get3A_371] {strides = array<i32>} : memref<640xf32, #tpu.memory_space<vmem>>, vector<16xf32>,
      %mul3A_373 = arith.constant 16 : i32
      %mul3A_374 = arith.muli %add3A_368, %mul3A_373 : i32
      %get3A_375 = arith.index_cast %mul3A_374 : i32 to index
      %get3A_376 = tpu.vector_load %arg7[%get3A_375] {strides = array<i32>} : memref<640xf32, #tpu.memory_space<vmem>>, vector<16xf32>,
      %add3A_377 = arith.addf %get3A_372, %get3A_376 : vector<16xf32>
      %mul3A_378 = arith.constant 16 : i32
      %mul3A_379 = arith.muli %add3A_368, %mul3A_378 : i32
      %swap3A = arith.index_cast %mul3A_379 : i32 to index
      %swap3A_380 = tpu.vector_load %arg6[%swap3A] {strides = array<i32>} : memref<640xf32, #tpu.memory_space<vmem>>, vector<16xf32>,
      tpu.vector_store %arg6[%swap3A], %add3A_377 {strides = array<i32>} : memref<640xf32, #tpu.memory_space<vmem>>, vector<16xf32>,
    }
    %scan3A_292 = arith.constant 40 : i32
    %mul3A_293 = arith.constant 640 : i32
    %mul3A_294 = arith.muli %arg1, %mul3A_293 : i32
    %add3A_295 = arith.constant 92160 : i32
    %add3A_296 = arith.addi %add3A_295, %mul3A_294 : i32
    "tpu.region"() ({
      %run_scoped3A = tpu.sem_alloc : memref<!tpu.dma_semaphore, #tpu.memory_space<semaphore_mem>>
      %dma_start3A = tpu.memref_slice %arg8[%add3A_296] : memref<163840xf32, #tpu.memory_space<vmem_shared>> -> memref<640xf32, #tpu.memory_space<vmem_shared>>
      %dma_start3A_364 = tpu.memref_slice %arg8[%add3A_296] : memref<163840xf32, #tpu.memory_space<vmem_shared>> -> memref<640xf32, #tpu.memory_space<vmem_shared>>
      tpu.enqueue_dma source(%dma_start3A_364 : memref<640xf32, #tpu.memory_space<vmem_shared>>) target(%arg7 : memref<640xf32, #tpu.memory_space<vmem>>) target_semaphore(%run_scoped3A : memref<!tpu.dma_semaphore, #tpu.memory_space<semaphore_mem>>)
      %dma_wait3A = tpu.memref_slice %arg8[%add3A_296] : memref<163840xf32, #tpu.memory_space<vmem_shared>> -> memref<640xf32, #tpu.memory_space<vmem_shared>>
      %dma_wait3A_365 = tpu.memref_slice %arg8[%add3A_296] : memref<163840xf32, #tpu.memory_space<vmem_shared>> -> memref<640xf32, #tpu.memory_space<vmem_shared>>
      tpu.wait_dma2 semaphore(%run_scoped3A : memref<!tpu.dma_semaphore, #tpu.memory_space<semaphore_mem>>) src(%dma_wait3A_365 : memref<640xf32, #tpu.memory_space<vmem_shared>>) dst(%arg7 : memref<640xf32, #tpu.memory_space<vmem>>)
      tpu.yield
    }) : () -> ()
    %scan3A_297 = arith.constant 0 : i32
    %scan3A_298 = arith.constant 40 : i32
    %scan3A_299 = arith.addi %scan3A_297, %scan3A_298 : i32
    %scan3A_300 = arith.constant 1 : i32
    scf.for %scan3A_364 = %scan3A_297 to %scan3A_299 step %scan3A_300  : i32 {
      %mul3A_365 = arith.constant 1 : i32
      %mul3A_366 = arith.muli %scan3A_364, %mul3A_365 : i32
      %add3A_367 = arith.constant 0 : i32
      %add3A_368 = arith.addi %add3A_367, %mul3A_366 : i32
      %mul3A_369 = arith.constant 16 : i32
      %mul3A_370 = arith.muli %add3A_368, %mul3A_369 : i32
      %get3A_371 = arith.index_cast %mul3A_370 : i32 to index
      %get3A_372 = tpu.vector_load %arg6[%get3A_371] {strides = array<i32>} : memref<640xf32, #tpu.memory_space<vmem>>, vector<16xf32>,
      %mul3A_373 = arith.constant 16 : i32
      %mul3A_374 = arith.muli %add3A_368, %mul3A_373 : i32
      %get3A_375 = arith.index_cast %mul3A_374 : i32 to index
      %get3A_376 = tpu.vector_load %arg7[%get3A_375] {strides = array<i32>} : memref<640xf32, #tpu.memory_space<vmem>>, vector<16xf32>,
      %add3A_377 = arith.addf %get3A_372, %get3A_376 : vector<16xf32>
      %mul3A_378 = arith.constant 16 : i32
      %mul3A_379 = arith.muli %add3A_368, %mul3A_378 : i32
      %swap3A = arith.index_cast %mul3A_379 : i32 to index
      %swap3A_380 = tpu.vector_load %arg6[%swap3A] {strides = array<i32>} : memref<640xf32, #tpu.memory_space<vmem>>, vector<16xf32>,
      tpu.vector_store %arg6[%swap3A], %add3A_377 {strides = array<i32>} : memref<640xf32, #tpu.memory_space<vmem>>, vector<16xf32>,
    }
    %scan3A_301 = arith.constant 40 : i32
    %mul3A_302 = arith.constant 640 : i32
    %mul3A_303 = arith.muli %arg1, %mul3A_302 : i32
    %add3A_304 = arith.constant 102400 : i32
    %add3A_305 = arith.addi %add3A_304, %mul3A_303 : i32
    "tpu.region"() ({
      %run_scoped3A = tpu.sem_alloc : memref<!tpu.dma_semaphore, #tpu.memory_space<semaphore_mem>>
      %dma_start3A = tpu.memref_slice %arg8[%add3A_305] : memref<163840xf32, #tpu.memory_space<vmem_shared>> -> memref<640xf32, #tpu.memory_space<vmem_shared>>
      %dma_start3A_364 = tpu.memref_slice %arg8[%add3A_305] : memref<163840xf32, #tpu.memory_space<vmem_shared>> -> memref<640xf32, #tpu.memory_space<vmem_shared>>
      tpu.enqueue_dma source(%dma_start3A_364 : memref<640xf32, #tpu.memory_space<vmem_shared>>) target(%arg7 : memref<640xf32, #tpu.memory_space<vmem>>) target_semaphore(%run_scoped3A : memref<!tpu.dma_semaphore, #tpu.memory_space<semaphore_mem>>)
      %dma_wait3A = tpu.memref_slice %arg8[%add3A_305] : memref<163840xf32, #tpu.memory_space<vmem_shared>> -> memref<640xf32, #tpu.memory_space<vmem_shared>>
      %dma_wait3A_365 = tpu.memref_slice %arg8[%add3A_305] : memref<163840xf32, #tpu.memory_space<vmem_shared>> -> memref<640xf32, #tpu.memory_space<vmem_shared>>
      tpu.wait_dma2 semaphore(%run_scoped3A : memref<!tpu.dma_semaphore, #tpu.memory_space<semaphore_mem>>) src(%dma_wait3A_365 : memref<640xf32, #tpu.memory_space<vmem_shared>>) dst(%arg7 : memref<640xf32, #tpu.memory_space<vmem>>)
      tpu.yield
    }) : () -> ()
    %scan3A_306 = arith.constant 0 : i32
    %scan3A_307 = arith.constant 40 : i32
    %scan3A_308 = arith.addi %scan3A_306, %scan3A_307 : i32
    %scan3A_309 = arith.constant 1 : i32
    scf.for %scan3A_364 = %scan3A_306 to %scan3A_308 step %scan3A_309  : i32 {
      %mul3A_365 = arith.constant 1 : i32
      %mul3A_366 = arith.muli %scan3A_364, %mul3A_365 : i32
      %add3A_367 = arith.constant 0 : i32
      %add3A_368 = arith.addi %add3A_367, %mul3A_366 : i32
      %mul3A_369 = arith.constant 16 : i32
      %mul3A_370 = arith.muli %add3A_368, %mul3A_369 : i32
      %get3A_371 = arith.index_cast %mul3A_370 : i32 to index
      %get3A_372 = tpu.vector_load %arg6[%get3A_371] {strides = array<i32>} : memref<640xf32, #tpu.memory_space<vmem>>, vector<16xf32>,
      %mul3A_373 = arith.constant 16 : i32
      %mul3A_374 = arith.muli %add3A_368, %mul3A_373 : i32
      %get3A_375 = arith.index_cast %mul3A_374 : i32 to index
      %get3A_376 = tpu.vector_load %arg7[%get3A_375] {strides = array<i32>} : memref<640xf32, #tpu.memory_space<vmem>>, vector<16xf32>,
      %add3A_377 = arith.addf %get3A_372, %get3A_376 : vector<16xf32>
      %mul3A_378 = arith.constant 16 : i32
      %mul3A_379 = arith.muli %add3A_368, %mul3A_378 : i32
      %swap3A = arith.index_cast %mul3A_379 : i32 to index
      %swap3A_380 = tpu.vector_load %arg6[%swap3A] {strides = array<i32>} : memref<640xf32, #tpu.memory_space<vmem>>, vector<16xf32>,
      tpu.vector_store %arg6[%swap3A], %add3A_377 {strides = array<i32>} : memref<640xf32, #tpu.memory_space<vmem>>, vector<16xf32>,
    }
    %scan3A_310 = arith.constant 40 : i32
    %mul3A_311 = arith.constant 640 : i32
    %mul3A_312 = arith.muli %arg1, %mul3A_311 : i32
    %add3A_313 = arith.constant 112640 : i32
    %add3A_314 = arith.addi %add3A_313, %mul3A_312 : i32
    "tpu.region"() ({
      %run_scoped3A = tpu.sem_alloc : memref<!tpu.dma_semaphore, #tpu.memory_space<semaphore_mem>>
      %dma_start3A = tpu.memref_slice %arg8[%add3A_314] : memref<163840xf32, #tpu.memory_space<vmem_shared>> -> memref<640xf32, #tpu.memory_space<vmem_shared>>
      %dma_start3A_364 = tpu.memref_slice %arg8[%add3A_314] : memref<163840xf32, #tpu.memory_space<vmem_shared>> -> memref<640xf32, #tpu.memory_space<vmem_shared>>
      tpu.enqueue_dma source(%dma_start3A_364 : memref<640xf32, #tpu.memory_space<vmem_shared>>) target(%arg7 : memref<640xf32, #tpu.memory_space<vmem>>) target_semaphore(%run_scoped3A : memref<!tpu.dma_semaphore, #tpu.memory_space<semaphore_mem>>)
      %dma_wait3A = tpu.memref_slice %arg8[%add3A_314] : memref<163840xf32, #tpu.memory_space<vmem_shared>> -> memref<640xf32, #tpu.memory_space<vmem_shared>>
      %dma_wait3A_365 = tpu.memref_slice %arg8[%add3A_314] : memref<163840xf32, #tpu.memory_space<vmem_shared>> -> memref<640xf32, #tpu.memory_space<vmem_shared>>
      tpu.wait_dma2 semaphore(%run_scoped3A : memref<!tpu.dma_semaphore, #tpu.memory_space<semaphore_mem>>) src(%dma_wait3A_365 : memref<640xf32, #tpu.memory_space<vmem_shared>>) dst(%arg7 : memref<640xf32, #tpu.memory_space<vmem>>)
      tpu.yield
    }) : () -> ()
    %scan3A_315 = arith.constant 0 : i32
    %scan3A_316 = arith.constant 40 : i32
    %scan3A_317 = arith.addi %scan3A_315, %scan3A_316 : i32
    %scan3A_318 = arith.constant 1 : i32
    scf.for %scan3A_364 = %scan3A_315 to %scan3A_317 step %scan3A_318  : i32 {
      %mul3A_365 = arith.constant 1 : i32
      %mul3A_366 = arith.muli %scan3A_364, %mul3A_365 : i32
      %add3A_367 = arith.constant 0 : i32
      %add3A_368 = arith.addi %add3A_367, %mul3A_366 : i32
      %mul3A_369 = arith.constant 16 : i32
      %mul3A_370 = arith.muli %add3A_368, %mul3A_369 : i32
      %get3A_371 = arith.index_cast %mul3A_370 : i32 to index
      %get3A_372 = tpu.vector_load %arg6[%get3A_371] {strides = array<i32>} : memref<640xf32, #tpu.memory_space<vmem>>, vector<16xf32>,
      %mul3A_373 = arith.constant 16 : i32
      %mul3A_374 = arith.muli %add3A_368, %mul3A_373 : i32
      %get3A_375 = arith.index_cast %mul3A_374 : i32 to index
      %get3A_376 = tpu.vector_load %arg7[%get3A_375] {strides = array<i32>} : memref<640xf32, #tpu.memory_space<vmem>>, vector<16xf32>,
      %add3A_377 = arith.addf %get3A_372, %get3A_376 : vector<16xf32>
      %mul3A_378 = arith.constant 16 : i32
      %mul3A_379 = arith.muli %add3A_368, %mul3A_378 : i32
      %swap3A = arith.index_cast %mul3A_379 : i32 to index
      %swap3A_380 = tpu.vector_load %arg6[%swap3A] {strides = array<i32>} : memref<640xf32, #tpu.memory_space<vmem>>, vector<16xf32>,
      tpu.vector_store %arg6[%swap3A], %add3A_377 {strides = array<i32>} : memref<640xf32, #tpu.memory_space<vmem>>, vector<16xf32>,
    }
    %scan3A_319 = arith.constant 40 : i32
    %mul3A_320 = arith.constant 640 : i32
    %mul3A_321 = arith.muli %arg1, %mul3A_320 : i32
    %add3A_322 = arith.constant 122880 : i32
    %add3A_323 = arith.addi %add3A_322, %mul3A_321 : i32
    "tpu.region"() ({
      %run_scoped3A = tpu.sem_alloc : memref<!tpu.dma_semaphore, #tpu.memory_space<semaphore_mem>>
      %dma_start3A = tpu.memref_slice %arg8[%add3A_323] : memref<163840xf32, #tpu.memory_space<vmem_shared>> -> memref<640xf32, #tpu.memory_space<vmem_shared>>
      %dma_start3A_364 = tpu.memref_slice %arg8[%add3A_323] : memref<163840xf32, #tpu.memory_space<vmem_shared>> -> memref<640xf32, #tpu.memory_space<vmem_shared>>
      tpu.enqueue_dma source(%dma_start3A_364 : memref<640xf32, #tpu.memory_space<vmem_shared>>) target(%arg7 : memref<640xf32, #tpu.memory_space<vmem>>) target_semaphore(%run_scoped3A : memref<!tpu.dma_semaphore, #tpu.memory_space<semaphore_mem>>)
      %dma_wait3A = tpu.memref_slice %arg8[%add3A_323] : memref<163840xf32, #tpu.memory_space<vmem_shared>> -> memref<640xf32, #tpu.memory_space<vmem_shared>>
      %dma_wait3A_365 = tpu.memref_slice %arg8[%add3A_323] : memref<163840xf32, #tpu.memory_space<vmem_shared>> -> memref<640xf32, #tpu.memory_space<vmem_shared>>
      tpu.wait_dma2 semaphore(%run_scoped3A : memref<!tpu.dma_semaphore, #tpu.memory_space<semaphore_mem>>) src(%dma_wait3A_365 : memref<640xf32, #tpu.memory_space<vmem_shared>>) dst(%arg7 : memref<640xf32, #tpu.memory_space<vmem>>)
      tpu.yield
    }) : () -> ()
    %scan3A_324 = arith.constant 0 : i32
    %scan3A_325 = arith.constant 40 : i32
    %scan3A_326 = arith.addi %scan3A_324, %scan3A_325 : i32
    %scan3A_327 = arith.constant 1 : i32
    scf.for %scan3A_364 = %scan3A_324 to %scan3A_326 step %scan3A_327  : i32 {
      %mul3A_365 = arith.constant 1 : i32
      %mul3A_366 = arith.muli %scan3A_364, %mul3A_365 : i32
      %add3A_367 = arith.constant 0 : i32
      %add3A_368 = arith.addi %add3A_367, %mul3A_366 : i32
      %mul3A_369 = arith.constant 16 : i32
      %mul3A_370 = arith.muli %add3A_368, %mul3A_369 : i32
      %get3A_371 = arith.index_cast %mul3A_370 : i32 to index
      %get3A_372 = tpu.vector_load %arg6[%get3A_371] {strides = array<i32>} : memref<640xf32, #tpu.memory_space<vmem>>, vector<16xf32>,
      %mul3A_373 = arith.constant 16 : i32
      %mul3A_374 = arith.muli %add3A_368, %mul3A_373 : i32
      %get3A_375 = arith.index_cast %mul3A_374 : i32 to index
      %get3A_376 = tpu.vector_load %arg7[%get3A_375] {strides = array<i32>} : memref<640xf32, #tpu.memory_space<vmem>>, vector<16xf32>,
      %add3A_377 = arith.addf %get3A_372, %get3A_376 : vector<16xf32>
      %mul3A_378 = arith.constant 16 : i32
      %mul3A_379 = arith.muli %add3A_368, %mul3A_378 : i32
      %swap3A = arith.index_cast %mul3A_379 : i32 to index
      %swap3A_380 = tpu.vector_load %arg6[%swap3A] {strides = array<i32>} : memref<640xf32, #tpu.memory_space<vmem>>, vector<16xf32>,
      tpu.vector_store %arg6[%swap3A], %add3A_377 {strides = array<i32>} : memref<640xf32, #tpu.memory_space<vmem>>, vector<16xf32>,
    }
    %scan3A_328 = arith.constant 40 : i32
    %mul3A_329 = arith.constant 640 : i32
    %mul3A_330 = arith.muli %arg1, %mul3A_329 : i32
    %add3A_331 = arith.constant 133120 : i32
    %add3A_332 = arith.addi %add3A_331, %mul3A_330 : i32
    "tpu.region"() ({
      %run_scoped3A = tpu.sem_alloc : memref<!tpu.dma_semaphore, #tpu.memory_space<semaphore_mem>>
      %dma_start3A = tpu.memref_slice %arg8[%add3A_332] : memref<163840xf32, #tpu.memory_space<vmem_shared>> -> memref<640xf32, #tpu.memory_space<vmem_shared>>
      %dma_start3A_364 = tpu.memref_slice %arg8[%add3A_332] : memref<163840xf32, #tpu.memory_space<vmem_shared>> -> memref<640xf32, #tpu.memory_space<vmem_shared>>
      tpu.enqueue_dma source(%dma_start3A_364 : memref<640xf32, #tpu.memory_space<vmem_shared>>) target(%arg7 : memref<640xf32, #tpu.memory_space<vmem>>) target_semaphore(%run_scoped3A : memref<!tpu.dma_semaphore, #tpu.memory_space<semaphore_mem>>)
      %dma_wait3A = tpu.memref_slice %arg8[%add3A_332] : memref<163840xf32, #tpu.memory_space<vmem_shared>> -> memref<640xf32, #tpu.memory_space<vmem_shared>>
      %dma_wait3A_365 = tpu.memref_slice %arg8[%add3A_332] : memref<163840xf32, #tpu.memory_space<vmem_shared>> -> memref<640xf32, #tpu.memory_space<vmem_shared>>
      tpu.wait_dma2 semaphore(%run_scoped3A : memref<!tpu.dma_semaphore, #tpu.memory_space<semaphore_mem>>) src(%dma_wait3A_365 : memref<640xf32, #tpu.memory_space<vmem_shared>>) dst(%arg7 : memref<640xf32, #tpu.memory_space<vmem>>)
      tpu.yield
    }) : () -> ()
    %scan3A_333 = arith.constant 0 : i32
    %scan3A_334 = arith.constant 40 : i32
    %scan3A_335 = arith.addi %scan3A_333, %scan3A_334 : i32
    %scan3A_336 = arith.constant 1 : i32
    scf.for %scan3A_364 = %scan3A_333 to %scan3A_335 step %scan3A_336  : i32 {
      %mul3A_365 = arith.constant 1 : i32
      %mul3A_366 = arith.muli %scan3A_364, %mul3A_365 : i32
      %add3A_367 = arith.constant 0 : i32
      %add3A_368 = arith.addi %add3A_367, %mul3A_366 : i32
      %mul3A_369 = arith.constant 16 : i32
      %mul3A_370 = arith.muli %add3A_368, %mul3A_369 : i32
      %get3A_371 = arith.index_cast %mul3A_370 : i32 to index
      %get3A_372 = tpu.vector_load %arg6[%get3A_371] {strides = array<i32>} : memref<640xf32, #tpu.memory_space<vmem>>, vector<16xf32>,
      %mul3A_373 = arith.constant 16 : i32
      %mul3A_374 = arith.muli %add3A_368, %mul3A_373 : i32
      %get3A_375 = arith.index_cast %mul3A_374 : i32 to index
      %get3A_376 = tpu.vector_load %arg7[%get3A_375] {strides = array<i32>} : memref<640xf32, #tpu.memory_space<vmem>>, vector<16xf32>,
      %add3A_377 = arith.addf %get3A_372, %get3A_376 : vector<16xf32>
      %mul3A_378 = arith.constant 16 : i32
      %mul3A_379 = arith.muli %add3A_368, %mul3A_378 : i32
      %swap3A = arith.index_cast %mul3A_379 : i32 to index
      %swap3A_380 = tpu.vector_load %arg6[%swap3A] {strides = array<i32>} : memref<640xf32, #tpu.memory_space<vmem>>, vector<16xf32>,
      tpu.vector_store %arg6[%swap3A], %add3A_377 {strides = array<i32>} : memref<640xf32, #tpu.memory_space<vmem>>, vector<16xf32>,
    }
    %scan3A_337 = arith.constant 40 : i32
    %mul3A_338 = arith.constant 640 : i32
    %mul3A_339 = arith.muli %arg1, %mul3A_338 : i32
    %add3A_340 = arith.constant 143360 : i32
    %add3A_341 = arith.addi %add3A_340, %mul3A_339 : i32
    "tpu.region"() ({
      %run_scoped3A = tpu.sem_alloc : memref<!tpu.dma_semaphore, #tpu.memory_space<semaphore_mem>>
      %dma_start3A = tpu.memref_slice %arg8[%add3A_341] : memref<163840xf32, #tpu.memory_space<vmem_shared>> -> memref<640xf32, #tpu.memory_space<vmem_shared>>
      %dma_start3A_364 = tpu.memref_slice %arg8[%add3A_341] : memref<163840xf32, #tpu.memory_space<vmem_shared>> -> memref<640xf32, #tpu.memory_space<vmem_shared>>
      tpu.enqueue_dma source(%dma_start3A_364 : memref<640xf32, #tpu.memory_space<vmem_shared>>) target(%arg7 : memref<640xf32, #tpu.memory_space<vmem>>) target_semaphore(%run_scoped3A : memref<!tpu.dma_semaphore, #tpu.memory_space<semaphore_mem>>)
      %dma_wait3A = tpu.memref_slice %arg8[%add3A_341] : memref<163840xf32, #tpu.memory_space<vmem_shared>> -> memref<640xf32, #tpu.memory_space<vmem_shared>>
      %dma_wait3A_365 = tpu.memref_slice %arg8[%add3A_341] : memref<163840xf32, #tpu.memory_space<vmem_shared>> -> memref<640xf32, #tpu.memory_space<vmem_shared>>
      tpu.wait_dma2 semaphore(%run_scoped3A : memref<!tpu.dma_semaphore, #tpu.memory_space<semaphore_mem>>) src(%dma_wait3A_365 : memref<640xf32, #tpu.memory_space<vmem_shared>>) dst(%arg7 : memref<640xf32, #tpu.memory_space<vmem>>)
      tpu.yield
    }) : () -> ()
    %scan3A_342 = arith.constant 0 : i32
    %scan3A_343 = arith.constant 40 : i32
    %scan3A_344 = arith.addi %scan3A_342, %scan3A_343 : i32
    %scan3A_345 = arith.constant 1 : i32
    scf.for %scan3A_364 = %scan3A_342 to %scan3A_344 step %scan3A_345  : i32 {
      %mul3A_365 = arith.constant 1 : i32
      %mul3A_366 = arith.muli %scan3A_364, %mul3A_365 : i32
      %add3A_367 = arith.constant 0 : i32
      %add3A_368 = arith.addi %add3A_367, %mul3A_366 : i32
      %mul3A_369 = arith.constant 16 : i32
      %mul3A_370 = arith.muli %add3A_368, %mul3A_369 : i32
      %get3A_371 = arith.index_cast %mul3A_370 : i32 to index
      %get3A_372 = tpu.vector_load %arg6[%get3A_371] {strides = array<i32>} : memref<640xf32, #tpu.memory_space<vmem>>, vector<16xf32>,
      %mul3A_373 = arith.constant 16 : i32
      %mul3A_374 = arith.muli %add3A_368, %mul3A_373 : i32
      %get3A_375 = arith.index_cast %mul3A_374 : i32 to index
      %get3A_376 = tpu.vector_load %arg7[%get3A_375] {strides = array<i32>} : memref<640xf32, #tpu.memory_space<vmem>>, vector<16xf32>,
      %add3A_377 = arith.addf %get3A_372, %get3A_376 : vector<16xf32>
      %mul3A_378 = arith.constant 16 : i32
      %mul3A_379 = arith.muli %add3A_368, %mul3A_378 : i32
      %swap3A = arith.index_cast %mul3A_379 : i32 to index
      %swap3A_380 = tpu.vector_load %arg6[%swap3A] {strides = array<i32>} : memref<640xf32, #tpu.memory_space<vmem>>, vector<16xf32>,
      tpu.vector_store %arg6[%swap3A], %add3A_377 {strides = array<i32>} : memref<640xf32, #tpu.memory_space<vmem>>, vector<16xf32>,
    }
    %scan3A_346 = arith.constant 40 : i32
    %mul3A_347 = arith.constant 640 : i32
    %mul3A_348 = arith.muli %arg1, %mul3A_347 : i32
    %add3A_349 = arith.constant 153600 : i32
    %add3A_350 = arith.addi %add3A_349, %mul3A_348 : i32
    "tpu.region"() ({
      %run_scoped3A = tpu.sem_alloc : memref<!tpu.dma_semaphore, #tpu.memory_space<semaphore_mem>>
      %dma_start3A = tpu.memref_slice %arg8[%add3A_350] : memref<163840xf32, #tpu.memory_space<vmem_shared>> -> memref<640xf32, #tpu.memory_space<vmem_shared>>
      %dma_start3A_364 = tpu.memref_slice %arg8[%add3A_350] : memref<163840xf32, #tpu.memory_space<vmem_shared>> -> memref<640xf32, #tpu.memory_space<vmem_shared>>
      tpu.enqueue_dma source(%dma_start3A_364 : memref<640xf32, #tpu.memory_space<vmem_shared>>) target(%arg7 : memref<640xf32, #tpu.memory_space<vmem>>) target_semaphore(%run_scoped3A : memref<!tpu.dma_semaphore, #tpu.memory_space<semaphore_mem>>)
      %dma_wait3A = tpu.memref_slice %arg8[%add3A_350] : memref<163840xf32, #tpu.memory_space<vmem_shared>> -> memref<640xf32, #tpu.memory_space<vmem_shared>>
      %dma_wait3A_365 = tpu.memref_slice %arg8[%add3A_350] : memref<163840xf32, #tpu.memory_space<vmem_shared>> -> memref<640xf32, #tpu.memory_space<vmem_shared>>
      tpu.wait_dma2 semaphore(%run_scoped3A : memref<!tpu.dma_semaphore, #tpu.memory_space<semaphore_mem>>) src(%dma_wait3A_365 : memref<640xf32, #tpu.memory_space<vmem_shared>>) dst(%arg7 : memref<640xf32, #tpu.memory_space<vmem>>)
      tpu.yield
    }) : () -> ()
    %scan3A_351 = arith.constant 0 : i32
    %scan3A_352 = arith.constant 40 : i32
    %scan3A_353 = arith.addi %scan3A_351, %scan3A_352 : i32
    %scan3A_354 = arith.constant 1 : i32
    scf.for %scan3A_364 = %scan3A_351 to %scan3A_353 step %scan3A_354  : i32 {
      %mul3A_365 = arith.constant 1 : i32
      %mul3A_366 = arith.muli %scan3A_364, %mul3A_365 : i32
      %add3A_367 = arith.constant 0 : i32
      %add3A_368 = arith.addi %add3A_367, %mul3A_366 : i32
      %mul3A_369 = arith.constant 16 : i32
      %mul3A_370 = arith.muli %add3A_368, %mul3A_369 : i32
      %get3A_371 = arith.index_cast %mul3A_370 : i32 to index
      %get3A_372 = tpu.vector_load %arg6[%get3A_371] {strides = array<i32>} : memref<640xf32, #tpu.memory_space<vmem>>, vector<16xf32>,
      %mul3A_373 = arith.constant 16 : i32
      %mul3A_374 = arith.muli %add3A_368, %mul3A_373 : i32
      %get3A_375 = arith.index_cast %mul3A_374 : i32 to index
      %get3A_376 = tpu.vector_load %arg7[%get3A_375] {strides = array<i32>} : memref<640xf32, #tpu.memory_space<vmem>>, vector<16xf32>,
      %add3A_377 = arith.addf %get3A_372, %get3A_376 : vector<16xf32>
      %mul3A_378 = arith.constant 16 : i32
      %mul3A_379 = arith.muli %add3A_368, %mul3A_378 : i32
      %swap3A = arith.index_cast %mul3A_379 : i32 to index
      %swap3A_380 = tpu.vector_load %arg6[%swap3A] {strides = array<i32>} : memref<640xf32, #tpu.memory_space<vmem>>, vector<16xf32>,
      tpu.vector_store %arg6[%swap3A], %add3A_377 {strides = array<i32>} : memref<640xf32, #tpu.memory_space<vmem>>, vector<16xf32>,
    }
    %scan3A_355 = arith.constant 40 : i32
    %add3A_356 = arith.constant 2 : i32
    %add3A_357 = arith.addi %add3A_356, %arg0 : i32
    %mul3A_358 = arith.constant 10240 : i32
    %mul3A_359 = arith.muli %add3A_357, %mul3A_358 : i32
    %mul3A_360 = arith.constant 640 : i32
    %mul3A_361 = arith.muli %arg1, %mul3A_360 : i32
    %add3A_362 = arith.addi %mul3A_359, %mul3A_361 : i32
    "tpu.region"() ({
      %run_scoped3A = tpu.sem_alloc : memref<!tpu.dma_semaphore, #tpu.memory_space<semaphore_mem>>
      %dma_start3A = tpu.memref_slice %arg3[%add3A_362] : memref<40960xf32, #tpu.memory_space<hbm>> -> memref<640xf32, #tpu.memory_space<hbm>>
      %dma_start3A_364 = tpu.memref_slice %arg3[%add3A_362] : memref<40960xf32, #tpu.memory_space<hbm>> -> memref<640xf32, #tpu.memory_space<hbm>>
      tpu.enqueue_dma source(%arg6 : memref<640xf32, #tpu.memory_space<vmem>>) target(%dma_start3A_364 : memref<640xf32, #tpu.memory_space<hbm>>) target_semaphore(%run_scoped3A : memref<!tpu.dma_semaphore, #tpu.memory_space<semaphore_mem>>)
      %dma_wait3A = tpu.memref_slice %arg3[%add3A_362] : memref<40960xf32, #tpu.memory_space<hbm>> -> memref<640xf32, #tpu.memory_space<hbm>>
      %dma_wait3A_365 = tpu.memref_slice %arg3[%add3A_362] : memref<40960xf32, #tpu.memory_space<hbm>> -> memref<640xf32, #tpu.memory_space<hbm>>
      tpu.wait_dma2 semaphore(%run_scoped3A : memref<!tpu.dma_semaphore, #tpu.memory_space<semaphore_mem>>) src(%arg6 : memref<640xf32, #tpu.memory_space<vmem>>) dst(%dma_wait3A_365 : memref<640xf32, #tpu.memory_space<hbm>>)
      tpu.yield
    }) : () -> ()
    %barrier3A_363 = arith.constant 0 : index
    tpu.barrier barrier_id(%barrier3A_363)
    return
  }
}

#map = affine_map<(d0, d1) -> (0)>
#map1 = affine_map<(d0, d1) -> (0, 0)>
module attributes {stable_mosaic.version = 14 : i64} {
  func.func @_pool_body(%arg0: i32, %arg1: i32, %arg2: memref<10000xi32, #tpu.memory_space<hbm>>, %arg3: memref<10000xf32, #tpu.memory_space<hbm>>, %arg4: memref<10000x256xf32, #tpu.memory_space<hbm>>, %arg5: memref<5000xi32, #tpu.memory_space<hbm>>, %arg6: memref<5000x256xf32, #tpu.memory_space<hbm>>, %arg7: memref<10000xi32, #tpu.memory_space<vmem>>, %arg8: memref<5120xi32, #tpu.memory_space<vmem>>, %arg9: memref<160xi32, #tpu.memory_space<vmem>>, %arg10: memref<160xi32, #tpu.memory_space<vmem>>, %arg11: memref<160xf32, #tpu.memory_space<vmem>>, %arg12: memref<160x256xf32, #tpu.memory_space<vmem>>, %arg13: memref<5120xi32, #tpu.memory_space<vmem_shared>>, %arg14: memref<!tpu.dma_semaphore, #tpu.memory_space<semaphore_mem>>) attributes {dimension_semantics = [#tpu.dimension_semantics<core_parallel>, #tpu.dimension_semantics<subcore_parallel>], iteration_bounds = array<i64: 2, 16>, scalar_prefetch = 0 : i64, scratch_operands = 8 : i64, tpu.core_type = #tpu.core_type<sc_vector_subcore>, window_params = [{transform_indices = #map}, {transform_indices = #map}, {transform_indices = #map1}, {transform_indices = #map}, {transform_indices = #map1}]} {
    %mul3A = arith.constant 2 : i32
    %mul3A_0 = arith.muli %arg1, %mul3A : i32
    %add3A = arith.addi %mul3A_0, %arg0 : i32
    %eq3A = arith.constant 0 : i32
    %eq3A_1 = arith.cmpi eq, %arg1, %eq3A : i32
    %convert_element_type3A = arith.extui %eq3A_1 : i1 to i32
    %cond3A = arith.constant 0 : i32
    %cond3A_2 = arith.cmpi ne, %convert_element_type3A, %cond3A : i32
    scf.if %cond3A_2 {
      %broadcast_in_dim3A = arith.constant 0 : i32
      %broadcast_in_dim3A_72 = vector.broadcast %broadcast_in_dim3A : i32 to vector<16xi32>
      %scan3A_73 = arith.constant 0 : i32
      %scan3A_74 = arith.constant 320 : i32
      %scan3A_75 = arith.addi %scan3A_73, %scan3A_74 : i32
      %scan3A_76 = arith.constant 1 : i32
      scf.for %scan3A_88 = %scan3A_73 to %scan3A_75 step %scan3A_76  : i32 {
        %mul3A_89 = arith.constant 1 : i32
        %mul3A_90 = arith.muli %scan3A_88, %mul3A_89 : i32
        %add3A_91 = arith.constant 0 : i32
        %add3A_92 = arith.addi %add3A_91, %mul3A_90 : i32
        %mul3A_93 = arith.constant 16 : i32
        %mul3A_94 = arith.muli %add3A_92, %mul3A_93 : i32
        %swap3A = arith.index_cast %mul3A_94 : i32 to index
        %swap3A_95 = tpu.vector_load %arg8[%swap3A] {strides = array<i32>} : memref<5120xi32, #tpu.memory_space<vmem>>, vector<16xi32>,
        tpu.vector_store %arg8[%swap3A], %broadcast_in_dim3A_72 {strides = array<i32>} : memref<5120xi32, #tpu.memory_space<vmem>>, vector<16xi32>,
      }
      %scan3A_77 = arith.constant 320 : i32
      "tpu.region"() ({
        %run_scoped3A = tpu.sem_alloc : memref<!tpu.dma_semaphore, #tpu.memory_space<semaphore_mem>>
        tpu.enqueue_dma source(%arg2 : memref<10000xi32, #tpu.memory_space<hbm>>) target(%arg7 : memref<10000xi32, #tpu.memory_space<vmem>>) target_semaphore(%run_scoped3A : memref<!tpu.dma_semaphore, #tpu.memory_space<semaphore_mem>>)
        tpu.wait_dma2 semaphore(%run_scoped3A : memref<!tpu.dma_semaphore, #tpu.memory_space<semaphore_mem>>) src(%arg2 : memref<10000xi32, #tpu.memory_space<hbm>>) dst(%arg7 : memref<10000xi32, #tpu.memory_space<vmem>>)
        tpu.yield
      }) : () -> ()
      %scan3A_78 = arith.constant 0 : i32
      %scan3A_79 = arith.constant 625 : i32
      %scan3A_80 = arith.addi %scan3A_78, %scan3A_79 : i32
      %scan3A_81 = arith.constant 1 : i32
      scf.for %scan3A_88 = %scan3A_78 to %scan3A_80 step %scan3A_81  : i32 {
        %mul3A_89 = arith.constant 1 : i32
        %mul3A_90 = arith.muli %scan3A_88, %mul3A_89 : i32
        %add3A_91 = arith.constant 0 : i32
        %add3A_92 = arith.addi %add3A_91, %mul3A_90 : i32
        %mul3A_93 = arith.constant 16 : i32
        %mul3A_94 = arith.muli %add3A_92, %mul3A_93 : i32
        %get3A = arith.index_cast %mul3A_94 : i32 to index
        %get3A_95 = tpu.vector_load %arg7[%get3A] {strides = array<i32>} : memref<10000xi32, #tpu.memory_space<vmem>>, vector<16xi32>,
        %iota3A = tpu.iota {dimensions = array<i32: 0>} : vector<16xi32>
        %mul3A_96 = arith.constant 16 : i32
        %mul3A_97 = arith.muli %add3A_92, %mul3A_96 : i32
        %add3A_98 = vector.broadcast %mul3A_97 : i32 to vector<16xi32>
        %add3A_99 = arith.addi %iota3A, %add3A_98 : vector<16xi32>
        %mul3A_100 = arith.constant 8389 : i32
        %mul3A_101 = vector.broadcast %mul3A_100 : i32 to vector<16xi32>
        %mul3A_102 = arith.muli %add3A_99, %mul3A_101 : vector<16xi32>
        %shift_right_logical3A = arith.constant 23 : i32
        %shift_right_logical3A_103 = vector.broadcast %shift_right_logical3A : i32 to vector<16xi32>
        %shift_right_logical3A_104 = arith.shrui %mul3A_102, %shift_right_logical3A_103 : vector<16xi32>
        %mul3A_105 = arith.constant 500 : i32
        %mul3A_106 = vector.broadcast %mul3A_105 : i32 to vector<16xi32>
        %mul3A_107 = arith.muli %shift_right_logical3A_104, %mul3A_106 : vector<16xi32>
        %add3A_108 = arith.addi %mul3A_107, %get3A_95 : vector<16xi32>
        %lt3A_109 = arith.constant 500 : i32
        %lt3A_110 = vector.broadcast %lt3A_109 : i32 to vector<16xi32>
        %lt3A_111 = arith.cmpi slt, %get3A_95, %lt3A_110 : vector<16xi32>
        tpu.vector_store_idx %arg8[%add3A_108], %add3A_99 masked %lt3A_111 : memref<5120xi32, #tpu.memory_space<vmem>>[vector<16xi32>], vector<16xi32>, vector<16xi1>
      }
      %scan3A_82 = arith.constant 625 : i32
      %eq3A_83 = arith.constant 0 : i32
      %eq3A_84 = arith.cmpi eq, %arg0, %eq3A_83 : i32
      %convert_element_type3A_85 = arith.extui %eq3A_84 : i1 to i32
      %cond3A_86 = arith.constant 0 : i32
      %cond3A_87 = arith.cmpi ne, %convert_element_type3A_85, %cond3A_86 : i32
      scf.if %cond3A_87 {
        "tpu.region"() ({
          %run_scoped3A = tpu.sem_alloc : memref<!tpu.dma_semaphore, #tpu.memory_space<semaphore_mem>>
          %dma_start3A_88 = arith.constant 0 : i32
          %dma_start3A_89 = tpu.memref_slice %arg8[%dma_start3A_88] : memref<5120xi32, #tpu.memory_space<vmem>> -> memref<5000xi32, #tpu.memory_space<vmem>>
          %dma_start3A_90 = arith.constant 0 : i32
          %dma_start3A_91 = tpu.memref_slice %arg8[%dma_start3A_90] : memref<5120xi32, #tpu.memory_space<vmem>> -> memref<5000xi32, #tpu.memory_space<vmem>>
          tpu.enqueue_dma source(%dma_start3A_91 : memref<5000xi32, #tpu.memory_space<vmem>>) target(%arg5 : memref<5000xi32, #tpu.memory_space<hbm>>) target_semaphore(%run_scoped3A : memref<!tpu.dma_semaphore, #tpu.memory_space<semaphore_mem>>)
          %dma_wait3A_92 = arith.constant 0 : i32
          %dma_wait3A_93 = tpu.memref_slice %arg8[%dma_wait3A_92] : memref<5120xi32, #tpu.memory_space<vmem>> -> memref<5000xi32, #tpu.memory_space<vmem>>
          %dma_wait3A_94 = arith.constant 0 : i32
          %dma_wait3A_95 = tpu.memref_slice %arg8[%dma_wait3A_94] : memref<5120xi32, #tpu.memory_space<vmem>> -> memref<5000xi32, #tpu.memory_space<vmem>>
          tpu.wait_dma2 semaphore(%run_scoped3A : memref<!tpu.dma_semaphore, #tpu.memory_space<semaphore_mem>>) src(%dma_wait3A_95 : memref<5000xi32, #tpu.memory_space<vmem>>) dst(%arg5 : memref<5000xi32, #tpu.memory_space<hbm>>)
          tpu.yield
        }) : () -> ()
      } else {
      }
      "tpu.region"() ({
        %run_scoped3A = tpu.sem_alloc : memref<!tpu.dma_semaphore, #tpu.memory_space<semaphore_mem>>
        tpu.enqueue_dma source(%arg8 : memref<5120xi32, #tpu.memory_space<vmem>>) target(%arg13 : memref<5120xi32, #tpu.memory_space<vmem_shared>>) target_semaphore(%run_scoped3A : memref<!tpu.dma_semaphore, #tpu.memory_space<semaphore_mem>>)
        tpu.wait_dma2 semaphore(%run_scoped3A : memref<!tpu.dma_semaphore, #tpu.memory_space<semaphore_mem>>) src(%arg8 : memref<5120xi32, #tpu.memory_space<vmem>>) dst(%arg13 : memref<5120xi32, #tpu.memory_space<vmem_shared>>)
        tpu.yield
      }) : () -> ()
    } else {
    }
    %barrier3A = arith.constant 0 : index
    tpu.barrier barrier_id(%barrier3A)
    %mul3A_3 = arith.constant 160 : i32
    %mul3A_4 = arith.muli %add3A, %mul3A_3 : i32
    "tpu.region"() ({
      %run_scoped3A = tpu.sem_alloc : memref<!tpu.dma_semaphore, #tpu.memory_space<semaphore_mem>>
      %dma_start3A_72 = tpu.memref_slice %arg13[%mul3A_4] : memref<5120xi32, #tpu.memory_space<vmem_shared>> -> memref<160xi32, #tpu.memory_space<vmem_shared>>
      %dma_start3A_73 = tpu.memref_slice %arg13[%mul3A_4] : memref<5120xi32, #tpu.memory_space<vmem_shared>> -> memref<160xi32, #tpu.memory_space<vmem_shared>>
      tpu.enqueue_dma source(%dma_start3A_73 : memref<160xi32, #tpu.memory_space<vmem_shared>>) target(%arg9 : memref<160xi32, #tpu.memory_space<vmem>>) target_semaphore(%run_scoped3A : memref<!tpu.dma_semaphore, #tpu.memory_space<semaphore_mem>>)
      %dma_wait3A_74 = tpu.memref_slice %arg13[%mul3A_4] : memref<5120xi32, #tpu.memory_space<vmem_shared>> -> memref<160xi32, #tpu.memory_space<vmem_shared>>
      %dma_wait3A_75 = tpu.memref_slice %arg13[%mul3A_4] : memref<5120xi32, #tpu.memory_space<vmem_shared>> -> memref<160xi32, #tpu.memory_space<vmem_shared>>
      tpu.wait_dma2 semaphore(%run_scoped3A : memref<!tpu.dma_semaphore, #tpu.memory_space<semaphore_mem>>) src(%dma_wait3A_75 : memref<160xi32, #tpu.memory_space<vmem_shared>>) dst(%arg9 : memref<160xi32, #tpu.memory_space<vmem>>)
      tpu.yield
    }) : () -> ()
    %dma_start3A = arith.constant 0 : i32
    %dma_start3A_5 = arith.constant 0 : i32
    %dma_start3A_6 = tpu.memref_slice %arg12[%dma_start3A, %dma_start3A_5] : memref<160x256xf32, #tpu.memory_space<vmem>> -> memref<80x256xf32, #tpu.memory_space<vmem>>
    %dma_start3A_7 = arith.constant 0 : i32
    %dma_start3A_8 = tpu.memref_slice %arg9[%dma_start3A_7] : memref<160xi32, #tpu.memory_space<vmem>> -> memref<80xi32, #tpu.memory_space<vmem>>
    %dma_start3A_9 = arith.constant 0 : i32
    %dma_start3A_10 = arith.constant 0 : i32
    %dma_start3A_11 = tpu.memref_slice %arg4[%dma_start3A_9, %dma_start3A_10] : memref<10000x256xf32, #tpu.memory_space<hbm>> -> memref<10000x256xf32, #tpu.memory_space<hbm>>
    tpu.enqueue_indirect_dma source(%dma_start3A_11 : memref<10000x256xf32, #tpu.memory_space<hbm>>) target(%dma_start3A_6 : memref<80x256xf32, #tpu.memory_space<vmem>>) offsets(%dma_start3A_8 : memref<80xi32, #tpu.memory_space<vmem>>) semaphore(%arg14 : memref<!tpu.dma_semaphore, #tpu.memory_space<semaphore_mem>>)
    %dma_start3A_12 = arith.constant 0 : i32
    %dma_start3A_13 = tpu.memref_slice %arg11[%dma_start3A_12] : memref<160xf32, #tpu.memory_space<vmem>> -> memref<80xf32, #tpu.memory_space<vmem>>
    %dma_start3A_14 = arith.constant 0 : i32
    %dma_start3A_15 = tpu.memref_slice %arg9[%dma_start3A_14] : memref<160xi32, #tpu.memory_space<vmem>> -> memref<80xi32, #tpu.memory_space<vmem>>
    %dma_start3A_16 = arith.constant 0 : i32
    %dma_start3A_17 = tpu.memref_slice %arg3[%dma_start3A_16] : memref<10000xf32, #tpu.memory_space<hbm>> -> memref<10000xf32, #tpu.memory_space<hbm>>
    tpu.enqueue_indirect_dma source(%dma_start3A_17 : memref<10000xf32, #tpu.memory_space<hbm>>) target(%dma_start3A_13 : memref<80xf32, #tpu.memory_space<vmem>>) offsets(%dma_start3A_15 : memref<80xi32, #tpu.memory_space<vmem>>) semaphore(%arg14 : memref<!tpu.dma_semaphore, #tpu.memory_space<semaphore_mem>>)
    %dma_start3A_18 = arith.constant 80 : i32
    %dma_start3A_19 = arith.constant 0 : i32
    %dma_start3A_20 = tpu.memref_slice %arg12[%dma_start3A_18, %dma_start3A_19] : memref<160x256xf32, #tpu.memory_space<vmem>> -> memref<80x256xf32, #tpu.memory_space<vmem>>
    %dma_start3A_21 = arith.constant 80 : i32
    %dma_start3A_22 = tpu.memref_slice %arg9[%dma_start3A_21] : memref<160xi32, #tpu.memory_space<vmem>> -> memref<80xi32, #tpu.memory_space<vmem>>
    %dma_start3A_23 = arith.constant 0 : i32
    %dma_start3A_24 = arith.constant 0 : i32
    %dma_start3A_25 = tpu.memref_slice %arg4[%dma_start3A_23, %dma_start3A_24] : memref<10000x256xf32, #tpu.memory_space<hbm>> -> memref<10000x256xf32, #tpu.memory_space<hbm>>
    tpu.enqueue_indirect_dma source(%dma_start3A_25 : memref<10000x256xf32, #tpu.memory_space<hbm>>) target(%dma_start3A_20 : memref<80x256xf32, #tpu.memory_space<vmem>>) offsets(%dma_start3A_22 : memref<80xi32, #tpu.memory_space<vmem>>) semaphore(%arg14 : memref<!tpu.dma_semaphore, #tpu.memory_space<semaphore_mem>>)
    %dma_start3A_26 = arith.constant 80 : i32
    %dma_start3A_27 = tpu.memref_slice %arg11[%dma_start3A_26] : memref<160xf32, #tpu.memory_space<vmem>> -> memref<80xf32, #tpu.memory_space<vmem>>
    %dma_start3A_28 = arith.constant 80 : i32
    %dma_start3A_29 = tpu.memref_slice %arg9[%dma_start3A_28] : memref<160xi32, #tpu.memory_space<vmem>> -> memref<80xi32, #tpu.memory_space<vmem>>
    %dma_start3A_30 = arith.constant 0 : i32
    %dma_start3A_31 = tpu.memref_slice %arg3[%dma_start3A_30] : memref<10000xf32, #tpu.memory_space<hbm>> -> memref<10000xf32, #tpu.memory_space<hbm>>
    tpu.enqueue_indirect_dma source(%dma_start3A_31 : memref<10000xf32, #tpu.memory_space<hbm>>) target(%dma_start3A_27 : memref<80xf32, #tpu.memory_space<vmem>>) offsets(%dma_start3A_29 : memref<80xi32, #tpu.memory_space<vmem>>) semaphore(%arg14 : memref<!tpu.dma_semaphore, #tpu.memory_space<semaphore_mem>>)
    %dma_wait3A = arith.constant 0 : i32
    %dma_wait3A_32 = arith.constant 0 : i32
    %dma_wait3A_33 = tpu.memref_slice %arg12[%dma_wait3A, %dma_wait3A_32] : memref<160x256xf32, #tpu.memory_space<vmem>> -> memref<80x256xf32, #tpu.memory_space<vmem>>
    %dma_wait3A_34 = arith.constant 0 : i32
    %dma_wait3A_35 = tpu.memref_slice %arg9[%dma_wait3A_34] : memref<160xi32, #tpu.memory_space<vmem>> -> memref<80xi32, #tpu.memory_space<vmem>>
    %dma_wait3A_36 = arith.constant 0 : i32
    %dma_wait3A_37 = arith.constant 0 : i32
    %dma_wait3A_38 = tpu.memref_slice %arg4[%dma_wait3A_36, %dma_wait3A_37] : memref<10000x256xf32, #tpu.memory_space<hbm>> -> memref<10000x256xf32, #tpu.memory_space<hbm>>
    tpu.wait_indirect_dma semaphore(%arg14 : memref<!tpu.dma_semaphore, #tpu.memory_space<semaphore_mem>>) src(%dma_wait3A_38 : memref<10000x256xf32, #tpu.memory_space<hbm>>) dst(%dma_wait3A_33 : memref<80x256xf32, #tpu.memory_space<vmem>>)
    %dma_wait3A_39 = arith.constant 0 : i32
    %dma_wait3A_40 = tpu.memref_slice %arg11[%dma_wait3A_39] : memref<160xf32, #tpu.memory_space<vmem>> -> memref<80xf32, #tpu.memory_space<vmem>>
    %dma_wait3A_41 = arith.constant 0 : i32
    %dma_wait3A_42 = tpu.memref_slice %arg9[%dma_wait3A_41] : memref<160xi32, #tpu.memory_space<vmem>> -> memref<80xi32, #tpu.memory_space<vmem>>
    %dma_wait3A_43 = arith.constant 0 : i32
    %dma_wait3A_44 = tpu.memref_slice %arg3[%dma_wait3A_43] : memref<10000xf32, #tpu.memory_space<hbm>> -> memref<10000xf32, #tpu.memory_space<hbm>>
    tpu.wait_indirect_dma semaphore(%arg14 : memref<!tpu.dma_semaphore, #tpu.memory_space<semaphore_mem>>) src(%dma_wait3A_44 : memref<10000xf32, #tpu.memory_space<hbm>>) dst(%dma_wait3A_40 : memref<80xf32, #tpu.memory_space<vmem>>)
    %dma_wait3A_45 = arith.constant 80 : i32
    %dma_wait3A_46 = arith.constant 0 : i32
    %dma_wait3A_47 = tpu.memref_slice %arg12[%dma_wait3A_45, %dma_wait3A_46] : memref<160x256xf32, #tpu.memory_space<vmem>> -> memref<80x256xf32, #tpu.memory_space<vmem>>
    %dma_wait3A_48 = arith.constant 80 : i32
    %dma_wait3A_49 = tpu.memref_slice %arg9[%dma_wait3A_48] : memref<160xi32, #tpu.memory_space<vmem>> -> memref<80xi32, #tpu.memory_space<vmem>>
    %dma_wait3A_50 = arith.constant 0 : i32
    %dma_wait3A_51 = arith.constant 0 : i32
    %dma_wait3A_52 = tpu.memref_slice %arg4[%dma_wait3A_50, %dma_wait3A_51] : memref<10000x256xf32, #tpu.memory_space<hbm>> -> memref<10000x256xf32, #tpu.memory_space<hbm>>
    tpu.wait_indirect_dma semaphore(%arg14 : memref<!tpu.dma_semaphore, #tpu.memory_space<semaphore_mem>>) src(%dma_wait3A_52 : memref<10000x256xf32, #tpu.memory_space<hbm>>) dst(%dma_wait3A_47 : memref<80x256xf32, #tpu.memory_space<vmem>>)
    %dma_wait3A_53 = arith.constant 80 : i32
    %dma_wait3A_54 = tpu.memref_slice %arg11[%dma_wait3A_53] : memref<160xf32, #tpu.memory_space<vmem>> -> memref<80xf32, #tpu.memory_space<vmem>>
    %dma_wait3A_55 = arith.constant 80 : i32
    %dma_wait3A_56 = tpu.memref_slice %arg9[%dma_wait3A_55] : memref<160xi32, #tpu.memory_space<vmem>> -> memref<80xi32, #tpu.memory_space<vmem>>
    %dma_wait3A_57 = arith.constant 0 : i32
    %dma_wait3A_58 = tpu.memref_slice %arg3[%dma_wait3A_57] : memref<10000xf32, #tpu.memory_space<hbm>> -> memref<10000xf32, #tpu.memory_space<hbm>>
    tpu.wait_indirect_dma semaphore(%arg14 : memref<!tpu.dma_semaphore, #tpu.memory_space<semaphore_mem>>) src(%dma_wait3A_58 : memref<10000xf32, #tpu.memory_space<hbm>>) dst(%dma_wait3A_54 : memref<80xf32, #tpu.memory_space<vmem>>)
    %scan3A = arith.constant 0 : i32
    %scan3A_59 = arith.constant 160 : i32
    %scan3A_60 = arith.addi %scan3A, %scan3A_59 : i32
    %scan3A_61 = arith.constant 1 : i32
    scf.for %scan3A_72 = %scan3A to %scan3A_60 step %scan3A_61  : i32 {
      %mul3A_73 = arith.constant 1 : i32
      %mul3A_74 = arith.muli %scan3A_72, %mul3A_73 : i32
      %add3A_75 = arith.constant 0 : i32
      %add3A_76 = arith.addi %add3A_75, %mul3A_74 : i32
      %broadcast_in_dim3A = arith.constant 0 : i32
      %broadcast_in_dim3A_77 = vector.broadcast %broadcast_in_dim3A : i32 to vector<16xi32>
      %add3A_78 = vector.broadcast %add3A_76 : i32 to vector<16xi32>
      %add3A_79 = arith.addi %broadcast_in_dim3A_77, %add3A_78 : vector<16xi32>
      %gather3A = tpu.vector_load_idx %arg11[%add3A_79] : memref<160xf32, #tpu.memory_space<vmem>>[vector<16xi32>], vector<16xf32>,
      %get3A = arith.index_cast %add3A_76 : i32 to index
      %get3A_80 = arith.constant 0 : index
      %get3A_81 = tpu.vector_load %arg12[%get3A, %get3A_80] {strides = array<i32>} : memref<160x256xf32, #tpu.memory_space<vmem>>, vector<16xf32>,
      %mul3A_82 = arith.mulf %get3A_81, %gather3A : vector<16xf32>
      %swap3A = arith.index_cast %add3A_76 : i32 to index
      %swap3A_83 = arith.constant 0 : index
      %swap3A_84 = tpu.vector_load %arg12[%swap3A, %swap3A_83] {strides = array<i32>} : memref<160x256xf32, #tpu.memory_space<vmem>>, vector<16xf32>,
      tpu.vector_store %arg12[%swap3A, %swap3A_83], %mul3A_82 {strides = array<i32>} : memref<160x256xf32, #tpu.memory_space<vmem>>, vector<16xf32>,
      %get3A_85 = arith.index_cast %add3A_76 : i32 to index
      %get3A_86 = arith.constant 16 : index
      %get3A_87 = tpu.vector_load %arg12[%get3A_85, %get3A_86] {strides = array<i32>} : memref<160x256xf32, #tpu.memory_space<vmem>>, vector<16xf32>,
      %mul3A_88 = arith.mulf %get3A_87, %gather3A : vector<16xf32>
      %swap3A_89 = arith.index_cast %add3A_76 : i32 to index
      %swap3A_90 = arith.constant 16 : index
      %swap3A_91 = tpu.vector_load %arg12[%swap3A_89, %swap3A_90] {strides = array<i32>} : memref<160x256xf32, #tpu.memory_space<vmem>>, vector<16xf32>,
      tpu.vector_store %arg12[%swap3A_89, %swap3A_90], %mul3A_88 {strides = array<i32>} : memref<160x256xf32, #tpu.memory_space<vmem>>, vector<16xf32>,
      %get3A_92 = arith.index_cast %add3A_76 : i32 to index
      %get3A_93 = arith.constant 32 : index
      %get3A_94 = tpu.vector_load %arg12[%get3A_92, %get3A_93] {strides = array<i32>} : memref<160x256xf32, #tpu.memory_space<vmem>>, vector<16xf32>,
      %mul3A_95 = arith.mulf %get3A_94, %gather3A : vector<16xf32>
      %swap3A_96 = arith.index_cast %add3A_76 : i32 to index
      %swap3A_97 = arith.constant 32 : index
      %swap3A_98 = tpu.vector_load %arg12[%swap3A_96, %swap3A_97] {strides = array<i32>} : memref<160x256xf32, #tpu.memory_space<vmem>>, vector<16xf32>,
      tpu.vector_store %arg12[%swap3A_96, %swap3A_97], %mul3A_95 {strides = array<i32>} : memref<160x256xf32, #tpu.memory_space<vmem>>, vector<16xf32>,
      %get3A_99 = arith.index_cast %add3A_76 : i32 to index
      %get3A_100 = arith.constant 48 : index
      %get3A_101 = tpu.vector_load %arg12[%get3A_99, %get3A_100] {strides = array<i32>} : memref<160x256xf32, #tpu.memory_space<vmem>>, vector<16xf32>,
      %mul3A_102 = arith.mulf %get3A_101, %gather3A : vector<16xf32>
      %swap3A_103 = arith.index_cast %add3A_76 : i32 to index
      %swap3A_104 = arith.constant 48 : index
      %swap3A_105 = tpu.vector_load %arg12[%swap3A_103, %swap3A_104] {strides = array<i32>} : memref<160x256xf32, #tpu.memory_space<vmem>>, vector<16xf32>,
      tpu.vector_store %arg12[%swap3A_103, %swap3A_104], %mul3A_102 {strides = array<i32>} : memref<160x256xf32, #tpu.memory_space<vmem>>, vector<16xf32>,
      %get3A_106 = arith.index_cast %add3A_76 : i32 to index
      %get3A_107 = arith.constant 64 : index
      %get3A_108 = tpu.vector_load %arg12[%get3A_106, %get3A_107] {strides = array<i32>} : memref<160x256xf32, #tpu.memory_space<vmem>>, vector<16xf32>,
      %mul3A_109 = arith.mulf %get3A_108, %gather3A : vector<16xf32>
      %swap3A_110 = arith.index_cast %add3A_76 : i32 to index
      %swap3A_111 = arith.constant 64 : index
      %swap3A_112 = tpu.vector_load %arg12[%swap3A_110, %swap3A_111] {strides = array<i32>} : memref<160x256xf32, #tpu.memory_space<vmem>>, vector<16xf32>,
      tpu.vector_store %arg12[%swap3A_110, %swap3A_111], %mul3A_109 {strides = array<i32>} : memref<160x256xf32, #tpu.memory_space<vmem>>, vector<16xf32>,
      %get3A_113 = arith.index_cast %add3A_76 : i32 to index
      %get3A_114 = arith.constant 80 : index
      %get3A_115 = tpu.vector_load %arg12[%get3A_113, %get3A_114] {strides = array<i32>} : memref<160x256xf32, #tpu.memory_space<vmem>>, vector<16xf32>,
      %mul3A_116 = arith.mulf %get3A_115, %gather3A : vector<16xf32>
      %swap3A_117 = arith.index_cast %add3A_76 : i32 to index
      %swap3A_118 = arith.constant 80 : index
      %swap3A_119 = tpu.vector_load %arg12[%swap3A_117, %swap3A_118] {strides = array<i32>} : memref<160x256xf32, #tpu.memory_space<vmem>>, vector<16xf32>,
      tpu.vector_store %arg12[%swap3A_117, %swap3A_118], %mul3A_116 {strides = array<i32>} : memref<160x256xf32, #tpu.memory_space<vmem>>, vector<16xf32>,
      %get3A_120 = arith.index_cast %add3A_76 : i32 to index
      %get3A_121 = arith.constant 96 : index
      %get3A_122 = tpu.vector_load %arg12[%get3A_120, %get3A_121] {strides = array<i32>} : memref<160x256xf32, #tpu.memory_space<vmem>>, vector<16xf32>,
      %mul3A_123 = arith.mulf %get3A_122, %gather3A : vector<16xf32>
      %swap3A_124 = arith.index_cast %add3A_76 : i32 to index
      %swap3A_125 = arith.constant 96 : index
      %swap3A_126 = tpu.vector_load %arg12[%swap3A_124, %swap3A_125] {strides = array<i32>} : memref<160x256xf32, #tpu.memory_space<vmem>>, vector<16xf32>,
      tpu.vector_store %arg12[%swap3A_124, %swap3A_125], %mul3A_123 {strides = array<i32>} : memref<160x256xf32, #tpu.memory_space<vmem>>, vector<16xf32>,
      %get3A_127 = arith.index_cast %add3A_76 : i32 to index
      %get3A_128 = arith.constant 112 : index
      %get3A_129 = tpu.vector_load %arg12[%get3A_127, %get3A_128] {strides = array<i32>} : memref<160x256xf32, #tpu.memory_space<vmem>>, vector<16xf32>,
      %mul3A_130 = arith.mulf %get3A_129, %gather3A : vector<16xf32>
      %swap3A_131 = arith.index_cast %add3A_76 : i32 to index
      %swap3A_132 = arith.constant 112 : index
      %swap3A_133 = tpu.vector_load %arg12[%swap3A_131, %swap3A_132] {strides = array<i32>} : memref<160x256xf32, #tpu.memory_space<vmem>>, vector<16xf32>,
      tpu.vector_store %arg12[%swap3A_131, %swap3A_132], %mul3A_130 {strides = array<i32>} : memref<160x256xf32, #tpu.memory_space<vmem>>, vector<16xf32>,
      %get3A_134 = arith.index_cast %add3A_76 : i32 to index
      %get3A_135 = arith.constant 128 : index
      %get3A_136 = tpu.vector_load %arg12[%get3A_134, %get3A_135] {strides = array<i32>} : memref<160x256xf32, #tpu.memory_space<vmem>>, vector<16xf32>,
      %mul3A_137 = arith.mulf %get3A_136, %gather3A : vector<16xf32>
      %swap3A_138 = arith.index_cast %add3A_76 : i32 to index
      %swap3A_139 = arith.constant 128 : index
      %swap3A_140 = tpu.vector_load %arg12[%swap3A_138, %swap3A_139] {strides = array<i32>} : memref<160x256xf32, #tpu.memory_space<vmem>>, vector<16xf32>,
      tpu.vector_store %arg12[%swap3A_138, %swap3A_139], %mul3A_137 {strides = array<i32>} : memref<160x256xf32, #tpu.memory_space<vmem>>, vector<16xf32>,
      %get3A_141 = arith.index_cast %add3A_76 : i32 to index
      %get3A_142 = arith.constant 144 : index
      %get3A_143 = tpu.vector_load %arg12[%get3A_141, %get3A_142] {strides = array<i32>} : memref<160x256xf32, #tpu.memory_space<vmem>>, vector<16xf32>,
      %mul3A_144 = arith.mulf %get3A_143, %gather3A : vector<16xf32>
      %swap3A_145 = arith.index_cast %add3A_76 : i32 to index
      %swap3A_146 = arith.constant 144 : index
      %swap3A_147 = tpu.vector_load %arg12[%swap3A_145, %swap3A_146] {strides = array<i32>} : memref<160x256xf32, #tpu.memory_space<vmem>>, vector<16xf32>,
      tpu.vector_store %arg12[%swap3A_145, %swap3A_146], %mul3A_144 {strides = array<i32>} : memref<160x256xf32, #tpu.memory_space<vmem>>, vector<16xf32>,
      %get3A_148 = arith.index_cast %add3A_76 : i32 to index
      %get3A_149 = arith.constant 160 : index
      %get3A_150 = tpu.vector_load %arg12[%get3A_148, %get3A_149] {strides = array<i32>} : memref<160x256xf32, #tpu.memory_space<vmem>>, vector<16xf32>,
      %mul3A_151 = arith.mulf %get3A_150, %gather3A : vector<16xf32>
      %swap3A_152 = arith.index_cast %add3A_76 : i32 to index
      %swap3A_153 = arith.constant 160 : index
      %swap3A_154 = tpu.vector_load %arg12[%swap3A_152, %swap3A_153] {strides = array<i32>} : memref<160x256xf32, #tpu.memory_space<vmem>>, vector<16xf32>,
      tpu.vector_store %arg12[%swap3A_152, %swap3A_153], %mul3A_151 {strides = array<i32>} : memref<160x256xf32, #tpu.memory_space<vmem>>, vector<16xf32>,
      %get3A_155 = arith.index_cast %add3A_76 : i32 to index
      %get3A_156 = arith.constant 176 : index
      %get3A_157 = tpu.vector_load %arg12[%get3A_155, %get3A_156] {strides = array<i32>} : memref<160x256xf32, #tpu.memory_space<vmem>>, vector<16xf32>,
      %mul3A_158 = arith.mulf %get3A_157, %gather3A : vector<16xf32>
      %swap3A_159 = arith.index_cast %add3A_76 : i32 to index
      %swap3A_160 = arith.constant 176 : index
      %swap3A_161 = tpu.vector_load %arg12[%swap3A_159, %swap3A_160] {strides = array<i32>} : memref<160x256xf32, #tpu.memory_space<vmem>>, vector<16xf32>,
      tpu.vector_store %arg12[%swap3A_159, %swap3A_160], %mul3A_158 {strides = array<i32>} : memref<160x256xf32, #tpu.memory_space<vmem>>, vector<16xf32>,
      %get3A_162 = arith.index_cast %add3A_76 : i32 to index
      %get3A_163 = arith.constant 192 : index
      %get3A_164 = tpu.vector_load %arg12[%get3A_162, %get3A_163] {strides = array<i32>} : memref<160x256xf32, #tpu.memory_space<vmem>>, vector<16xf32>,
      %mul3A_165 = arith.mulf %get3A_164, %gather3A : vector<16xf32>
      %swap3A_166 = arith.index_cast %add3A_76 : i32 to index
      %swap3A_167 = arith.constant 192 : index
      %swap3A_168 = tpu.vector_load %arg12[%swap3A_166, %swap3A_167] {strides = array<i32>} : memref<160x256xf32, #tpu.memory_space<vmem>>, vector<16xf32>,
      tpu.vector_store %arg12[%swap3A_166, %swap3A_167], %mul3A_165 {strides = array<i32>} : memref<160x256xf32, #tpu.memory_space<vmem>>, vector<16xf32>,
      %get3A_169 = arith.index_cast %add3A_76 : i32 to index
      %get3A_170 = arith.constant 208 : index
      %get3A_171 = tpu.vector_load %arg12[%get3A_169, %get3A_170] {strides = array<i32>} : memref<160x256xf32, #tpu.memory_space<vmem>>, vector<16xf32>,
      %mul3A_172 = arith.mulf %get3A_171, %gather3A : vector<16xf32>
      %swap3A_173 = arith.index_cast %add3A_76 : i32 to index
      %swap3A_174 = arith.constant 208 : index
      %swap3A_175 = tpu.vector_load %arg12[%swap3A_173, %swap3A_174] {strides = array<i32>} : memref<160x256xf32, #tpu.memory_space<vmem>>, vector<16xf32>,
      tpu.vector_store %arg12[%swap3A_173, %swap3A_174], %mul3A_172 {strides = array<i32>} : memref<160x256xf32, #tpu.memory_space<vmem>>, vector<16xf32>,
      %get3A_176 = arith.index_cast %add3A_76 : i32 to index
      %get3A_177 = arith.constant 224 : index
      %get3A_178 = tpu.vector_load %arg12[%get3A_176, %get3A_177] {strides = array<i32>} : memref<160x256xf32, #tpu.memory_space<vmem>>, vector<16xf32>,
      %mul3A_179 = arith.mulf %get3A_178, %gather3A : vector<16xf32>
      %swap3A_180 = arith.index_cast %add3A_76 : i32 to index
      %swap3A_181 = arith.constant 224 : index
      %swap3A_182 = tpu.vector_load %arg12[%swap3A_180, %swap3A_181] {strides = array<i32>} : memref<160x256xf32, #tpu.memory_space<vmem>>, vector<16xf32>,
      tpu.vector_store %arg12[%swap3A_180, %swap3A_181], %mul3A_179 {strides = array<i32>} : memref<160x256xf32, #tpu.memory_space<vmem>>, vector<16xf32>,
      %get3A_183 = arith.index_cast %add3A_76 : i32 to index
      %get3A_184 = arith.constant 240 : index
      %get3A_185 = tpu.vector_load %arg12[%get3A_183, %get3A_184] {strides = array<i32>} : memref<160x256xf32, #tpu.memory_space<vmem>>, vector<16xf32>,
      %mul3A_186 = arith.mulf %get3A_185, %gather3A : vector<16xf32>
      %swap3A_187 = arith.index_cast %add3A_76 : i32 to index
      %swap3A_188 = arith.constant 240 : index
      %swap3A_189 = tpu.vector_load %arg12[%swap3A_187, %swap3A_188] {strides = array<i32>} : memref<160x256xf32, #tpu.memory_space<vmem>>, vector<16xf32>,
      tpu.vector_store %arg12[%swap3A_187, %swap3A_188], %mul3A_186 {strides = array<i32>} : memref<160x256xf32, #tpu.memory_space<vmem>>, vector<16xf32>,
    }
    %scan3A_62 = arith.constant 160 : i32
    %lt3A = arith.constant 31 : i32
    %lt3A_63 = arith.cmpi slt, %add3A, %lt3A : i32
    %convert_element_type3A_64 = arith.extui %lt3A_63 : i1 to i32
    %cond3A_65 = arith.constant 0 : i32
    %cond3A_66 = arith.cmpi ne, %convert_element_type3A_64, %cond3A_65 : i32
    scf.if %cond3A_66 {
      "tpu.region"() ({
        %run_scoped3A = tpu.sem_alloc : memref<!tpu.dma_semaphore, #tpu.memory_space<semaphore_mem>>
        %dma_start3A_72 = arith.constant 0 : i32
        %dma_start3A_73 = arith.constant 0 : i32
        %dma_start3A_74 = tpu.memref_slice %arg12[%dma_start3A_72, %dma_start3A_73] : memref<160x256xf32, #tpu.memory_space<vmem>> -> memref<160x256xf32, #tpu.memory_space<vmem>>
        %dma_start3A_75 = arith.constant 0 : i32
        %dma_start3A_76 = tpu.memref_slice %arg6[%mul3A_4, %dma_start3A_75] : memref<5000x256xf32, #tpu.memory_space<hbm>> -> memref<160x256xf32, #tpu.memory_space<hbm>>
        %dma_start3A_77 = arith.constant 0 : i32
        %dma_start3A_78 = tpu.memref_slice %arg6[%mul3A_4, %dma_start3A_77] : memref<5000x256xf32, #tpu.memory_space<hbm>> -> memref<160x256xf32, #tpu.memory_space<hbm>>
        %dma_start3A_79 = arith.constant 0 : i32
        %dma_start3A_80 = arith.constant 0 : i32
        %dma_start3A_81 = tpu.memref_slice %arg12[%dma_start3A_79, %dma_start3A_80] : memref<160x256xf32, #tpu.memory_space<vmem>> -> memref<160x256xf32, #tpu.memory_space<vmem>>
        tpu.enqueue_dma source(%dma_start3A_81 : memref<160x256xf32, #tpu.memory_space<vmem>>) target(%dma_start3A_78 : memref<160x256xf32, #tpu.memory_space<hbm>>) target_semaphore(%run_scoped3A : memref<!tpu.dma_semaphore, #tpu.memory_space<semaphore_mem>>)
        %dma_wait3A_82 = arith.constant 0 : i32
        %dma_wait3A_83 = arith.constant 0 : i32
        %dma_wait3A_84 = tpu.memref_slice %arg12[%dma_wait3A_82, %dma_wait3A_83] : memref<160x256xf32, #tpu.memory_space<vmem>> -> memref<160x256xf32, #tpu.memory_space<vmem>>
        %dma_wait3A_85 = arith.constant 0 : i32
        %dma_wait3A_86 = tpu.memref_slice %arg6[%mul3A_4, %dma_wait3A_85] : memref<5000x256xf32, #tpu.memory_space<hbm>> -> memref<160x256xf32, #tpu.memory_space<hbm>>
        %dma_wait3A_87 = arith.constant 0 : i32
        %dma_wait3A_88 = tpu.memref_slice %arg6[%mul3A_4, %dma_wait3A_87] : memref<5000x256xf32, #tpu.memory_space<hbm>> -> memref<160x256xf32, #tpu.memory_space<hbm>>
        %dma_wait3A_89 = arith.constant 0 : i32
        %dma_wait3A_90 = arith.constant 0 : i32
        %dma_wait3A_91 = tpu.memref_slice %arg12[%dma_wait3A_89, %dma_wait3A_90] : memref<160x256xf32, #tpu.memory_space<vmem>> -> memref<160x256xf32, #tpu.memory_space<vmem>>
        tpu.wait_dma2 semaphore(%run_scoped3A : memref<!tpu.dma_semaphore, #tpu.memory_space<semaphore_mem>>) src(%dma_wait3A_91 : memref<160x256xf32, #tpu.memory_space<vmem>>) dst(%dma_wait3A_88 : memref<160x256xf32, #tpu.memory_space<hbm>>)
        tpu.yield
      }) : () -> ()
    } else {
    }
    %eq3A_67 = arith.constant 31 : i32
    %eq3A_68 = arith.cmpi eq, %add3A, %eq3A_67 : i32
    %convert_element_type3A_69 = arith.extui %eq3A_68 : i1 to i32
    %cond3A_70 = arith.constant 0 : i32
    %cond3A_71 = arith.cmpi ne, %convert_element_type3A_69, %cond3A_70 : i32
    scf.if %cond3A_71 {
      "tpu.region"() ({
        %run_scoped3A = tpu.sem_alloc : memref<!tpu.dma_semaphore, #tpu.memory_space<semaphore_mem>>
        %dma_start3A_72 = arith.constant 0 : i32
        %dma_start3A_73 = arith.constant 0 : i32
        %dma_start3A_74 = tpu.memref_slice %arg12[%dma_start3A_72, %dma_start3A_73] : memref<160x256xf32, #tpu.memory_space<vmem>> -> memref<40x256xf32, #tpu.memory_space<vmem>>
        %dma_start3A_75 = arith.constant 4960 : i32
        %dma_start3A_76 = arith.constant 0 : i32
        %dma_start3A_77 = tpu.memref_slice %arg6[%dma_start3A_75, %dma_start3A_76] : memref<5000x256xf32, #tpu.memory_space<hbm>> -> memref<40x256xf32, #tpu.memory_space<hbm>>
        %dma_start3A_78 = arith.constant 4960 : i32
        %dma_start3A_79 = arith.constant 0 : i32
        %dma_start3A_80 = tpu.memref_slice %arg6[%dma_start3A_78, %dma_start3A_79] : memref<5000x256xf32, #tpu.memory_space<hbm>> -> memref<40x256xf32, #tpu.memory_space<hbm>>
        %dma_start3A_81 = arith.constant 0 : i32
        %dma_start3A_82 = arith.constant 0 : i32
        %dma_start3A_83 = tpu.memref_slice %arg12[%dma_start3A_81, %dma_start3A_82] : memref<160x256xf32, #tpu.memory_space<vmem>> -> memref<40x256xf32, #tpu.memory_space<vmem>>
        tpu.enqueue_dma source(%dma_start3A_83 : memref<40x256xf32, #tpu.memory_space<vmem>>) target(%dma_start3A_80 : memref<40x256xf32, #tpu.memory_space<hbm>>) target_semaphore(%run_scoped3A : memref<!tpu.dma_semaphore, #tpu.memory_space<semaphore_mem>>)
        %dma_wait3A_84 = arith.constant 0 : i32
        %dma_wait3A_85 = arith.constant 0 : i32
        %dma_wait3A_86 = tpu.memref_slice %arg12[%dma_wait3A_84, %dma_wait3A_85] : memref<160x256xf32, #tpu.memory_space<vmem>> -> memref<40x256xf32, #tpu.memory_space<vmem>>
        %dma_wait3A_87 = arith.constant 4960 : i32
        %dma_wait3A_88 = arith.constant 0 : i32
        %dma_wait3A_89 = tpu.memref_slice %arg6[%dma_wait3A_87, %dma_wait3A_88] : memref<5000x256xf32, #tpu.memory_space<hbm>> -> memref<40x256xf32, #tpu.memory_space<hbm>>
        %dma_wait3A_90 = arith.constant 4960 : i32
        %dma_wait3A_91 = arith.constant 0 : i32
        %dma_wait3A_92 = tpu.memref_slice %arg6[%dma_wait3A_90, %dma_wait3A_91] : memref<5000x256xf32, #tpu.memory_space<hbm>> -> memref<40x256xf32, #tpu.memory_space<hbm>>
        %dma_wait3A_93 = arith.constant 0 : i32
        %dma_wait3A_94 = arith.constant 0 : i32
        %dma_wait3A_95 = tpu.memref_slice %arg12[%dma_wait3A_93, %dma_wait3A_94] : memref<160x256xf32, #tpu.memory_space<vmem>> -> memref<40x256xf32, #tpu.memory_space<vmem>>
        tpu.wait_dma2 semaphore(%run_scoped3A : memref<!tpu.dma_semaphore, #tpu.memory_space<semaphore_mem>>) src(%dma_wait3A_95 : memref<40x256xf32, #tpu.memory_space<vmem>>) dst(%dma_wait3A_92 : memref<40x256xf32, #tpu.memory_space<hbm>>)
        tpu.yield
      }) : () -> ()
    } else {
    }
    return
  }
}

module attributes {stable_mosaic.version = 14 : i64} {
  func.func @_h0_body(%arg0: i32, %arg1: memref<1000x256xf32, #tpu.memory_space<vmem>>, %arg2: memref<256x1xf32, #tpu.memory_space<vmem>>, %arg3: memref<1000x1xf32, #tpu.memory_space<vmem>>) attributes {dimension_semantics = [#tpu.dimension_semantics<arbitrary>], iteration_bounds = array<i64: 10>, scalar_prefetch = 0 : i64, scratch_operands = 0 : i64, tpu.core_type = #tpu.core_type<tc>, window_params = [{transform_indices = @transform_0, window_bounds = array<i64: 1000, 256>}, {pipeline_mode = #tpu.pipeline_mode<synchronous>, transform_indices = @transform_1, window_bounds = array<i64: 256, 1>}, {transform_indices = @transform_2, window_bounds = array<i64: 1000, 1>}]} {
    %get3A = arith.constant 0 : index
    %get3A_0 = arith.constant 0 : index
    %get3A_1 = vector.load %arg1[%get3A, %get3A_0] : memref<1000x256xf32, #tpu.memory_space<vmem>>, vector<1000x256xf32>
    %convert_element_type3A = arith.truncf %get3A_1 : vector<1000x256xf32> to vector<1000x256xbf16>
    %get3A_2 = arith.constant 0 : index
    %get3A_3 = arith.constant 0 : index
    %get3A_4 = vector.load %arg2[%get3A_2, %get3A_3] : memref<256x1xf32, #tpu.memory_space<vmem>>, vector<256x1xf32>
    %convert_element_type3A_5 = arith.truncf %get3A_4 : vector<256x1xf32> to vector<256x1xbf16>
    %dot_general3A = arith.constant dense<0.000000e+00> : vector<1000x1xf32>
    %dot_general3A_6 = tpu.matmul %convert_element_type3A, %convert_element_type3A_5, %dot_general3A {dimension_numbers = #tpu.dot_dimension_numbers<[1], [0], [0], [1], [0, 0, 1, 1], [], []>, transpose_lhs_hint = false} : vector<1000x256xbf16>, vector<256x1xbf16>, vector<1000x1xf32> -> vector<1000x1xf32>
    %swap3A = arith.constant 0 : index
    %swap3A_7 = arith.constant 0 : index
    %swap3A_8 = vector.load %arg3[%swap3A, %swap3A_7] : memref<1000x1xf32, #tpu.memory_space<vmem>>, vector<1000x1xf32>
    tpu.vector_store %arg3[%swap3A, %swap3A_7], %dot_general3A_6 {strides = array<i32>} : memref<1000x1xf32, #tpu.memory_space<vmem>>, vector<1000x1xf32>,
    return
  }
  func.func @transform_0(%arg0: i32) -> (i32, i32) {
    %c0_i32 = arith.constant 0 : i32
    %c0_i32_0 = arith.constant 0 : i32
    return %arg0, %c0_i32 : i32, i32
  }
  func.func @transform_1(%arg0: i32) -> (i32, i32) {
    %c0_i32 = arith.constant 0 : i32
    %c0_i32_0 = arith.constant 0 : i32
    %c0_i32_1 = arith.constant 0 : i32
    return %c0_i32, %c0_i32_0 : i32, i32
  }
  func.func @transform_2(%arg0: i32) -> (i32, i32) {
    %c0_i32 = arith.constant 0 : i32
    %c0_i32_0 = arith.constant 0 : i32
    return %arg0, %c0_i32 : i32, i32
  }
}

module attributes {stable_mosaic.version = 14 : i64} {
  func.func @_scale_body(%arg0: memref<10000x1xf32, #tpu.memory_space<vmem>>, %arg1: memref<10000x1xf32, #tpu.memory_space<vmem>>, %arg2: memref<10000x1xf32, #tpu.memory_space<vmem>>, %arg3: memref<10000x1xf32, #tpu.memory_space<vmem>>) attributes {dimension_semantics = [], scalar_prefetch = 0 : i64, scratch_operands = 0 : i64, tpu.core_type = #tpu.core_type<tc>} {
    %get3A = arith.constant 0 : index
    %get3A_0 = arith.constant 0 : index
    %get3A_1 = vector.load %arg1[%get3A, %get3A_0] : memref<10000x1xf32, #tpu.memory_space<vmem>>, vector<10000x1xf32>
    %get3A_2 = arith.constant 0 : index
    %get3A_3 = arith.constant 0 : index
    %get3A_4 = vector.load %arg2[%get3A_2, %get3A_3] : memref<10000x1xf32, #tpu.memory_space<vmem>>, vector<10000x1xf32>
    %add3A = arith.addf %get3A_1, %get3A_4 : vector<10000x1xf32>
    %gt3A = arith.constant 0.000000e+00 : f32
    %gt3A_5 = vector.broadcast %gt3A : f32 to vector<10000x1xf32>
    %gt3A_6 = arith.cmpf ogt, %add3A, %gt3A_5 : vector<10000x1xf32>
    %max3A = arith.constant 1.000000e+00 : f32
    %max3A_7 = vector.broadcast %max3A : f32 to vector<10000x1xf32>
    %max3A_8 = arith.maximumf %add3A, %max3A_7 : vector<10000x1xf32>
    %rsqrt3A = math.rsqrt %max3A_8 : vector<10000x1xf32>
    %jit3A = arith.constant 0.000000e+00 : f32
    %broadcast_in_dim3A = vector.broadcast %jit3A : f32 to vector<10000x1xf32>
    %select_n3A = arith.select %gt3A_6, %rsqrt3A, %broadcast_in_dim3A : vector<10000x1xi1>, vector<10000x1xf32>
    %get3A_9 = arith.constant 0 : index
    %get3A_10 = arith.constant 0 : index
    %get3A_11 = vector.load %arg0[%get3A_9, %get3A_10] : memref<10000x1xf32, #tpu.memory_space<vmem>>, vector<10000x1xf32>
    %mul3A = arith.mulf %get3A_11, %select_n3A : vector<10000x1xf32>
    %swap3A = arith.constant 0 : index
    %swap3A_12 = arith.constant 0 : index
    %swap3A_13 = vector.load %arg3[%swap3A, %swap3A_12] : memref<10000x1xf32, #tpu.memory_space<vmem>>, vector<10000x1xf32>
    tpu.vector_store %arg3[%swap3A, %swap3A_12], %mul3A {strides = array<i32>} : memref<10000x1xf32, #tpu.memory_space<vmem>>, vector<10000x1xf32>,
    return
  }
}

module attributes {stable_mosaic.version = 14 : i64} {
  func.func @_rank_body(%arg0: i32, %arg1: memref<1x1x1000xf32, #tpu.memory_space<vmem>>, %arg2: memref<1x1x1000xf32, #tpu.memory_space<vmem>>, %arg3: memref<1x1x1000xf32, #tpu.memory_space<vmem>>, %arg4: memref<1x1xf32, #tpu.memory_space<vmem>>, %arg5: memref<1x1x1000xi32, #tpu.memory_space<vmem>>, %arg6: memref<1x1x1000xf32, #tpu.memory_space<vmem>>) attributes {dimension_semantics = [#tpu.dimension_semantics<arbitrary>], iteration_bounds = array<i64: 10>, scalar_prefetch = 0 : i64, scratch_operands = 0 : i64, tpu.core_type = #tpu.core_type<tc>, window_params = [{transform_indices = @transform_0, window_bounds = array<i64: 1, 1, 1000>}, {transform_indices = @transform_1, window_bounds = array<i64: 1, 1, 1000>}, {transform_indices = @transform_2, window_bounds = array<i64: 1, 1, 1000>}, {pipeline_mode = #tpu.pipeline_mode<synchronous>, transform_indices = @transform_3, window_bounds = array<i64: 1, 1>}, {transform_indices = @transform_4, window_bounds = array<i64: 1, 1, 1000>}, {transform_indices = @transform_5, window_bounds = array<i64: 1, 1, 1000>}]} {
    %get3A = arith.constant 0 : index
    %get3A_0 = arith.constant 0 : index
    %get3A_1 = arith.constant 0 : index
    %get3A_2 = vector.load %arg2[%get3A, %get3A_0, %get3A_1] : memref<1x1x1000xf32, #tpu.memory_space<vmem>>, vector<1x1x1000xf32>
    %get3A_3 = vector.shape_cast %get3A_2 : vector<1x1x1000xf32> to vector<1x1000xf32>
    %get3A_4 = arith.constant 0 : index
    %get3A_5 = arith.constant 0 : index
    %get3A_6 = arith.constant 0 : index
    %get3A_7 = vector.load %arg3[%get3A_4, %get3A_5, %get3A_6] : memref<1x1x1000xf32, #tpu.memory_space<vmem>>, vector<1x1x1000xf32>
    %get3A_8 = vector.shape_cast %get3A_7 : vector<1x1x1000xf32> to vector<1x1000xf32>
    %add3A = arith.addf %get3A_3, %get3A_8 : vector<1x1000xf32>
    %gt3A = arith.constant 0.000000e+00 : f32
    %gt3A_9 = vector.broadcast %gt3A : f32 to vector<1x1000xf32>
    %gt3A_10 = arith.cmpf ogt, %add3A, %gt3A_9 : vector<1x1000xf32>
    %max3A = arith.constant 1.000000e+00 : f32
    %max3A_11 = vector.broadcast %max3A : f32 to vector<1x1000xf32>
    %max3A_12 = arith.maximumf %add3A, %max3A_11 : vector<1x1000xf32>
    %rsqrt3A = math.rsqrt %max3A_12 : vector<1x1000xf32>
    %jit3A = arith.constant 0.000000e+00 : f32
    %broadcast_in_dim3A = vector.broadcast %jit3A : f32 to vector<1x1000xf32>
    %select_n3A = arith.select %gt3A_10, %rsqrt3A, %broadcast_in_dim3A : vector<1x1000xi1>, vector<1x1000xf32>
    %get3A_13 = arith.constant 0 : index
    %get3A_14 = arith.constant 0 : index
    %get3A_15 = arith.constant 0 : index
    %get3A_16 = vector.load %arg1[%get3A_13, %get3A_14, %get3A_15] : memref<1x1x1000xf32, #tpu.memory_space<vmem>>, vector<1x1x1000xf32>
    %get3A_17 = vector.shape_cast %get3A_16 : vector<1x1x1000xf32> to vector<1x1000xf32>
    %mul3A = arith.mulf %get3A_17, %select_n3A : vector<1x1000xf32>
    %get3A_18 = arith.constant 0 : index
    %get3A_19 = arith.constant 0 : index
    %get3A_20 = vector.load %arg4[%get3A_18, %get3A_19] : memref<1x1xf32, #tpu.memory_space<vmem>>, vector<1x1xf32>
    %get3A_21 = vector.extract %get3A_20[0, 0] : f32 from vector<1x1xf32>
    %add3A_22 = vector.broadcast %get3A_21 : f32 to vector<1x1000xf32>
    %add3A_23 = arith.addf %mul3A, %add3A_22 : vector<1x1000xf32>
    %transpose3A = tpu.transpose %add3A_23, [1, 0] : vector<1x1000xf32> -> vector<1000x1xf32>
    %gt3A_24 = vector.broadcast %transpose3A : vector<1000x1xf32> to vector<1000x1000xf32>
    %gt3A_25 = vector.broadcast %add3A_23 : vector<1x1000xf32> to vector<1000x1000xf32>
    %gt3A_26 = arith.cmpf ogt, %gt3A_24, %gt3A_25 : vector<1000x1000xf32>
    %eq3A = vector.broadcast %transpose3A : vector<1000x1xf32> to vector<1000x1000xf32>
    %eq3A_27 = vector.broadcast %add3A_23 : vector<1x1000xf32> to vector<1000x1000xf32>
    %eq3A_28 = arith.cmpf oeq, %eq3A, %eq3A_27 : vector<1000x1000xf32>
    %iota3A = tpu.iota {dimensions = array<i32: 0>} : vector<1000x1000xi32>
    %iota3A_29 = tpu.iota {dimensions = array<i32: 1>} : vector<1000x1000xi32>
    %lt3A = arith.cmpi slt, %iota3A, %iota3A_29 : vector<1000x1000xi32>
    %and3A = arith.andi %eq3A_28, %lt3A : vector<1000x1000xi1>
    %or3A = arith.ori %gt3A_26, %and3A : vector<1000x1000xi1>
    %convert_element_type3A = arith.extui %or3A : vector<1000x1000xi1> to vector<1000x1000xi32>
    %reduce_sum3A = arith.constant dense<0> : vector<1000xi32>
    %reduce_sum3A_30 = vector.multi_reduction <add>, %convert_element_type3A, %reduce_sum3A [0] : vector<1000x1000xi32> to vector<1000xi32>
    %broadcast_in_dim3A_31 = vector.shape_cast %reduce_sum3A_30 : vector<1000xi32> to vector<1x1000xi32>
    %swap3A = arith.constant 0 : index
    %swap3A_32 = arith.constant 0 : index
    %swap3A_33 = arith.constant 0 : index
    %swap3A_34 = vector.load %arg5[%swap3A, %swap3A_32, %swap3A_33] : memref<1x1x1000xi32, #tpu.memory_space<vmem>>, vector<1x1x1000xi32>
    %swap3A_35 = vector.shape_cast %swap3A_34 : vector<1x1x1000xi32> to vector<1x1000xi32>
    %swap3A_36 = vector.shape_cast %broadcast_in_dim3A_31 : vector<1x1000xi32> to vector<1x1x1000xi32>
    tpu.vector_store %arg5[%swap3A, %swap3A_32, %swap3A_33], %swap3A_36 {strides = array<i32>} : memref<1x1x1000xi32, #tpu.memory_space<vmem>>, vector<1x1x1000xi32>,
    %tanh3A = math.tanh %add3A_23 : vector<1x1000xf32>
    %swap3A_37 = arith.constant 0 : index
    %swap3A_38 = arith.constant 0 : index
    %swap3A_39 = arith.constant 0 : index
    %swap3A_40 = vector.load %arg6[%swap3A_37, %swap3A_38, %swap3A_39] : memref<1x1x1000xf32, #tpu.memory_space<vmem>>, vector<1x1x1000xf32>
    %swap3A_41 = vector.shape_cast %swap3A_40 : vector<1x1x1000xf32> to vector<1x1000xf32>
    %swap3A_42 = vector.shape_cast %tanh3A : vector<1x1000xf32> to vector<1x1x1000xf32>
    tpu.vector_store %arg6[%swap3A_37, %swap3A_38, %swap3A_39], %swap3A_42 {strides = array<i32>} : memref<1x1x1000xf32, #tpu.memory_space<vmem>>, vector<1x1x1000xf32>,
    return
  }
  func.func @transform_0(%arg0: i32) -> (i32, i32, i32) {
    %c0_i32 = arith.constant 0 : i32
    %c0_i32_0 = arith.constant 0 : i32
    %c0_i32_1 = arith.constant 0 : i32
    return %arg0, %c0_i32, %c0_i32_0 : i32, i32, i32
  }
  func.func @transform_1(%arg0: i32) -> (i32, i32, i32) {
    %c0_i32 = arith.constant 0 : i32
    %c0_i32_0 = arith.constant 0 : i32
    %c0_i32_1 = arith.constant 0 : i32
    return %arg0, %c0_i32, %c0_i32_0 : i32, i32, i32
  }
  func.func @transform_2(%arg0: i32) -> (i32, i32, i32) {
    %c0_i32 = arith.constant 0 : i32
    %c0_i32_0 = arith.constant 0 : i32
    %c0_i32_1 = arith.constant 0 : i32
    return %arg0, %c0_i32, %c0_i32_0 : i32, i32, i32
  }
  func.func @transform_3(%arg0: i32) -> (i32, i32) {
    %c0_i32 = arith.constant 0 : i32
    %c0_i32_0 = arith.constant 0 : i32
    %c0_i32_1 = arith.constant 0 : i32
    return %c0_i32, %c0_i32_0 : i32, i32
  }
  func.func @transform_4(%arg0: i32) -> (i32, i32, i32) {
    %c0_i32 = arith.constant 0 : i32
    %c0_i32_0 = arith.constant 0 : i32
    %c0_i32_1 = arith.constant 0 : i32
    return %arg0, %c0_i32, %c0_i32_0 : i32, i32, i32
  }
  func.func @transform_5(%arg0: i32) -> (i32, i32, i32) {
    %c0_i32 = arith.constant 0 : i32
    %c0_i32_0 = arith.constant 0 : i32
    %c0_i32_1 = arith.constant 0 : i32
    return %arg0, %c0_i32, %c0_i32_0 : i32, i32, i32
  }
}

</mosaic_0001>

<sc_bundles>
// kernel: kernel.10.cloned.1.call-start
scs
__scs_entry_jumppad:
0x0: {  	(pc) =	sbr.rel $0x88, $3  }
0x1: {  	(tag) =	ssettag $0x0;
	lr =	simm.s32 $0x1  }
0x2: {  	[smem:$0x3F9D] =	sst lr;
	_ =	strace $0xD0000000  }
0x3: {  	_ = 	snop  }
0x4: {  	_ = 	snop  }
0x5: {  	_ = 	snop  }
0x6: {  	_ = 	snop  }
0x7: {  	_ = 	snop  }
__scs_overlays_trampoline_lowered:
0x8: {  	[smem:$0x3FAC] =	sst s0  }
0x9: {  	[smem:$0x3FAD] =	sst s1  }
0xa: {  	[smem:$0x3FAE] =	sst s2  }
0xb: {  	[smem:$0x3FAF] =	sst s3  }
0xc: {  	[smem:$0x3FB0] =	sst s4  }
0xd: {  	[smem:$0x3FB1] =	sst s5  }
0xe: {  	[smem:$0x3FB2] =	sst s6  }
0xf: {  	[smem:$0x3FB3] =	sst s7  }
0x10: {  	[smem:$0x3FB4] =	sst s8  }
0x11: {  	[smem:$0x3FB5] =	sst s9;
	s0 =	simm.s32 @!p0 $0x0  }
0x12: {  	s1 =	sld [smem:$0x3F9B];
	s0 =	simm.s32 @p0 $0x1  }
0x13: {  	[smem:$0x3FB6] =	sst s0;
	s0 =	simm.s32 @!p1 $0x0  }
0x14: {  	s2 =	sld [smem:$0x3F9A];
	s0 =	simm.s32 @p1 $0x1  }
0x15: {  	[smem:$0x3FB7] =	sst s0;
	s0 =	simm.s32 @!p2 $0x0  }
0x16: {  	s3 =	sld [smem:$0x3FDB];
	s0 =	simm.s32 @p2 $0x1  }
0x17: {  	s4 =	simm.s32 $0x1BF5;
	[smem:$0x3FB9] =	sst s0  }
0x18: {  	s0 =	sld [smem:$0x3F9C];
	_ =	swait.ge [sflag:s4], $0x0  }
0x19: {  	s7 =	sld [smem:$0x3F9D]  }
0x1a: {  	s8 =	sadd.s32 $0xFFFFE003, lr  }
0x1b: {  	s9 =	sadd.s32 $0xFFFFFEF7, lr;
	s5 =	simm.s32 $0xFFFFFFFF;
	p2 =	slt.u32 s8, $0xFFFFF086  }
0x1c: {  	p1 =	slt.u32 s9, $0xF7A;
	s5 =	simm.s32 @!p2 $0x0  }
0x1d: {  	s5 =	simm.s32 @p1 $0x1;
	p0 =	seq.s32 s7, s2  }
0x1e: {  	s7 =	smul.u32 @!p0 $0xF7A, s2;
	p2 =	seq.s32 @!p0 s5, $0x0  }
0x1f: {  	s9 =	smul.u32 $0xF7A, s1;
	s8 =	simm.s32 @!p0 $0x1BF5;
	p2 =	por !p2, p0  }
0x20: {  	[sflag:s8] =	ssyncset.s32 @!p0 $0xFFFFF086;
	s6 =	sadd.s32 @!p0 s3, s7;
	s7 =	simm.s32 @!p0 $0x108  }
0x21: {  	s3 =	sadd.s32 s3, s9;
	s6 =	sadd.s32 @!p0 $0x88, s6;
	s7 =	simm.s32 @p2 $0x1082  }
0x22: {  	[simem:s7], [sflag:s8] =	dma.local @!p0 [hbm:s6], $0xF7A  }
0x23: {  	s9 =	sor.u32 $0xD0000000, s2;
	s6 =	simm.s32 $0x108;
	_ =	swait.ge @!p0 [sflag:s8], $0x0  }
0x24: {  	s3 =	sadd.s32 $0x88, s3;
	s6 =	simm.s32 @!p1 $0x1082;
	[sflag:s4] =	ssyncset.s32 $0xFFFFF086  }
0x25: {  	[simem:s6], [sflag:s4] =	dma.local [hbm:s3], $0xF7A  }
0x26: {  	[smem:$0x3F9D] =	sst s1;
	(tag) =	ssettag s2;
	_ =	strace s9  }
0x27: {  	s1 =	sld [smem:$0x3FAD]  }
0x28: {  	s2 =	sld [smem:$0x3FAE]  }
0x29: {  	s4 =	sld [smem:$0x3FB0]  }
0x2a: {  	p0 =	seq.s32 s5, $0x0;
	s5 =	sld [smem:$0x3FB1]  }
0x2b: {  	s6 =	sld [smem:$0x3FB2]  }
0x2c: {  	s7 =	sld [smem:$0x3FB3]  }
0x2d: {  	s3 =	simm.s32 $0x108;
	s8 =	sld [smem:$0x3FB4]  }
0x2e: {  	s3 =	simm.s32 @!p0 $0x1082;
	s9 =	sld [smem:$0x3FB5]  }
0x2f: {  	lr =	sadd.s32 s0, s3;
	s0 =	sld [smem:$0x3FAC]  }
0x30: {  	s3 =	sld [smem:$0x3FAF]  }
0x31: {  	[smem:$0x3FB8] =	sst s10  }
0x32: {  	s10 =	sld [smem:$0x3FB6];
	_ =	sdelay $0x3  }
0x33: {  	p0 =	seq.s32 s10, $0x1;
	s10 =	sld [smem:$0x3FB8];
	_ =	sdelay $0x3  }
0x34: {  	[smem:$0x3FB8] =	sst s10  }
0x35: {  	s10 =	sld [smem:$0x3FB7];
	_ =	sdelay $0x3  }
0x36: {  	p1 =	seq.s32 s10, $0x1;
	s10 =	sld [smem:$0x3FB8];
	_ =	sdelay $0x3  }
0x37: {  	[smem:$0x3FB8] =	sst s10  }
0x38: {  	s10 =	sld [smem:$0x3FB9]  }
0x39: {  	_ = 	snop;
	(pc) =	sbr.ind lr, $3  }
0x3a: {  	_ = 	snop  }
0x3b: {  	_ = 	snop  }
0x3c: {  	p2 =	seq.s32 s10, $0x1;
	s10 =	sld [smem:$0x3FB8]  }
0x3d: {  	_ =	shalt  }
0x3e: {  	_ =	shalt  }
0x3f: {  	_ =	shalt  }
0x40: {  	_ =	shalt  }
0x41: {  	_ =	shalt  }
0x42: {  	_ =	shalt  }
0x43: {  	_ =	shalt  }
0x44: {  	_ =	shalt  }
0x45: {  	_ =	shalt  }
0x46: {  	_ =	shalt  }
0x47: {  	_ =	shalt  }
0x48: {  	_ =	shalt  }
0x49: {  	_ =	shalt  }
0x4a: {  	_ =	shalt  }
0x4b: {  	_ =	shalt  }
0x4c: {  	_ =	shalt  }
0x4d: {  	_ =	shalt  }
0x4e: {  	_ =	shalt  }
0x4f: {  	_ =	shalt  }
0x50: {  	_ =	shalt  }
0x51: {  	_ =	shalt  }
0x52: {  	_ =	shalt  }
0x53: {  	_ =	shalt  }
0x54: {  	_ =	shalt  }
0x55: {  	_ =	shalt  }
0x56: {  	_ =	shalt  }
0x57: {  	_ =	shalt  }
0x58: {  	_ =	shalt  }
0x59: {  	_ =	shalt  }
0x5a: {  	_ =	shalt  }
0x5b: {  	_ =	shalt  }
0x5c: {  	_ =	shalt  }
0x5d: {  	_ =	shalt  }
0x5e: {  	_ =	shalt  }
0x5f: {  	_ =	shalt  }
0x60: {  	_ =	shalt  }
0x61: {  	_ =	shalt  }
0x62: {  	_ =	shalt  }
0x63: {  	_ =	shalt  }
0x64: {  	_ =	shalt  }
0x65: {  	_ =	shalt  }
0x66: {  	_ =	shalt  }
0x67: {  	_ =	shalt  }
0x68: {  	_ =	shalt  }
0x69: {  	_ =	shalt  }
0x6a: {  	_ =	shalt  }
0x6b: {  	_ =	shalt  }
0x6c: {  	_ =	shalt  }
0x6d: {  	_ =	shalt  }
0x6e: {  	_ =	shalt  }
0x6f: {  	_ =	shalt  }
0x70: {  	_ =	shalt  }
0x71: {  	_ =	shalt  }
0x72: {  	_ =	shalt  }
0x73: {  	_ =	shalt  }
0x74: {  	_ =	shalt  }
0x75: {  	_ =	shalt  }
0x76: {  	_ =	shalt  }
0x77: {  	_ =	shalt  }
0x78: {  	_ =	shalt  }
0x79: {  	_ =	shalt  }
0x7a: {  	_ =	shalt  }
0x7b: {  	_ =	shalt  }
0x7c: {  	_ =	shalt  }
0x7d: {  	_ =	shalt  }
0x7e: {  	_ =	shalt  }
0x7f: {  	_ =	shalt  }
0x80: {  	_ =	shalt  }
0x81: {  	_ =	shalt  }
0x82: {  	_ =	shalt  }
0x83: {  	_ =	shalt  }
0x84: {  	_ =	shalt  }
0x85: {  	_ =	shalt  }
0x86: {  	_ =	shalt  }
0x87: {  	_ =	shalt  }
.Lfunc_end0:
.L_simem_size_0:
called_computation.2_lowered:
.L_overlay_start_0:
0x88: {  	s2 =	sld [smem:$0x3FD9]  }
0x89: {  	s3 =	sld [smem:$0x3FFE];
	_ =	sdelay $0x1  }
0x8a: {  	s1 =	srdreg.scid  }
0x8b: {  	s0 =	sand.u32 $0x1, s1  }
0x8c: {  	s14 =	sshll.u32 s0, $0xA;
	s2 =	sadd.s32 s3, s2  }
0x8d: {  	s2 =	sadd.s32 s2, s14  }
0x8e: {  	[smem:$0x3FC4] =	sst s2  }
0x8f: {  	_ = 	snop  }
0x90: {  	s2 =	sld [smem:$0x3FD0];
	_ =	sdelay $0x2  }
0x91: {  	s4 =	simm.s32 $0xA;
	s5 =	simm.s32 $0x10;
	s15 =	sld [smem:$0x3FC9]  }
0x92: {  	[smem:s5], [sflag:s4] =	dma.local [hbm:s2], $0x1  }
0x93: {  	_ =	swait.eq [sflag:s4], $0x1  }
0x94: {  	[sflag:s4] =	ssyncset.done $0x0  }
0x95: {  	s16 =	sld [smem:$0x10];
	[sflag:s4] =	ssyncadd.s32 $0xFFFFFFFF  }
0x96: {  	s17 =	sld [smem:$0x11];
	(tm) =	ssettm $0x1  }
0x97: {  	s18 =	sld [smem:$0x3FFB];
	_ =	sdelay $0x3  }
0x98: {  	_ =	strace s18  }
0x99: {  	s5 =	sld [smem:$0x3FFC];
	_ =	sdelay $0x3  }
0x9a: {  	_ =	strace s5  }
0x9b: {  	s5 =	sld [smem:$0x3FFD];
	_ =	sdelay $0x3  }
0x9c: {  	_ =	strace s5  }
0x9d: {  	_ =	strace $0x8FFFFFFF  }
0x9e: {  	s19 =	sld [smem:$0x3FDB];
	_ =	sdelay $0x1  }
0x9f: {  	s6 =	simm.s32 $_scs_section_size  }
0xa0: {  	s7 =	simm.s32 $_size__tile_overlayer_lowered;
	s8 =	simm.s32 $_tile_overlayer_lowered  }
0xa1: {  	s22 =	simm.s32 $0x1BFF;
	s21 =	sshll.u32 s8, $0x1;
	s5 =	sadd.s32 s6, s19  }
0xa2: {  	s9 =	simm.s32 $0x0;
	s20 =	sshll.u32 s7, $0x1;
	s7 =	sadd.s32 s21, s5  }
0xa3: {  	[timem:s9], [sflag:s22] =	dma.local [hbm:s7], s20  }
0xa4: {  	_ =	swait.ge [sflag:s22], s20  }
0xa5: {  	s6 =	ssub.s32 $0x0, s20;
	[sflag:s22] =	ssyncset.done $0x0  }
0xa6: {  	[sflag:s22] =	ssyncadd.s32 s6;
	_ =	sdelay $0x1  }
0xa7: {  	s23 =	simm.s32 $0x1B8B  }
0xa8: {  	_ =	swait.ge [sflag:s23], $0x1  }
0xa9: {  	[sflag:s23] =	ssyncset.done $0x0  }
0xaa: {  	s25 =	simm.s32 $0x1B8E;
	s24 =	sld [smem:$0x3FFE];
	[sflag:s23] =	ssyncadd.s32 $0xFFFFFFFF  }
0xab: {  	s26 =	simm.s32 $execute0_lowered;
	[smem:$0x3FD2] =	sst s25  }
0xac: {  	s7 =	sshll.u32 s26, $0x1;
	_ =	strace $0x8000004C;
	[dreg:$0x1] =	wrdreg $0xFFFFFFFF  }
0xad: {  	s28 =	simm.s32 $_size_execute0_lowered;
	s5 =	sadd.s32 s5, s7;
	[dreg:$0x0] =	wrdreg $0x0  }
0xae: {  	s7 =	sshll.u32 s28, $0x1;
	[dreg:$0x2] =	wrdreg s5  }
0xaf: {  	[dreg:$0x3] =	wrdreg s7  }
0xb0: {  	[dreg:$0x4] =	wrdreg $0xC0  }
0xb1: {  	_ =	task [dreg:s9], $0x5FFFF  }
0xb2: {  	[dreg:$0x1] =	wrdreg $0xFFFFFFFF  }
0xb3: {  	[dreg:$0x0] =	wrdreg $0x60  }
0xb4: {  	[dreg:$0x2] =	wrdreg s24  }
0xb5: {  	[dreg:$0x3] =	wrdreg s15  }
0xb6: {  	[dreg:$0x4] =	wrdreg s17  }
0xb7: {  	[dreg:$0x5] =	wrdreg s16  }
0xb8: {  	[dreg:$0x6] =	wrdreg $0xDD800  }
0xb9: {  	[dreg:$0x7] =	wrdreg $0x9  }
0xba: {  	_ =	task.clear_ibuf [dreg:s9], $0x8FFFF;
	_ =	strace $0x9000004C  }
0xbb: {  	s29 =	simm.s32 $0x9;
	_ =	strace $0x8000004E  }
0xbc: {  	_ =	swait.ge [sflag:s29], $0x1  }
0xbd: {  	[sflag:s29] =	ssyncadd.s32 $0xFFFFFFFF  }
0xbe: {  	_ =	strace $0x9000004E  }
0xbf: {  	_ =	sfence  }
0xc0: {  	s30 =	sld [smem:$0x0];
	_ =	sdelay $0x2  }
0xc1: {  	s31 =	sshll.u32 s1, $0xD;
	s1 =	sshrl.u32 s1, $0x2  }
0xc2: {  	s3 =	sand.u32 $0x4000, s31;
	s1 =	sadd.s32 s1, s30  }
0xc3: {  	s0 =	sor.u32 s3, s0;
	s1 =	sshll.u32 s1, $0x11  }
0xc4: {  	s0 =	sor.u32 s1, s0  }
0xc5: {  	s0 =	sadd.s32 $0x8F2B, s0  }
0xc6: {  	[sflag:s0] =	ssyncadd.remote.s32 $0x1  }
0xc7: {  	_ =	sfence.sel $0xFFFF  }
0xc8: {  	[dreg:$0x0] =	wrdreg $0xFFFFFFFF;
	(pc) =	sbr.abs _section_cstart, $3  }
0xc9: {  	[dreg:$0x1] =	wrdreg $0xFFFFFFFF  }
0xca: {  	_ =	task.clear_ibuf [dreg:s9], $0x2FFFF;
	_ =	strace $0x9FFFFFFF  }
0xcb: {  	(tm) =	ssettm $0x7FFFFFFF  }
tec
execute0_lowered:
.L_overlay_start_1:
0x0: {  	(tag) =	ssettag $0x1  }
0x1: {  	s6 =	rddreg [dreg:$0x0]  }
0x2: {  	s1 =	rddreg [dreg:$0x1]  }
0x3: {  	s0 =	rddreg [dreg:$0x3]  }
0x4: {  	s2 =	srdreg.scid;
	s3 =	stileid.u32  }
0x5: {  	s11 =	rddreg [dreg:$0x4];
	s5 =	simm.s32 $0x0;
	s12 =	simm.s32 $0x2780  }
0x6: {  	s13 =	simm.s32 $0x3B80;
	s24 =	simm.s32 $0x50;
	s25 =	simm.s32 $0x3C80  }
0x7: {  	s26 =	simm.s32 $0x8D80;
	s28 =	simm.s32 $0x9580;
	s29 =	simm.s32 $0x9D80  }
0x8: {  	s30 =	simm.s32 $0xA580;
	s31 =	simm.s32 $0xAD80;
	s14 =	simm.s32 $0xD580  }
0x9: {  	s15 =	simm.s32 $0x3BD0;
	s16 =	simm.s32 $0x3CD0;
	s17 =	simm.s32 $0x1  }
0xa: {  	s2 =	sand.u32 $0x1, s2;
	s4 =	sshll.u32 s3, $0x1;
	[smem:$0x7FF] =	sst s5  }
0xb: {  	s6 =	sadd.s32 $0x600, s6;
	p0 =	sne.s32 s3, $0x0;
	s3 =	simm.s32 $0xB580  }
0xc: {  	s4 =	sor.u32 s2, s4;
	_ =	strace $0x8000004D;
	s8 =	ssub.s32 $0x2, s2  }
0xd: {  	p1 =	sne.s32 s2, $0x0;
	s2 =	simm.s32 $0xBD80;
	s7 =	smul.u32 $0x280, s4  }
0xe: {  	s9 =	smul.u32 $0x1400, s4;
	s10 =	sshrl.u32 s8, $0x1;
	p2 =	seq.s32 s4, $0x1F  }
0xf: {  	v0 =	vlaneseq.u32;
	s4 =	simm.s32 $0xCD80;
	s10 =	ssub.s32 s8, s10;
	s7 =	sshrl.u32 s7, $0x2  }
0x10: {  	v1 =	vimm.s32 $0x0;
	vm0 =	vmmov $0xffff;
	v3 =	vshrl.u32 v0, $0x3;
	s8 =	sadd.s32 s0, s9;
	s9 =	sadd.s32 $0x26C00, s0;
	s10 =	smax.u32 s10, $0x1  }
0x11: {  	v2 =	vand.u32 $0x7, v0;
	v4 =	vor.u32 $0x8, v0;
	v3 =	vmul.u32 $0x8, v3;
	s0 =	simm.s32 $0xC580;
	s7 =	sadd.s32 s7, s11;
	s11 =	simm.s32 $0x2  }
.LBB2_1:
.Ltmp0:
0x12: {  	(pc) =	sbr.rel @p0 .LBB2_7-.Ltmp0, $1  }
0x13: {  	_ =	sdelay $0x3  }
0x14: {  	s18 =	simm.s32 $0x40;
	s19 =	simm.s32 $0x0  }
.LBB2_3:
0x15: {  	p3 =	sne.s32 s18, $0x4FC0;
	[tilespmem:s19+$0x2780] =	vst v1;
	s19 =	smov.u32 s18;
	s18 =	sadd.s32 $0x40, s18  }
.Ltmp1:
0x16: {  	(pc) =	sbr.rel @p3 .LBB2_3-.Ltmp1, $2  }
0x17: {  	_ =	sdelay $0x2  }
0x18: {  	s19 =	sshra.s32 s19, $0x2  }
0x19: {  	[tilespmem:s19+$0x2780] =	vst v1;
	s18 =	simm.s32 $0x0;
	s23 =	rddreg [dreg:$0x0]  }
0x1a: {  	[tilespmem:s18], [sflag:$0x2] =	stream.linear.gather [hbm4b:s23+s18], $0x2780, $0x38;
	[tilespmem:$0xDEC0] =	vst v63  }
0x1b: {  	_ =	swait.ge [sflag:s11], $0x2780  }
0x1c: {  	[sflag:s11] =	ssyncset.done $0x0  }
0x1d: {  	[sflag:s11] =	ssyncadd.s32 $0xFFFFD880  }
0x1e: {  	s19 =	simm.s32 $0x10;
	v5 =	vor.u32 s18, v0;
	v6 =	vld [tilespmem:s18+$0x0]  }
.LBB2_5:
0x1f: {  	p3 =	sne.s32 s19, $0x2700;
	v7 =	vmul.u32 $0x20C5, v5;
	_ =	sdelay $0x1  }
0x20: {  	v7 =	vshrl.u32 v7, $0x17  }
0x21: {  	v7 =	vmul.u32 $0x1F4, v7  }
0x22: {  	vm1 =	vlt.s32 v6, $0x1F4  }
0x23: {  	v6 =	vadd.s32 v7, v6;
	_ =	sdelay $0x1  }
.Ltmp2:
0x24: {  	(pc) =	sbr.rel @p3 .LBB2_5-.Ltmp2, $3  }
0x25: {  	_ =	sdelay $0x1  }
0x26: {  	s18 =	sadd.s32 $0x10, s18;
	[tilespmem:v6+s12+$0x0] =	vst.idx.msk vm1, v5  }
0x27: {  	v5 =	vor.u32 s19, v0;
	s19 =	sadd.s32 $0x10, s19;
	v6 =	vld [tilespmem:s18+$0x0]  }
0x28: {  	v7 =	vmul.u32 $0x20C5, v5;
	_ =	sdelay $0x1  }
0x29: {  	v7 =	vshrl.u32 v7, $0x17  }
0x2a: {  	v7 =	vmul.u32 $0x1F4, v7  }
0x2b: {  	vm1 =	vlt.s32 v6, $0x1F4  }
0x2c: {  	v6 =	vadd.s32 v7, v6;
	_ =	sdelay $0x4  }
0x2d: {  	s18 =	simm.s32 @!p1 $0x0;
	s19 =	simm.s32 @!p1 $0x2780;
	s20 =	rddreg [dreg:$0x2];
	[tilespmem:v6+s12+$0x0] =	vst.idx.msk vm1, v5  }
0x2e: {  	[hbm4b:s20+s18] =	stream.linear.scatter @!p1 [tilespmem:s19], [sflag:$0x2], $0x1388, $0x38;
	[tilespmem:$0xDEC0] =	vst v63  }
0x2f: {  	s18 =	simm.s32 @!p1 $0x2  }
0x30: {  	_ =	swait.ge @!p1 [sflag:s18], $0x1388  }
0x31: {  	[sflag:s18] =	ssyncset.done @!p1 $0x0  }
0x32: {  	[sflag:s18] =	ssyncadd.s32 @!p1 $0xFFFFEC78  }
0x33: {  	s18 =	rddreg [dreg:$0x4]  }
0x34: {  	[spmem:s18] =	stream.linear.scatter [tilespmem:s12], [sflag:$0x2], $0x1400, $0x38;
	[tilespmem:$0xDEC0] =	vst v63  }
0x35: {  	_ =	swait.ge [sflag:s11], $0x1400  }
0x36: {  	[sflag:s11] =	ssyncset.done $0x0  }
0x37: {  	[sflag:s11] =	ssyncadd.s32 $0xFFFFEC00  }
.LBB2_7:
0x38: {  	[bflag:$0x0] =	sbarrier.arrive $0xFFFF  }
0x39: {  	[tilespmem:s13], [sflag:$0x2] =	stream.linear.gather [spmem:s7], $0xA0, $0x38;
	[tilespmem:$0xDEC0] =	vst v63  }
0x3a: {  	_ =	swait.ge [sflag:s11], $0xA0  }
0x3b: {  	[sflag:s11] =	ssyncset.done $0x0  }
0x3c: {  	[sflag:s11] =	ssyncadd.s32 $0xFFFFFF60  }
0x3d: {  	v5 =	vld [tilespmem:$0x3B80];
	_ =	sdelay $0x4  }
0x3e: {  	v6 =	vshll.u32 v5, $0x1  }
0x3f: {  	v5 =	vand.u32 $0x7, v5;
	v6 =	vand.u32 $0xFFFFFFF0, v6  }
0x40: {  	v5 =	vor.u32 v5, v6  }
0x41: {  	v6 =	vperm.xlane v5, v2;
	_ =	sdelay $0x1  }
0x42: {  	v5 =	vperm.xlane v5, v4;
	v6 =	vadd.s32 v3, v6;
	_ =	sdelay $0x1  }
0x43: {  	v5 =	vadd.s32 v3, v5;
	_ =	sdelay $0x1  }
0x44: {  	s18 =	simm.s32 $0x0;
	s19 =	simm.s32 $0x3D80  }
0x45: {  	[tilespmem:s19], [sflag:$0x1] =	stream.indirect_vreg.gather [hbm4b:s1+s18], $0x80, v6, vm0, $0xb8;
	[tilespmem:$0xDEC0] =	vst v63  }
0x46: {  	s22 =	simm.s32 $0x4580  }
0x47: {  	[tilespmem:s22], [sflag:$0x1] =	stream.indirect_vreg.gather [hbm4b:s1+s18], $0x80, v5, vm0, $0xb8;
	[tilespmem:$0xDEC0] =	vst v63  }
0x48: {  	v5 =	vld [tilespmem:$0x3B90];
	_ =	sdelay $0x4  }
0x49: {  	v6 =	vshll.u32 v5, $0x1  }
0x4a: {  	v5 =	vand.u32 $0x7, v5;
	v6 =	vand.u32 $0xFFFFFFF0, v6  }
0x4b: {  	v5 =	vor.u32 v5, v6  }
0x4c: {  	v6 =	vperm.xlane v5, v2;
	_ =	sdelay $0x1  }
0x4d: {  	v5 =	vperm.xlane v5, v4;
	v6 =	vadd.s32 v3, v6;
	_ =	sdelay $0x1  }
0x4e: {  	v5 =	vadd.s32 v3, v5;
	_ =	sdelay $0x1  }
0x4f: {  	s23 =	simm.s32 $0x4D80  }
0x50: {  	[tilespmem:s23], [sflag:$0x1] =	stream.indirect_vreg.gather [hbm4b:s1+s18], $0x80, v6, vm0, $0xb8;
	[tilespmem:$0xDEC0] =	vst v63  }
0x51: {  	s20 =	simm.s32 $0x5580  }
0x52: {  	[tilespmem:s20], [sflag:$0x1] =	stream.indirect_vreg.gather [hbm4b:s1+s18], $0x80, v5, vm0, $0xb8;
	[tilespmem:$0xDEC0] =	vst v63  }
0x53: {  	v5 =	vld [tilespmem:$0x3BA0];
	_ =	sdelay $0x4  }
0x54: {  	v6 =	vshll.u32 v5, $0x1  }
0x55: {  	v5 =	vand.u32 $0x7, v5;
	v6 =	vand.u32 $0xFFFFFFF0, v6  }
0x56: {  	v5 =	vor.u32 v5, v6  }
0x57: {  	v6 =	vperm.xlane v5, v2;
	_ =	sdelay $0x1  }
0x58: {  	v5 =	vperm.xlane v5, v4;
	v6 =	vadd.s32 v3, v6;
	_ =	sdelay $0x1  }
0x59: {  	v5 =	vadd.s32 v3, v5;
	_ =	sdelay $0x1  }
0x5a: {  	s21 =	simm.s32 $0x5D80  }
0x5b: {  	[tilespmem:s21], [sflag:$0x1] =	stream.indirect_vreg.gather [hbm4b:s1+s18], $0x80, v6, vm0, $0xb8;
	[tilespmem:$0xDEC0] =	vst v63  }
0x5c: {  	s22 =	simm.s32 $0x6580  }
0x5d: {  	[tilespmem:s22], [sflag:$0x1] =	stream.indirect_vreg.gather [hbm4b:s1+s18], $0x80, v5, vm0, $0xb8;
	[tilespmem:$0xDEC0] =	vst v63  }
0x5e: {  	v5 =	vld [tilespmem:$0x3BB0];
	_ =	sdelay $0x4  }
0x5f: {  	v6 =	vshll.u32 v5, $0x1  }
0x60: {  	v5 =	vand.u32 $0x7, v5;
	v6 =	vand.u32 $0xFFFFFFF0, v6  }
0x61: {  	v5 =	vor.u32 v5, v6  }
0x62: {  	v6 =	vperm.xlane v5, v2;
	_ =	sdelay $0x1  }
0x63: {  	v5 =	vperm.xlane v5, v4;
	v6 =	vadd.s32 v3, v6;
	_ =	sdelay $0x1  }
0x64: {  	v5 =	vadd.s32 v3, v5;
	_ =	sdelay $0x1  }
0x65: {  	s23 =	simm.s32 $0x6D80  }
0x66: {  	[tilespmem:s23], [sflag:$0x1] =	stream.indirect_vreg.gather [hbm4b:s1+s18], $0x80, v6, vm0, $0xb8;
	[tilespmem:$0xDEC0] =	vst v63  }
0x67: {  	s20 =	simm.s32 $0x7580  }
0x68: {  	[tilespmem:s20], [sflag:$0x1] =	stream.indirect_vreg.gather [hbm4b:s1+s18], $0x80, v5, vm0, $0xb8;
	[tilespmem:$0xDEC0] =	vst v63  }
0x69: {  	v5 =	vld [tilespmem:$0x3BC0];
	_ =	sdelay $0x4  }
0x6a: {  	v6 =	vshll.u32 v5, $0x1  }
0x6b: {  	v5 =	vand.u32 $0x7, v5;
	v6 =	vand.u32 $0xFFFFFFF0, v6  }
0x6c: {  	v5 =	vor.u32 v5, v6  }
0x6d: {  	v6 =	vperm.xlane v5, v2;
	_ =	sdelay $0x1  }
0x6e: {  	v5 =	vperm.xlane v5, v4;
	v6 =	vadd.s32 v3, v6;
	_ =	sdelay $0x1  }
0x6f: {  	v5 =	vadd.s32 v3, v5;
	_ =	sdelay $0x1  }
0x70: {  	s21 =	simm.s32 $0x7D80  }
0x71: {  	[tilespmem:s21], [sflag:$0x1] =	stream.indirect_vreg.gather [hbm4b:s1+s18], $0x80, v6, vm0, $0xb8;
	[tilespmem:$0xDEC0] =	vst v63  }
0x72: {  	s22 =	simm.s32 $0x8580  }
0x73: {  	[tilespmem:s22], [sflag:$0x1] =	stream.indirect_vreg.gather [hbm4b:s1+s18], $0x80, v5, vm0, $0xb8;
	[tilespmem:$0xDEC0] =	vst v63  }
0x74: {  	_ = 	snop  }
0x75: {  	[tilespmem:s25], [sflag:$0x1] =	stream.indirect.gather [hbm4b:s6+s24], $0x1, s13, s24, $0xb8;
	[tilespmem:$0xDEC0] =	vst v63  }
0x76: {  	v5 =	vld [tilespmem:$0x3BD0];
	_ =	sdelay $0x4  }
0x77: {  	v6 =	vshll.u32 v5, $0x1  }
0x78: {  	v5 =	vand.u32 $0x7, v5;
	v6 =	vand.u32 $0xFFFFFFF0, v6  }
0x79: {  	v5 =	vor.u32 v5, v6  }
0x7a: {  	v6 =	vperm.xlane v5, v2;
	_ =	sdelay $0x1  }
0x7b: {  	v5 =	vperm.xlane v5, v4;
	v6 =	vadd.s32 v3, v6;
	_ =	sdelay $0x1  }
0x7c: {  	v5 =	vadd.s32 v3, v5;
	_ =	sdelay $0x2  }
0x7d: {  	[tilespmem:s26], [sflag:$0x1] =	stream.indirect_vreg.gather [hbm4b:s1+s18], $0x80, v6, vm0, $0xb8;
	[tilespmem:$0xDEC0] =	vst v63  }
0x7e: {  	_ = 	snop  }
0x7f: {  	[tilespmem:s28], [sflag:$0x1] =	stream.indirect_vreg.gather [hbm4b:s1+s18], $0x80, v5, vm0, $0xb8;
	[tilespmem:$0xDEC0] =	vst v63  }
0x80: {  	v5 =	vld [tilespmem:$0x3BE0];
	_ =	sdelay $0x4  }
0x81: {  	v6 =	vshll.u32 v5, $0x1  }
0x82: {  	v5 =	vand.u32 $0x7, v5;
	v6 =	vand.u32 $0xFFFFFFF0, v6  }
0x83: {  	v5 =	vor.u32 v5, v6  }
0x84: {  	v6 =	vperm.xlane v5, v2;
	_ =	sdelay $0x1  }
0x85: {  	v5 =	vperm.xlane v5, v4;
	v6 =	vadd.s32 v3, v6;
	_ =	sdelay $0x1  }
0x86: {  	v5 =	vadd.s32 v3, v5;
	_ =	sdelay $0x2  }
0x87: {  	[tilespmem:s29], [sflag:$0x1] =	stream.indirect_vreg.gather [hbm4b:s1+s18], $0x80, v6, vm0, $0xb8;
	[tilespmem:$0xDEC0] =	vst v63  }
0x88: {  	_ = 	snop  }
0x89: {  	[tilespmem:s30], [sflag:$0x1] =	stream.indirect_vreg.gather [hbm4b:s1+s18], $0x80, v5, vm0, $0xb8;
	[tilespmem:$0xDEC0] =	vst v63  }
0x8a: {  	v5 =	vld [tilespmem:$0x3BF0];
	_ =	sdelay $0x4  }
0x8b: {  	v6 =	vshll.u32 v5, $0x1  }
0x8c: {  	v5 =	vand.u32 $0x7, v5;
	v6 =	vand.u32 $0xFFFFFFF0, v6  }
0x8d: {  	v5 =	vor.u32 v5, v6  }
0x8e: {  	v6 =	vperm.xlane v5, v2;
	_ =	sdelay $0x1  }
0x8f: {  	v5 =	vperm.xlane v5, v4;
	v6 =	vadd.s32 v3, v6;
	_ =	sdelay $0x1  }
0x90: {  	v5 =	vadd.s32 v3, v5;
	_ =	sdelay $0x2  }
0x91: {  	[tilespmem:s31], [sflag:$0x1] =	stream.indirect_vreg.gather [hbm4b:s1+s18], $0x80, v6, vm0, $0xb8;
	[tilespmem:$0xDEC0] =	vst v63  }
0x92: {  	_ = 	snop  }
0x93: {  	[tilespmem:s3], [sflag:$0x1] =	stream.indirect_vreg.gather [hbm4b:s1+s18], $0x80, v5, vm0, $0xb8;
	[tilespmem:$0xDEC0] =	vst v63  }
0x94: {  	v5 =	vld [tilespmem:$0x3C00];
	_ =	sdelay $0x4  }
0x95: {  	v6 =	vshll.u32 v5, $0x1  }
0x96: {  	v5 =	vand.u32 $0x7, v5;
	v6 =	vand.u32 $0xFFFFFFF0, v6  }
0x97: {  	v5 =	vor.u32 v5, v6  }
0x98: {  	v6 =	vperm.xlane v5, v2;
	_ =	sdelay $0x1  }
0x99: {  	v5 =	vperm.xlane v5, v4;
	v6 =	vadd.s32 v3, v6;
	_ =	sdelay $0x1  }
0x9a: {  	v5 =	vadd.s32 v3, v5;
	_ =	sdelay $0x2  }
0x9b: {  	[tilespmem:s2], [sflag:$0x1] =	stream.indirect_vreg.gather [hbm4b:s1+s18], $0x80, v6, vm0, $0xb8;
	[tilespmem:$0xDEC0] =	vst v63  }
0x9c: {  	_ = 	snop  }
0x9d: {  	[tilespmem:s0], [sflag:$0x1] =	stream.indirect_vreg.gather [hbm4b:s1+s18], $0x80, v5, vm0, $0xb8;
	[tilespmem:$0xDEC0] =	vst v63  }
0x9e: {  	v5 =	vld [tilespmem:$0x3C10];
	_ =	sdelay $0x4  }
0x9f: {  	v6 =	vshll.u32 v5, $0x1  }
0xa0: {  	v5 =	vand.u32 $0x7, v5;
	v6 =	vand.u32 $0xFFFFFFF0, v6  }
0xa1: {  	v5 =	vor.u32 v5, v6  }
0xa2: {  	v6 =	vperm.xlane v5, v2;
	_ =	sdelay $0x1  }
0xa3: {  	v5 =	vperm.xlane v5, v4;
	v6 =	vadd.s32 v3, v6;
	_ =	sdelay $0x1  }
0xa4: {  	v5 =	vadd.s32 v3, v5;
	_ =	sdelay $0x2  }
0xa5: {  	[tilespmem:s4], [sflag:$0x1] =	stream.indirect_vreg.gather [hbm4b:s1+s18], $0x80, v6, vm0, $0xb8;
	[tilespmem:$0xDEC0] =	vst v63  }
0xa6: {  	_ = 	snop  }
0xa7: {  	[tilespmem:s14], [sflag:$0x1] =	stream.indirect_vreg.gather [hbm4b:s1+s18], $0x80, v5, vm0, $0xb8;
	[tilespmem:$0xDEC0] =	vst v63  }
0xa8: {  	_ = 	snop  }
0xa9: {  	[tilespmem:s16], [sflag:$0x1] =	stream.indirect.gather [hbm4b:s6+s24], $0x1, s15, s24, $0xb8;
	[tilespmem:$0xDEC0] =	vst v63  }
0xaa: {  	_ =	swait.ge [sflag:s17], $0x5000  }
0xab: {  	[sflag:s17] =	ssyncset.done $0x0  }
0xac: {  	[sflag:s17] =	ssyncadd.s32 $0xFFFFB000  }
0xad: {  	_ =	swait.ge [sflag:s17], $0x50  }
0xae: {  	[sflag:s17] =	ssyncset.done $0x0  }
0xaf: {  	[sflag:s17] =	ssyncadd.s32 $0xFFFFFFB0  }
0xb0: {  	_ =	swait.ge [sflag:s17], $0x5000  }
0xb1: {  	[sflag:s17] =	ssyncset.done $0x0  }
0xb2: {  	[sflag:s17] =	ssyncadd.s32 $0xFFFFB000  }
0xb3: {  	_ =	swait.ge [sflag:s17], $0x50  }
0xb4: {  	s23 =	sand.u32 $0xF800, s18;
	s20 =	sand.u32 $0x380, s18;
	[sflag:s17] =	ssyncset.done $0x0  }
0xb5: {  	s19 =	sor.u32 s20, s23;
	[sflag:s17] =	ssyncadd.s32 $0xFFFFFFB0  }
0xb6: {  	v5 =	vmov s18;
	v7 =	vld [tilespmem:s19+$0x3DB0]  }
0xb7: {  	v9 =	vld [tilespmem:s19+$0x3DD0]  }
0xb8: {  	v8 =	vld [tilespmem:s19+$0x41C0]  }
0xb9: {  	v6 =	vld [tilespmem:s19+$0x41D0]  }
0xba: {  	v10 =	vld [tilespmem:s19+$0x41F0]  }
0xbb: {  	v5 =	vld.idx.msk [tilespmem:v5+s25+$0x0], $0xffff  }
0xbc: {  	v12 =	vld [tilespmem:s19+$0x3DC0]  }
0xbd: {  	s20 =	simm.s32 $0x1;
	s21 =	simm.s32 $0x0;
	v11 =	vld [tilespmem:s19+$0x3DE0]  }
.LBB2_8:
0xbe: {  	p3 =	sne.s32 s20, $0x9F;
	v13 =	vld [tilespmem:s19+$0x4180];
	s18 =	sadd.s32 $0x80, s18;
	s21 =	sadd.s32 $0x100, s21  }
0xbf: {  	s22 =	smov.u32 s20;
	s20 =	sadd.s32 $0x1, s20;
	v14 =	vld [tilespmem:s19+$0x3DA0]  }
0xc0: {  	v15 =	vld [tilespmem:s19+$0x41E0]  }
0xc1: {  	v9 =	vmul.f32 v9, v5;
	v12 =	vmul.f32 v12, v5;
	v16 =	vld [tilespmem:s19+$0x41A0]  }
0xc2: {  	v10 =	vmul.f32 v10, v5;
	v11 =	vmul.f32 v11, v5;
	v17 =	vld [tilespmem:s19+$0x4190]  }
0xc3: {  	v7 =	vmul.f32 v7, v5;
	v8 =	vmul.f32 v8, v5;
	[tilespmem:s19+$0x3DC0] =	vst v12;
	v12 =	vld [tilespmem:s19+$0x41B0]  }
0xc4: {  	v18 =	vld [tilespmem:s19+$0x3D90];
	[tilespmem:s19+$0x3DE0] =	vst v11  }
0xc5: {  	[tilespmem:s19+$0x3DD0] =	vst v9;
	v9 =	vld [tilespmem:s19+$0x3DF0]  }
0xc6: {  	v11 =	vld [tilespmem:s19+$0x3D80];
	[tilespmem:s19+$0x41F0] =	vst v10  }
0xc7: {  	v6 =	vmul.f32 v6, v5;
	[tilespmem:s19+$0x3DB0] =	vst v7;
	v7 =	vmul.f32 v15, v5  }
0xc8: {  	v10 =	vmul.f32 v14, v5;
	v12 =	vmul.f32 v12, v5;
	[tilespmem:s19+$0x41C0] =	vst v8  }
0xc9: {  	s23 =	sand.u32 $0x380, s18;
	v14 =	vmov s22;
	s22 =	sand.u32 $0xF800, s21;
	v8 =	vmul.f32 v13, v5;
	v13 =	vmul.f32 v16, v5;
	[tilespmem:s19+$0x41D0] =	vst v6  }
0xca: {  	s22 =	sor.u32 s23, s22;
	v16 =	vmul.f32 v17, v5;
	v15 =	vmul.f32 v9, v5;
	[tilespmem:s19+$0x41E0] =	vst v7  }
0xcb: {  	v7 =	vld [tilespmem:s22+$0x3DB0];
	v11 =	vmul.f32 v11, v5;
	v5 =	vmul.f32 v18, v5;
	[tilespmem:s19+$0x3DA0] =	vst v10  }
0xcc: {  	v9 =	vld [tilespmem:s22+$0x3DD0];
	[tilespmem:s19+$0x4180] =	vst v8  }
0xcd: {  	v8 =	vld [tilespmem:s22+$0x41C0];
	[tilespmem:s19+$0x41A0] =	vst v13  }
0xce: {  	[tilespmem:s19+$0x41B0] =	vst v12  }
0xcf: {  	v6 =	vld [tilespmem:s22+$0x41D0];
	[tilespmem:s19+$0x4190] =	vst v16  }
0xd0: {  	[tilespmem:s19+$0x3DF0] =	vst v15  }
.Ltmp3:
0xd1: {  	[tilespmem:s19+$0x3D90] =	vst v5;
	(pc) =	sbr.rel @p3 .LBB2_8-.Ltmp3, $4  }
0xd2: {  	v10 =	vld [tilespmem:s22+$0x41F0];
	[tilespmem:s19+$0x3D80] =	vst v11;
	s19 =	smov.u32 s22  }
0xd3: {  	v5 =	vld.idx.msk [tilespmem:v14+s25+$0x0], $0xffff  }
0xd4: {  	v12 =	vld [tilespmem:s19+$0x3DC0]  }
0xd5: {  	v11 =	vld [tilespmem:s19+$0x3DE0]  }
0xd6: {  	_ =	sdelay $0x1  }
0xd7: {  	v9 =	vmul.f32 v9, v5  }
0xd8: {  	v10 =	vmul.f32 v10, v5  }
0xd9: {  	v15 =	vld [tilespmem:s19+$0x41E0];
	v7 =	vmul.f32 v7, v5;
	[tilespmem:s19+$0x3DD0] =	vst v9  }
0xda: {  	v14 =	vld [tilespmem:s19+$0x3DA0];
	v8 =	vmul.f32 v8, v5;
	[tilespmem:s19+$0x41F0] =	vst v10  }
0xdb: {  	v13 =	vld [tilespmem:s19+$0x4180];
	v6 =	vmul.f32 v6, v5;
	[tilespmem:s19+$0x3DB0] =	vst v7  }
0xdc: {  	v61 =	vld [tilespmem:s19+$0x41B0];
	v12 =	vmul.f32 v12, v5;
	[tilespmem:s19+$0x41C0] =	vst v8  }
0xdd: {  	v59 =	vld [tilespmem:s19+$0x3D90];
	v11 =	vmul.f32 v11, v5;
	[tilespmem:s19+$0x41D0] =	vst v6  }
0xde: {  	v16 =	vld [tilespmem:s19+$0x41A0];
	[tilespmem:s19+$0x3DC0] =	vst v12;
	v7 =	vmul.f32 v15, v5  }
0xdf: {  	v58 =	vld [tilespmem:s19+$0x4190];
	v14 =	vmul.f32 v14, v5;
	[tilespmem:s19+$0x3DE0] =	vst v11  }
0xe0: {  	v62 =	vld [tilespmem:s19+$0x3DF0];
	v6 =	vmul.f32 v13, v5;
	[tilespmem:s19+$0x41E0] =	vst v7  }
0xe1: {  	v60 =	vld [tilespmem:s19+$0x3D80];
	v10 =	vmul.f32 v61, v5;
	[tilespmem:s19+$0x3DA0] =	vst v14  }
0xe2: {  	v63 =	vmul.f32 v59, v5;
	[tilespmem:s19+$0x4180] =	vst v6  }
0xe3: {  	v7 =	vmul.f32 v16, v5;
	[tilespmem:s19+$0x41B0] =	vst v10  }
0xe4: {  	v6 =	vmul.f32 v58, v5;
	[tilespmem:s19+$0x3D90] =	vst v63  }
0xe5: {  	[tilespmem:s19+$0x41A0] =	vst v7;
	v7 =	vmul.f32 v62, v5  }
0xe6: {  	[tilespmem:s19+$0x4190] =	vst v6;
	v5 =	vmul.f32 v60, v5  }
0xe7: {  	[tilespmem:s19+$0x3DF0] =	vst v7  }
0xe8: {  	s18 =	simm.s32 @p2 $0x0;
	[tilespmem:s19+$0x3D80] =	vst v5;
	s19 =	simm.s32 @p2 $0x3D80  }
0xe9: {  	[hbm4b:s9+s18] =	stream.linear.scatter @p2 [tilespmem:s19], [sflag:$0x2], $0x2800, $0x38;
	[tilespmem:$0xDEC0] =	vst v63  }
0xea: {  	s18 =	simm.s32 @p2 $0x2  }
0xeb: {  	s5 =	sadd.s32 $0x1, s5;
	_ =	swait.ge @p2 [sflag:s18], $0x2800  }
0xec: {  	p3 =	sne.s32 s5, s10;
	[sflag:s18] =	ssyncset.done @p2 $0x0  }
0xed: {  	s19 =	simm.s32 @!p2 $0x3D80;
	[sflag:s18] =	ssyncadd.s32 @p2 $0xFFFFD800;
	s18 =	simm.s32 @!p2 $0x0  }
0xee: {  	[hbm4b:s8+s18] =	stream.linear.scatter @!p2 [tilespmem:s19], [sflag:$0x2], $0xA000, $0x38;
	[tilespmem:$0xDEC0] =	vst v63  }
.Ltmp4:
0xef: {  	_ = 	snop;
	(pc) =	sbr.rel @p3 .LBB2_1-.Ltmp4, $4  }
0xf0: {  	s18 =	simm.s32 @!p2 $0x2  }
0xf1: {  	_ =	swait.ge @!p2 [sflag:s18], $0xA000  }
0xf2: {  	[sflag:s18] =	ssyncset.done @!p2 $0x0  }
0xf3: {  	[sflag:s18] =	ssyncadd.s32 @!p2 $0xFFFF6000  }
0xf4: {  	_ =	sfence.sel $0x180000  }
0xf5: {  	[bflag:$0x0] =	sbarrier.arrive $0xFFFF  }
0xf6: {  	_ =	strace $0x9000004D  }
0xf7: {  	[bflag:$0x2] =	sbarrier.arrive $0xFFFF  }
0xf8: {  	s0 =	rddreg [dreg:$0x5]  }
0xf9: {  	s0 =	sadd.s32 @!p0 $0x100000, s0  }
0xfa: {  	[sflag:s0] =	ssyncadd.tile.s32 @!p0 $0x1;
	_ =	shalt  }
.Lfunc_end2:
_tile_overlayer_lowered:
.L_overlay_start_2:
0xfb: {  	(tag) =	ssettag $0x2  }
0xfc: {  	s0 =	rddreg [dreg:$0x0];
	s2 =	stileid.u32  }
0xfd: {  	s1 =	rddreg [dreg:$0x1];
	p0 =	sne.s32 s2, $0x0  }
0xfe: {  	s3 =	rddreg [dreg:$0x2];
	[bflag:$0x3] =	sbarrier.arrive $0xFFFF;
	s2 =	simm.s32 @!p0 $0x1C02  }
0xff: {  	[timem:s3], [sflag:s2] =	dma.local @!p0 [hbm:s0], s1  }
0x100: {  	s0 =	simm.s32 @!p0 $0x2  }
0x101: {  	_ =	swait.ge @!p0 [sflag:s0], s1  }
0x102: {  	s1 =	ssub.s32 @!p0 $0x0, s1;
	[sflag:s0] =	ssyncset.done @!p0 $0x0  }
0x103: {  	[sflag:s0] =	ssyncadd.s32 @!p0 s1  }
0x104: {  	[bflag:$0x3] =	sbarrier.arrive $0xFFFF  }
0x105: {  	_ =	shalt  }

// kernel: kernel.7.cloned.1.call-start
scs
__scs_entry_jumppad:
0x0: {  	(pc) =	sbr.rel $0x88, $3  }
0x1: {  	(tag) =	ssettag $0x0;
	lr =	simm.s32 $0x1  }
0x2: {  	[smem:$0x3F9D] =	sst lr;
	_ =	strace $0xD0000000  }
0x3: {  	_ = 	snop  }
0x4: {  	_ = 	snop  }
0x5: {  	_ = 	snop  }
0x6: {  	_ = 	snop  }
0x7: {  	_ = 	snop  }
__scs_overlays_trampoline_lowered:
0x8: {  	[smem:$0x3FAC] =	sst s0  }
0x9: {  	[smem:$0x3FAD] =	sst s1  }
0xa: {  	[smem:$0x3FAE] =	sst s2  }
0xb: {  	[smem:$0x3FAF] =	sst s3  }
0xc: {  	[smem:$0x3FB0] =	sst s4  }
0xd: {  	[smem:$0x3FB1] =	sst s5  }
0xe: {  	[smem:$0x3FB2] =	sst s6  }
0xf: {  	[smem:$0x3FB3] =	sst s7  }
0x10: {  	[smem:$0x3FB4] =	sst s8  }
0x11: {  	[smem:$0x3FB5] =	sst s9;
	s0 =	simm.s32 @!p0 $0x0  }
0x12: {  	s1 =	sld [smem:$0x3F9B];
	s0 =	simm.s32 @p0 $0x1  }
0x13: {  	[smem:$0x3FB6] =	sst s0;
	s0 =	simm.s32 @!p1 $0x0  }
0x14: {  	s2 =	sld [smem:$0x3F9A];
	s0 =	simm.s32 @p1 $0x1  }
0x15: {  	[smem:$0x3FB7] =	sst s0;
	s0 =	simm.s32 @!p2 $0x0  }
0x16: {  	s3 =	sld [smem:$0x3FDB];
	s0 =	simm.s32 @p2 $0x1  }
0x17: {  	s4 =	simm.s32 $0x1BF5;
	[smem:$0x3FB9] =	sst s0  }
0x18: {  	s0 =	sld [smem:$0x3F9C];
	_ =	swait.ge [sflag:s4], $0x0  }
0x19: {  	s7 =	sld [smem:$0x3F9D]  }
0x1a: {  	s8 =	sadd.s32 $0xFFFFE003, lr  }
0x1b: {  	s9 =	sadd.s32 $0xFFFFFEF7, lr;
	s5 =	simm.s32 $0xFFFFFFFF;
	p2 =	slt.u32 s8, $0xFFFFF086  }
0x1c: {  	p1 =	slt.u32 s9, $0xF7A;
	s5 =	simm.s32 @!p2 $0x0  }
0x1d: {  	s5 =	simm.s32 @p1 $0x1;
	p0 =	seq.s32 s7, s2  }
0x1e: {  	s7 =	smul.u32 @!p0 $0xF7A, s2;
	p2 =	seq.s32 @!p0 s5, $0x0  }
0x1f: {  	s9 =	smul.u32 $0xF7A, s1;
	s8 =	simm.s32 @!p0 $0x1BF5;
	p2 =	por !p2, p0  }
0x20: {  	[sflag:s8] =	ssyncset.s32 @!p0 $0xFFFFF086;
	s6 =	sadd.s32 @!p0 s3, s7;
	s7 =	simm.s32 @!p0 $0x108  }
0x21: {  	s3 =	sadd.s32 s3, s9;
	s6 =	sadd.s32 @!p0 $0x88, s6;
	s7 =	simm.s32 @p2 $0x1082  }
0x22: {  	[simem:s7], [sflag:s8] =	dma.local @!p0 [hbm:s6], $0xF7A  }
0x23: {  	s9 =	sor.u32 $0xD0000000, s2;
	s6 =	simm.s32 $0x108;
	_ =	swait.ge @!p0 [sflag:s8], $0x0  }
0x24: {  	s3 =	sadd.s32 $0x88, s3;
	s6 =	simm.s32 @!p1 $0x1082;
	[sflag:s4] =	ssyncset.s32 $0xFFFFF086  }
0x25: {  	[simem:s6], [sflag:s4] =	dma.local [hbm:s3], $0xF7A  }
0x26: {  	[smem:$0x3F9D] =	sst s1;
	(tag) =	ssettag s2;
	_ =	strace s9  }
0x27: {  	s1 =	sld [smem:$0x3FAD]  }
0x28: {  	s2 =	sld [smem:$0x3FAE]  }
0x29: {  	s4 =	sld [smem:$0x3FB0]  }
0x2a: {  	p0 =	seq.s32 s5, $0x0;
	s5 =	sld [smem:$0x3FB1]  }
0x2b: {  	s6 =	sld [smem:$0x3FB2]  }
0x2c: {  	s7 =	sld [smem:$0x3FB3]  }
0x2d: {  	s3 =	simm.s32 $0x108;
	s8 =	sld [smem:$0x3FB4]  }
0x2e: {  	s3 =	simm.s32 @!p0 $0x1082;
	s9 =	sld [smem:$0x3FB5]  }
0x2f: {  	lr =	sadd.s32 s0, s3;
	s0 =	sld [smem:$0x3FAC]  }
0x30: {  	s3 =	sld [smem:$0x3FAF]  }
0x31: {  	[smem:$0x3FB8] =	sst s10  }
0x32: {  	s10 =	sld [smem:$0x3FB6];
	_ =	sdelay $0x3  }
0x33: {  	p0 =	seq.s32 s10, $0x1;
	s10 =	sld [smem:$0x3FB8];
	_ =	sdelay $0x3  }
0x34: {  	[smem:$0x3FB8] =	sst s10  }
0x35: {  	s10 =	sld [smem:$0x3FB7];
	_ =	sdelay $0x3  }
0x36: {  	p1 =	seq.s32 s10, $0x1;
	s10 =	sld [smem:$0x3FB8];
	_ =	sdelay $0x3  }
0x37: {  	[smem:$0x3FB8] =	sst s10  }
0x38: {  	s10 =	sld [smem:$0x3FB9]  }
0x39: {  	_ = 	snop;
	(pc) =	sbr.ind lr, $3  }
0x3a: {  	_ = 	snop  }
0x3b: {  	_ = 	snop  }
0x3c: {  	p2 =	seq.s32 s10, $0x1;
	s10 =	sld [smem:$0x3FB8]  }
0x3d: {  	_ =	shalt  }
0x3e: {  	_ =	shalt  }
0x3f: {  	_ =	shalt  }
0x40: {  	_ =	shalt  }
0x41: {  	_ =	shalt  }
0x42: {  	_ =	shalt  }
0x43: {  	_ =	shalt  }
0x44: {  	_ =	shalt  }
0x45: {  	_ =	shalt  }
0x46: {  	_ =	shalt  }
0x47: {  	_ =	shalt  }
0x48: {  	_ =	shalt  }
0x49: {  	_ =	shalt  }
0x4a: {  	_ =	shalt  }
0x4b: {  	_ =	shalt  }
0x4c: {  	_ =	shalt  }
0x4d: {  	_ =	shalt  }
0x4e: {  	_ =	shalt  }
0x4f: {  	_ =	shalt  }
0x50: {  	_ =	shalt  }
0x51: {  	_ =	shalt  }
0x52: {  	_ =	shalt  }
0x53: {  	_ =	shalt  }
0x54: {  	_ =	shalt  }
0x55: {  	_ =	shalt  }
0x56: {  	_ =	shalt  }
0x57: {  	_ =	shalt  }
0x58: {  	_ =	shalt  }
0x59: {  	_ =	shalt  }
0x5a: {  	_ =	shalt  }
0x5b: {  	_ =	shalt  }
0x5c: {  	_ =	shalt  }
0x5d: {  	_ =	shalt  }
0x5e: {  	_ =	shalt  }
0x5f: {  	_ =	shalt  }
0x60: {  	_ =	shalt  }
0x61: {  	_ =	shalt  }
0x62: {  	_ =	shalt  }
0x63: {  	_ =	shalt  }
0x64: {  	_ =	shalt  }
0x65: {  	_ =	shalt  }
0x66: {  	_ =	shalt  }
0x67: {  	_ =	shalt  }
0x68: {  	_ =	shalt  }
0x69: {  	_ =	shalt  }
0x6a: {  	_ =	shalt  }
0x6b: {  	_ =	shalt  }
0x6c: {  	_ =	shalt  }
0x6d: {  	_ =	shalt  }
0x6e: {  	_ =	shalt  }
0x6f: {  	_ =	shalt  }
0x70: {  	_ =	shalt  }
0x71: {  	_ =	shalt  }
0x72: {  	_ =	shalt  }
0x73: {  	_ =	shalt  }
0x74: {  	_ =	shalt  }
0x75: {  	_ =	shalt  }
0x76: {  	_ =	shalt  }
0x77: {  	_ =	shalt  }
0x78: {  	_ =	shalt  }
0x79: {  	_ =	shalt  }
0x7a: {  	_ =	shalt  }
0x7b: {  	_ =	shalt  }
0x7c: {  	_ =	shalt  }
0x7d: {  	_ =	shalt  }
0x7e: {  	_ =	shalt  }
0x7f: {  	_ =	shalt  }
0x80: {  	_ =	shalt  }
0x81: {  	_ =	shalt  }
0x82: {  	_ =	shalt  }
0x83: {  	_ =	shalt  }
0x84: {  	_ =	shalt  }
0x85: {  	_ =	shalt  }
0x86: {  	_ =	shalt  }
0x87: {  	_ =	shalt  }
.Lfunc_end0:
.L_simem_size_0:
called_computation.1_lowered:
.L_overlay_start_0:
0x88: {  	s2 =	sld [smem:$0x3FD9]  }
0x89: {  	s3 =	sld [smem:$0x3FFE];
	_ =	sdelay $0x1  }
0x8a: {  	s1 =	srdreg.scid  }
0x8b: {  	s0 =	sand.u32 $0x1, s1  }
0x8c: {  	s14 =	sshll.u32 s0, $0xA;
	s2 =	sadd.s32 s3, s2  }
0x8d: {  	s2 =	sadd.s32 s2, s14  }
0x8e: {  	[smem:$0x3FC4] =	sst s2  }
0x8f: {  	_ = 	snop  }
0x90: {  	s2 =	sld [smem:$0x3FD0];
	_ =	sdelay $0x2  }
0x91: {  	s15 =	simm.s32 $0xA;
	s4 =	simm.s32 $0x10  }
0x92: {  	[smem:s4], [sflag:s15] =	dma.local [hbm:s2], $0x1  }
0x93: {  	_ =	swait.eq [sflag:s15], $0x1  }
0x94: {  	[sflag:s15] =	ssyncset.done $0x0  }
0x95: {  	[sflag:s15] =	ssyncadd.s32 $0xFFFFFFFF  }
0x96: {  	s16 =	sld [smem:$0x10];
	(tm) =	ssettm $0x1  }
0x97: {  	s17 =	sld [smem:$0x3FFB];
	_ =	sdelay $0x3  }
0x98: {  	_ =	strace s17  }
0x99: {  	s3 =	sld [smem:$0x3FFC];
	_ =	sdelay $0x3  }
0x9a: {  	_ =	strace s3  }
0x9b: {  	s3 =	sld [smem:$0x3FFD];
	_ =	sdelay $0x3  }
0x9c: {  	_ =	strace s3  }
0x9d: {  	_ =	strace $0x8FFFFFFF  }
0x9e: {  	s18 =	sld [smem:$0x3FDB];
	_ =	sdelay $0x1  }
0x9f: {  	s19 =	simm.s32 $_scs_section_size  }
0xa0: {  	s5 =	simm.s32 $_size__tile_overlayer_lowered;
	s6 =	simm.s32 $_tile_overlayer_lowered  }
0xa1: {  	s22 =	simm.s32 $0x1BFF;
	s21 =	sshll.u32 s6, $0x1;
	s3 =	sadd.s32 s19, s18  }
0xa2: {  	s7 =	simm.s32 $0x0;
	s20 =	sshll.u32 s5, $0x1;
	s5 =	sadd.s32 s21, s3  }
0xa3: {  	[timem:s7], [sflag:s22] =	dma.local [hbm:s5], s20  }
0xa4: {  	_ =	swait.ge [sflag:s22], s20  }
0xa5: {  	s4 =	ssub.s32 $0x0, s20;
	[sflag:s22] =	ssyncset.done $0x0  }
0xa6: {  	[sflag:s22] =	ssyncadd.s32 s4;
	_ =	sdelay $0x1  }
0xa7: {  	s23 =	simm.s32 $0x1B8B  }
0xa8: {  	_ =	swait.ge [sflag:s23], $0x1  }
0xa9: {  	[sflag:s23] =	ssyncset.done $0x0  }
0xaa: {  	s25 =	simm.s32 $0x1B8E;
	s24 =	sld [smem:$0x3FFE];
	[sflag:s23] =	ssyncadd.s32 $0xFFFFFFFF  }
0xab: {  	s26 =	simm.s32 $execute0_lowered;
	[smem:$0x3FD2] =	sst s25  }
0xac: {  	s5 =	sshll.u32 s26, $0x1;
	_ =	strace $0x80000046;
	[dreg:$0x1] =	wrdreg $0xFFFFFFFF  }
0xad: {  	s28 =	simm.s32 $_size_execute0_lowered;
	s3 =	sadd.s32 s3, s5;
	[dreg:$0x0] =	wrdreg $0x0  }
0xae: {  	s5 =	sshll.u32 s28, $0x1;
	[dreg:$0x2] =	wrdreg s3  }
0xaf: {  	[dreg:$0x3] =	wrdreg s5  }
0xb0: {  	[dreg:$0x4] =	wrdreg $0xC0  }
0xb1: {  	_ =	task [dreg:s7], $0x5FFFF  }
0xb2: {  	[dreg:$0x1] =	wrdreg $0xFFFFFFFF  }
0xb3: {  	[dreg:$0x0] =	wrdreg $0x60  }
0xb4: {  	[dreg:$0x2] =	wrdreg s16  }
0xb5: {  	[dreg:$0x3] =	wrdreg s24  }
0xb6: {  	[dreg:$0x4] =	wrdreg $0x41000  }
0xb7: {  	[dreg:$0x5] =	wrdreg $0x9  }
0xb8: {  	_ =	task.clear_ibuf [dreg:s7], $0x6FFFF;
	_ =	strace $0x90000046  }
0xb9: {  	s29 =	simm.s32 $0x9;
	_ =	strace $0x80000048  }
0xba: {  	_ =	swait.ge [sflag:s29], $0x1  }
0xbb: {  	[sflag:s29] =	ssyncadd.s32 $0xFFFFFFFF  }
0xbc: {  	_ =	strace $0x90000048  }
0xbd: {  	_ =	sfence  }
0xbe: {  	s30 =	sld [smem:$0x0];
	_ =	sdelay $0x2  }
0xbf: {  	s31 =	sshll.u32 s1, $0xD;
	s1 =	sshrl.u32 s1, $0x2  }
0xc0: {  	s3 =	sand.u32 $0x4000, s31;
	s1 =	sadd.s32 s1, s30  }
0xc1: {  	s0 =	sor.u32 s3, s0;
	s1 =	sshll.u32 s1, $0x11  }
0xc2: {  	s0 =	sor.u32 s1, s0  }
0xc3: {  	s0 =	sadd.s32 $0x8F2B, s0  }
0xc4: {  	[sflag:s0] =	ssyncadd.remote.s32 $0x1  }
0xc5: {  	_ =	sfence.sel $0xFFFF  }
0xc6: {  	[dreg:$0x0] =	wrdreg $0xFFFFFFFF;
	(pc) =	sbr.abs _section_cstart, $3  }
0xc7: {  	[dreg:$0x1] =	wrdreg $0xFFFFFFFF  }
0xc8: {  	_ =	task.clear_ibuf [dreg:s7], $0x2FFFF;
	_ =	strace $0x9FFFFFFF  }
0xc9: {  	(tm) =	ssettm $0x7FFFFFFF  }
tec
execute0_lowered:
.L_overlay_start_1:
0x0: {  	(tag) =	ssettag $0x1  }
0x1: {  	s1 =	rddreg [dreg:$0x0];
	s2 =	srdreg.scid  }
0x2: {  	s0 =	stileid.u32;
	s20 =	rddreg [dreg:$0x1]  }
0x3: {  	s5 =	rddreg [dreg:$0x2];
	s28 =	simm.s32 $0x3E80;
	s29 =	simm.s32 $0x3C00  }
0x4: {  	s30 =	simm.s32 $0x0;
	s11 =	sand.u32 $0x1, s2;
	s6 =	smul.u32 $0xA000, s0  }
0x5: {  	s25 =	sshll.u32 s0, $0x1;
	s2 =	simm.s32 $0x0;
	s16 =	smul.u32 $0x280, s0  }
0x6: {  	s3 =	sor.u32 s11, s25;
	[smem:$0x7FF] =	sst s2;
	s31 =	smul.u32 $0x2800, s11  }
0x7: {  	s4 =	ssub.s32 $0x2, s11;
	s25 =	simm.s32 $0x1;
	s3 =	smul.u32 $0x1388, s3  }
0x8: {  	_ =	strace $0x80000047;
	s7 =	sshrl.u32 s4, $0x1;
	s26 =	sshrl.u32 s6, $0x2  }
0x9: {  	s24 =	ssub.s32 s4, s7;
	s4 =	sadd.s32 s26, s5;
	s5 =	sadd.s32 s16, s5  }
0xa: {  	s26 =	simm.s32 $0x1400;
	s3 =	sshrl.u32 s3, $0x3;
	s6 =	sadd.s32 $0x2800, s5  }
0xb: {  	s7 =	sadd.s32 $0x5000, s5;
	s8 =	sadd.s32 $0x7800, s5;
	s9 =	sadd.s32 $0xA000, s5  }
0xc: {  	s10 =	sadd.s32 $0xC800, s5;
	s11 =	sadd.s32 $0xF000, s5;
	s12 =	sadd.s32 $0x11800, s5  }
0xd: {  	s13 =	sadd.s32 $0x14000, s5;
	s14 =	sadd.s32 $0x16800, s5;
	s15 =	sadd.s32 $0x19000, s5  }
0xe: {  	s17 =	sadd.s32 $0x1E000, s5;
	s3 =	sadd.s32 s1, s3;
	s1 =	sadd.s32 s16, s31  }
0xf: {  	s18 =	sadd.s32 $0x20800, s5;
	s19 =	sadd.s32 $0x23000, s5;
	s1 =	sshrl.u32 s1, $0x3  }
0x10: {  	s21 =	sadd.s32 $0x25800, s5;
	s24 =	smax.u32 s24, $0x1;
	s20 =	sadd.s32 s20, s1  }
0x11: {  	v0 =	vimm.f32 $0.0e+00;
	vm0 =	vcmask $0x3F20;
	s16 =	sadd.s32 $0x1B800, s5;
	s22 =	sadd.s32 $0x4E20, s3;
	s23 =	sadd.s32 $0xA00, s20  }
.LBB2_1:
0x12: {  	[tilespmem:s2], [sflag:$0x1] =	stream.linear.gather [hbm4b:s3+s2], $0x1388, $0x38;
	[tilespmem:$0x6900] =	vst v63  }
0x13: {  	_ =	swait.ge [sflag:s25], $0x1388  }
0x14: {  	[sflag:s25] =	ssyncset.done $0x0  }
0x15: {  	s1 =	simm.s32 $0x0;
	[sflag:s25] =	ssyncadd.s32 $0xFFFFEC78  }
.LBB2_2:
0x16: {  	p0 =	sne.s32 s1, $0x9FC0  }
.Ltmp0:
0x17: {  	_ = 	snop;
	(pc) =	sbr.rel @p0 .LBB2_2-.Ltmp0, $3  }
0x18: {  	_ =	sdelay $0x1  }
0x19: {  	s31 =	sshra.s32 s1, $0x2  }
0x1a: {  	s1 =	sadd.s32 $0x40, s1;
	[tilespmem:s31+$0x1400] =	vst v0  }
0x1b: {  	s1 =	simm.s32 $0x0;
	s31 =	simm.s32 $0x40  }
.LBB2_4:
0x1c: {  	p0 =	sne.s32 s31, $0x4DC0;
	v1 =	vld [tilespmem:s1+$0x0];
	_ =	sdelay $0x4  }
0x1d: {  	(xrf1) =	vunique.msk.u32 $0xffff, v1;
	_ =	sdelay $0xd  }
0x1e: {  	_, v2, vm1 =	vpop (xrf1);
	_ =	sdelay $0x1  }
.Ltmp1:
0x1f: {  	(pc) =	sbr.rel @p0 .LBB2_4-.Ltmp1, $3  }
0x20: {  	_ = 	snop  }
0x21: {  	v2 =	vcvt.s32.f32 v2;
	_ =	sdelay $0x1  }
0x22: {  	s1 =	sshra.s32 s31, $0x2;
	s31 =	sadd.s32 $0x40, s31;
	[tilespmem:v1+s26+$0x0] =	vst.idx.add.f32.msk vm1, v2  }
0x23: {  	v1 =	vld [tilespmem:s1+$0x0];
	_ =	sdelay $0x4  }
0x24: {  	(xrf1) =	vunique.msk.u32 $0xffff, v1;
	_ =	sdelay $0xd  }
0x25: {  	_, v2, vm1 =	vpop (xrf1);
	_ =	sdelay $0x3  }
0x26: {  	v2 =	vcvt.s32.f32 v2;
	_ =	sdelay $0x1  }
0x27: {  	[tilespmem:v1+s26+$0x0] =	vst.idx.add.f32.msk vm1, v2  }
0x28: {  	v1 =	vld [tilespmem:$0x1378];
	_ =	sdelay $0x4  }
0x29: {  	(xrf1) =	vunique.msk.u32 vm0, v1;
	_ =	sdelay $0xd  }
0x2a: {  	_, v2, vm1 =	vpop (xrf1)  }
0x2b: {  	vm1 =	vmand vm1, vm0;
	_ =	sdelay $0x3  }
0x2c: {  	v2 =	vcvt.s32.f32 v2;
	_ =	sdelay $0x1  }
0x2d: {  	[tilespmem:v1+s26+$0x0] =	vst.idx.add.f32.msk vm1, v2  }
0x2e: {  	[spmem:s4] =	stream.linear.scatter [tilespmem:s26], [sflag:$0x1], $0x2800, $0x38;
	[tilespmem:$0x6900] =	vst v63  }
0x2f: {  	_ =	swait.ge [sflag:s25], $0x2800  }
0x30: {  	[sflag:s25] =	ssyncset.done $0x0  }
0x31: {  	[sflag:s25] =	ssyncadd.s32 $0xFFFFD800  }
0x32: {  	[bflag:$0x0] =	sbarrier.arrive $0xFFFF  }
0x33: {  	[tilespmem:$0x3C00] =	vst v0  }
0x34: {  	[tilespmem:$0x3C10] =	vst v0  }
0x35: {  	[tilespmem:$0x3C20] =	vst v0  }
0x36: {  	[tilespmem:$0x3C30] =	vst v0  }
0x37: {  	[tilespmem:$0x3C40] =	vst v0  }
0x38: {  	[tilespmem:$0x3C50] =	vst v0  }
0x39: {  	[tilespmem:$0x3C60] =	vst v0  }
0x3a: {  	[tilespmem:$0x3C70] =	vst v0  }
0x3b: {  	[tilespmem:$0x3C80] =	vst v0  }
0x3c: {  	[tilespmem:$0x3C90] =	vst v0  }
0x3d: {  	[tilespmem:$0x3CA0] =	vst v0  }
0x3e: {  	[tilespmem:$0x3CB0] =	vst v0  }
0x3f: {  	[tilespmem:$0x3CC0] =	vst v0  }
0x40: {  	[tilespmem:$0x3CD0] =	vst v0  }
0x41: {  	[tilespmem:$0x3CE0] =	vst v0  }
0x42: {  	[tilespmem:$0x3CF0] =	vst v0  }
0x43: {  	[tilespmem:$0x3D00] =	vst v0  }
0x44: {  	[tilespmem:$0x3D10] =	vst v0  }
0x45: {  	[tilespmem:$0x3D20] =	vst v0  }
0x46: {  	[tilespmem:$0x3D30] =	vst v0  }
0x47: {  	[tilespmem:$0x3D40] =	vst v0  }
0x48: {  	[tilespmem:$0x3D50] =	vst v0  }
0x49: {  	[tilespmem:$0x3D60] =	vst v0  }
0x4a: {  	[tilespmem:$0x3D70] =	vst v0  }
0x4b: {  	[tilespmem:$0x3D80] =	vst v0  }
0x4c: {  	[tilespmem:$0x3D90] =	vst v0  }
0x4d: {  	[tilespmem:$0x3DA0] =	vst v0  }
0x4e: {  	[tilespmem:$0x3DB0] =	vst v0  }
0x4f: {  	[tilespmem:$0x3DC0] =	vst v0  }
0x50: {  	[tilespmem:$0x3DD0] =	vst v0  }
0x51: {  	[tilespmem:$0x3DE0] =	vst v0  }
0x52: {  	[tilespmem:$0x3DF0] =	vst v0  }
0x53: {  	[tilespmem:$0x3E00] =	vst v0  }
0x54: {  	[tilespmem:$0x3E10] =	vst v0  }
0x55: {  	[tilespmem:$0x3E20] =	vst v0  }
0x56: {  	[tilespmem:$0x3E30] =	vst v0  }
0x57: {  	[tilespmem:$0x3E40] =	vst v0  }
0x58: {  	[tilespmem:$0x3E50] =	vst v0  }
0x59: {  	[tilespmem:$0x3E60] =	vst v0  }
0x5a: {  	[tilespmem:$0x3E70] =	vst v0  }
0x5b: {  	[tilespmem:s28], [sflag:$0x1] =	stream.linear.gather [spmem:s5], $0x280, $0x38;
	[tilespmem:$0x6900] =	vst v63  }
0x5c: {  	_ =	swait.ge [sflag:s25], $0x280  }
0x5d: {  	[sflag:s25] =	ssyncset.done $0x0  }
0x5e: {  	s31 =	simm.s32 $0x0;
	[sflag:s25] =	ssyncadd.s32 $0xFFFFFD80  }
0x5f: {  	s1 =	simm.s32 $0x40;
	v1 =	vld [tilespmem:s31+$0x3E80]  }
.LBB2_6:
0x60: {  	p0 =	sne.s32 s1, $0x9C0;
	v2 =	vld [tilespmem:s31+$0x3C00];
	_ =	sdelay $0x2  }
.Ltmp2:
0x61: {  	(pc) =	sbr.rel @p0 .LBB2_6-.Ltmp2, $4  }
0x62: {  	_ = 	snop  }
0x63: {  	v2 =	vadd.f32 v1, v2  }
0x64: {  	s0 =	sshra.s32 s1, $0x2  }
0x65: {  	s1 =	sadd.s32 $0x40, s1;
	v1 =	vld [tilespmem:s0+$0x3E80];
	[tilespmem:s31+$0x3C00] =	vst v2;
	s31 =	smov.u32 s0  }
0x66: {  	v2 =	vld [tilespmem:s31+$0x3C00];
	_ =	sdelay $0x4  }
0x67: {  	v1 =	vadd.f32 v1, v2;
	_ =	sdelay $0x1  }
0x68: {  	[tilespmem:s31+$0x3C00] =	vst v1  }
0x69: {  	[tilespmem:s28], [sflag:$0x1] =	stream.linear.gather [spmem:s6], $0x280, $0x38;
	[tilespmem:$0x6900] =	vst v63  }
0x6a: {  	_ =	swait.ge [sflag:s25], $0x280  }
0x6b: {  	[sflag:s25] =	ssyncset.done $0x0  }
0x6c: {  	s31 =	simm.s32 $0x0;
	[sflag:s25] =	ssyncadd.s32 $0xFFFFFD80  }
0x6d: {  	s1 =	simm.s32 $0x40;
	v1 =	vld [tilespmem:s31+$0x3E80]  }
.LBB2_8:
0x6e: {  	p0 =	sne.s32 s1, $0x9C0;
	v2 =	vld [tilespmem:s31+$0x3C00];
	_ =	sdelay $0x2  }
.Ltmp3:
0x6f: {  	(pc) =	sbr.rel @p0 .LBB2_8-.Ltmp3, $4  }
0x70: {  	_ = 	snop  }
0x71: {  	v2 =	vadd.f32 v1, v2  }
0x72: {  	s0 =	sshra.s32 s1, $0x2  }
0x73: {  	s1 =	sadd.s32 $0x40, s1;
	v1 =	vld [tilespmem:s0+$0x3E80];
	[tilespmem:s31+$0x3C00] =	vst v2;
	s31 =	smov.u32 s0  }
0x74: {  	v2 =	vld [tilespmem:s31+$0x3C00];
	_ =	sdelay $0x4  }
0x75: {  	v1 =	vadd.f32 v1, v2;
	_ =	sdelay $0x1  }
0x76: {  	[tilespmem:s31+$0x3C00] =	vst v1  }
0x77: {  	[tilespmem:s28], [sflag:$0x1] =	stream.linear.gather [spmem:s7], $0x280, $0x38;
	[tilespmem:$0x6900] =	vst v63  }
0x78: {  	_ =	swait.ge [sflag:s25], $0x280  }
0x79: {  	[sflag:s25] =	ssyncset.done $0x0  }
0x7a: {  	s31 =	simm.s32 $0x0;
	[sflag:s25] =	ssyncadd.s32 $0xFFFFFD80  }
0x7b: {  	s1 =	simm.s32 $0x40;
	v1 =	vld [tilespmem:s31+$0x3E80]  }
.LBB2_10:
0x7c: {  	p0 =	sne.s32 s1, $0x9C0;
	v2 =	vld [tilespmem:s31+$0x3C00];
	_ =	sdelay $0x2  }
.Ltmp4:
0x7d: {  	(pc) =	sbr.rel @p0 .LBB2_10-.Ltmp4, $4  }
0x7e: {  	_ = 	snop  }
0x7f: {  	v2 =	vadd.f32 v1, v2  }
0x80: {  	s0 =	sshra.s32 s1, $0x2  }
0x81: {  	s1 =	sadd.s32 $0x40, s1;
	v1 =	vld [tilespmem:s0+$0x3E80];
	[tilespmem:s31+$0x3C00] =	vst v2;
	s31 =	smov.u32 s0  }
0x82: {  	v2 =	vld [tilespmem:s31+$0x3C00];
	_ =	sdelay $0x4  }
0x83: {  	v1 =	vadd.f32 v1, v2;
	_ =	sdelay $0x1  }
0x84: {  	[tilespmem:s31+$0x3C00] =	vst v1  }
0x85: {  	[tilespmem:s28], [sflag:$0x1] =	stream.linear.gather [spmem:s8], $0x280, $0x38;
	[tilespmem:$0x6900] =	vst v63  }
0x86: {  	_ =	swait.ge [sflag:s25], $0x280  }
0x87: {  	[sflag:s25] =	ssyncset.done $0x0  }
0x88: {  	s31 =	simm.s32 $0x0;
	[sflag:s25] =	ssyncadd.s32 $0xFFFFFD80  }
0x89: {  	s1 =	simm.s32 $0x40;
	v1 =	vld [tilespmem:s31+$0x3E80]  }
.LBB2_12:
0x8a: {  	p0 =	sne.s32 s1, $0x9C0;
	v2 =	vld [tilespmem:s31+$0x3C00];
	_ =	sdelay $0x2  }
.Ltmp5:
0x8b: {  	(pc) =	sbr.rel @p0 .LBB2_12-.Ltmp5, $4  }
0x8c: {  	_ = 	snop  }
0x8d: {  	v2 =	vadd.f32 v1, v2  }
0x8e: {  	s0 =	sshra.s32 s1, $0x2  }
0x8f: {  	s1 =	sadd.s32 $0x40, s1;
	v1 =	vld [tilespmem:s0+$0x3E80];
	[tilespmem:s31+$0x3C00] =	vst v2;
	s31 =	smov.u32 s0  }
0x90: {  	v2 =	vld [tilespmem:s31+$0x3C00];
	_ =	sdelay $0x4  }
0x91: {  	v1 =	vadd.f32 v1, v2;
	_ =	sdelay $0x1  }
0x92: {  	[tilespmem:s31+$0x3C00] =	vst v1  }
0x93: {  	[tilespmem:s28], [sflag:$0x1] =	stream.linear.gather [spmem:s9], $0x280, $0x38;
	[tilespmem:$0x6900] =	vst v63  }
0x94: {  	_ =	swait.ge [sflag:s25], $0x280  }
0x95: {  	[sflag:s25] =	ssyncset.done $0x0  }
0x96: {  	s31 =	simm.s32 $0x0;
	[sflag:s25] =	ssyncadd.s32 $0xFFFFFD80  }
0x97: {  	s1 =	simm.s32 $0x40;
	v1 =	vld [tilespmem:s31+$0x3E80]  }
.LBB2_14:
0x98: {  	p0 =	sne.s32 s1, $0x9C0;
	v2 =	vld [tilespmem:s31+$0x3C00];
	_ =	sdelay $0x2  }
.Ltmp6:
0x99: {  	(pc) =	sbr.rel @p0 .LBB2_14-.Ltmp6, $4  }
0x9a: {  	_ = 	snop  }
0x9b: {  	v2 =	vadd.f32 v1, v2  }
0x9c: {  	s0 =	sshra.s32 s1, $0x2  }
0x9d: {  	s1 =	sadd.s32 $0x40, s1;
	v1 =	vld [tilespmem:s0+$0x3E80];
	[tilespmem:s31+$0x3C00] =	vst v2;
	s31 =	smov.u32 s0  }
0x9e: {  	v2 =	vld [tilespmem:s31+$0x3C00];
	_ =	sdelay $0x4  }
0x9f: {  	v1 =	vadd.f32 v1, v2;
	_ =	sdelay $0x1  }
0xa0: {  	[tilespmem:s31+$0x3C00] =	vst v1  }
0xa1: {  	[tilespmem:s28], [sflag:$0x1] =	stream.linear.gather [spmem:s10], $0x280, $0x38;
	[tilespmem:$0x6900] =	vst v63  }
0xa2: {  	_ =	swait.ge [sflag:s25], $0x280  }
0xa3: {  	[sflag:s25] =	ssyncset.done $0x0  }
0xa4: {  	s31 =	simm.s32 $0x0;
	[sflag:s25] =	ssyncadd.s32 $0xFFFFFD80  }
0xa5: {  	s1 =	simm.s32 $0x40;
	v1 =	vld [tilespmem:s31+$0x3E80]  }
.LBB2_16:
0xa6: {  	p0 =	sne.s32 s1, $0x9C0;
	v2 =	vld [tilespmem:s31+$0x3C00];
	_ =	sdelay $0x2  }
.Ltmp7:
0xa7: {  	(pc) =	sbr.rel @p0 .LBB2_16-.Ltmp7, $4  }
0xa8: {  	_ = 	snop  }
0xa9: {  	v2 =	vadd.f32 v1, v2  }
0xaa: {  	s0 =	sshra.s32 s1, $0x2  }
0xab: {  	s1 =	sadd.s32 $0x40, s1;
	v1 =	vld [tilespmem:s0+$0x3E80];
	[tilespmem:s31+$0x3C00] =	vst v2;
	s31 =	smov.u32 s0  }
0xac: {  	v2 =	vld [tilespmem:s31+$0x3C00];
	_ =	sdelay $0x4  }
0xad: {  	v1 =	vadd.f32 v1, v2;
	_ =	sdelay $0x1  }
0xae: {  	[tilespmem:s31+$0x3C00] =	vst v1  }
0xaf: {  	[tilespmem:s28], [sflag:$0x1] =	stream.linear.gather [spmem:s11], $0x280, $0x38;
	[tilespmem:$0x6900] =	vst v63  }
0xb0: {  	_ =	swait.ge [sflag:s25], $0x280  }
0xb1: {  	[sflag:s25] =	ssyncset.done $0x0  }
0xb2: {  	s31 =	simm.s32 $0x0;
	[sflag:s25] =	ssyncadd.s32 $0xFFFFFD80  }
0xb3: {  	s1 =	simm.s32 $0x40;
	v1 =	vld [tilespmem:s31+$0x3E80]  }
.LBB2_18:
0xb4: {  	p0 =	sne.s32 s1, $0x9C0;
	v2 =	vld [tilespmem:s31+$0x3C00];
	_ =	sdelay $0x2  }
.Ltmp8:
0xb5: {  	(pc) =	sbr.rel @p0 .LBB2_18-.Ltmp8, $4  }
0xb6: {  	_ = 	snop  }
0xb7: {  	v2 =	vadd.f32 v1, v2  }
0xb8: {  	s0 =	sshra.s32 s1, $0x2  }
0xb9: {  	s1 =	sadd.s32 $0x40, s1;
	v1 =	vld [tilespmem:s0+$0x3E80];
	[tilespmem:s31+$0x3C00] =	vst v2;
	s31 =	smov.u32 s0  }
0xba: {  	v2 =	vld [tilespmem:s31+$0x3C00];
	_ =	sdelay $0x4  }
0xbb: {  	v1 =	vadd.f32 v1, v2;
	_ =	sdelay $0x1  }
0xbc: {  	[tilespmem:s31+$0x3C00] =	vst v1  }
0xbd: {  	[tilespmem:s28], [sflag:$0x1] =	stream.linear.gather [spmem:s12], $0x280, $0x38;
	[tilespmem:$0x6900] =	vst v63  }
0xbe: {  	_ =	swait.ge [sflag:s25], $0x280  }
0xbf: {  	[sflag:s25] =	ssyncset.done $0x0  }
0xc0: {  	s31 =	simm.s32 $0x0;
	[sflag:s25] =	ssyncadd.s32 $0xFFFFFD80  }
0xc1: {  	s1 =	simm.s32 $0x40;
	v1 =	vld [tilespmem:s31+$0x3E80]  }
.LBB2_20:
0xc2: {  	p0 =	sne.s32 s1, $0x9C0;
	v2 =	vld [tilespmem:s31+$0x3C00];
	_ =	sdelay $0x2  }
.Ltmp9:
0xc3: {  	(pc) =	sbr.rel @p0 .LBB2_20-.Ltmp9, $4  }
0xc4: {  	_ = 	snop  }
0xc5: {  	v2 =	vadd.f32 v1, v2  }
0xc6: {  	s0 =	sshra.s32 s1, $0x2  }
0xc7: {  	s1 =	sadd.s32 $0x40, s1;
	v1 =	vld [tilespmem:s0+$0x3E80];
	[tilespmem:s31+$0x3C00] =	vst v2;
	s31 =	smov.u32 s0  }
0xc8: {  	v2 =	vld [tilespmem:s31+$0x3C00];
	_ =	sdelay $0x4  }
0xc9: {  	v1 =	vadd.f32 v1, v2;
	_ =	sdelay $0x1  }
0xca: {  	[tilespmem:s31+$0x3C00] =	vst v1  }
0xcb: {  	[tilespmem:s28], [sflag:$0x1] =	stream.linear.gather [spmem:s13], $0x280, $0x38;
	[tilespmem:$0x6900] =	vst v63  }
0xcc: {  	_ =	swait.ge [sflag:s25], $0x280  }
0xcd: {  	[sflag:s25] =	ssyncset.done $0x0  }
0xce: {  	s31 =	simm.s32 $0x0;
	[sflag:s25] =	ssyncadd.s32 $0xFFFFFD80  }
0xcf: {  	s1 =	simm.s32 $0x40;
	v1 =	vld [tilespmem:s31+$0x3E80]  }
.LBB2_22:
0xd0: {  	p0 =	sne.s32 s1, $0x9C0;
	v2 =	vld [tilespmem:s31+$0x3C00];
	_ =	sdelay $0x2  }
.Ltmp10:
0xd1: {  	(pc) =	sbr.rel @p0 .LBB2_22-.Ltmp10, $4  }
0xd2: {  	_ = 	snop  }
0xd3: {  	v2 =	vadd.f32 v1, v2  }
0xd4: {  	s0 =	sshra.s32 s1, $0x2  }
0xd5: {  	s1 =	sadd.s32 $0x40, s1;
	v1 =	vld [tilespmem:s0+$0x3E80];
	[tilespmem:s31+$0x3C00] =	vst v2;
	s31 =	smov.u32 s0  }
0xd6: {  	v2 =	vld [tilespmem:s31+$0x3C00];
	_ =	sdelay $0x4  }
0xd7: {  	v1 =	vadd.f32 v1, v2;
	_ =	sdelay $0x1  }
0xd8: {  	[tilespmem:s31+$0x3C00] =	vst v1  }
0xd9: {  	[tilespmem:s28], [sflag:$0x1] =	stream.linear.gather [spmem:s14], $0x280, $0x38;
	[tilespmem:$0x6900] =	vst v63  }
0xda: {  	_ =	swait.ge [sflag:s25], $0x280  }
0xdb: {  	[sflag:s25] =	ssyncset.done $0x0  }
0xdc: {  	s31 =	simm.s32 $0x0;
	[sflag:s25] =	ssyncadd.s32 $0xFFFFFD80  }
0xdd: {  	s1 =	simm.s32 $0x40;
	v1 =	vld [tilespmem:s31+$0x3E80]  }
.LBB2_24:
0xde: {  	p0 =	sne.s32 s1, $0x9C0;
	v2 =	vld [tilespmem:s31+$0x3C00];
	_ =	sdelay $0x2  }
.Ltmp11:
0xdf: {  	(pc) =	sbr.rel @p0 .LBB2_24-.Ltmp11, $4  }
0xe0: {  	_ = 	snop  }
0xe1: {  	v2 =	vadd.f32 v1, v2  }
0xe2: {  	s0 =	sshra.s32 s1, $0x2  }
0xe3: {  	s1 =	sadd.s32 $0x40, s1;
	v1 =	vld [tilespmem:s0+$0x3E80];
	[tilespmem:s31+$0x3C00] =	vst v2;
	s31 =	smov.u32 s0  }
0xe4: {  	v2 =	vld [tilespmem:s31+$0x3C00];
	_ =	sdelay $0x4  }
0xe5: {  	v1 =	vadd.f32 v1, v2;
	_ =	sdelay $0x1  }
0xe6: {  	[tilespmem:s31+$0x3C00] =	vst v1  }
0xe7: {  	[tilespmem:s28], [sflag:$0x1] =	stream.linear.gather [spmem:s15], $0x280, $0x38;
	[tilespmem:$0x6900] =	vst v63  }
0xe8: {  	_ =	swait.ge [sflag:s25], $0x280  }
0xe9: {  	[sflag:s25] =	ssyncset.done $0x0  }
0xea: {  	s31 =	simm.s32 $0x0;
	[sflag:s25] =	ssyncadd.s32 $0xFFFFFD80  }
0xeb: {  	s1 =	simm.s32 $0x40;
	v1 =	vld [tilespmem:s31+$0x3E80]  }
.LBB2_26:
0xec: {  	p0 =	sne.s32 s1, $0x9C0;
	v2 =	vld [tilespmem:s31+$0x3C00];
	_ =	sdelay $0x2  }
.Ltmp12:
0xed: {  	(pc) =	sbr.rel @p0 .LBB2_26-.Ltmp12, $4  }
0xee: {  	_ = 	snop  }
0xef: {  	v2 =	vadd.f32 v1, v2  }
0xf0: {  	s0 =	sshra.s32 s1, $0x2  }
0xf1: {  	s1 =	sadd.s32 $0x40, s1;
	v1 =	vld [tilespmem:s0+$0x3E80];
	[tilespmem:s31+$0x3C00] =	vst v2;
	s31 =	smov.u32 s0  }
0xf2: {  	v2 =	vld [tilespmem:s31+$0x3C00];
	_ =	sdelay $0x4  }
0xf3: {  	v1 =	vadd.f32 v1, v2;
	_ =	sdelay $0x1  }
0xf4: {  	[tilespmem:s31+$0x3C00] =	vst v1  }
0xf5: {  	[tilespmem:s28], [sflag:$0x1] =	stream.linear.gather [spmem:s16], $0x280, $0x38;
	[tilespmem:$0x6900] =	vst v63  }
0xf6: {  	_ =	swait.ge [sflag:s25], $0x280  }
0xf7: {  	[sflag:s25] =	ssyncset.done $0x0  }
0xf8: {  	s31 =	simm.s32 $0x0;
	[sflag:s25] =	ssyncadd.s32 $0xFFFFFD80  }
0xf9: {  	s1 =	simm.s32 $0x40;
	v1 =	vld [tilespmem:s31+$0x3E80]  }
.LBB2_28:
0xfa: {  	p0 =	sne.s32 s1, $0x9C0;
	v2 =	vld [tilespmem:s31+$0x3C00];
	_ =	sdelay $0x2  }
.Ltmp13:
0xfb: {  	(pc) =	sbr.rel @p0 .LBB2_28-.Ltmp13, $4  }
0xfc: {  	_ = 	snop  }
0xfd: {  	v2 =	vadd.f32 v1, v2  }
0xfe: {  	s0 =	sshra.s32 s1, $0x2  }
0xff: {  	s1 =	sadd.s32 $0x40, s1;
	v1 =	vld [tilespmem:s0+$0x3E80];
	[tilespmem:s31+$0x3C00] =	vst v2;
	s31 =	smov.u32 s0  }
0x100: {  	v2 =	vld [tilespmem:s31+$0x3C00];
	_ =	sdelay $0x4  }
0x101: {  	v1 =	vadd.f32 v1, v2;
	_ =	sdelay $0x1  }
0x102: {  	[tilespmem:s31+$0x3C00] =	vst v1  }
0x103: {  	[tilespmem:s28], [sflag:$0x1] =	stream.linear.gather [spmem:s17], $0x280, $0x38;
	[tilespmem:$0x6900] =	vst v63  }
0x104: {  	_ =	swait.ge [sflag:s25], $0x280  }
0x105: {  	[sflag:s25] =	ssyncset.done $0x0  }
0x106: {  	s31 =	simm.s32 $0x0;
	[sflag:s25] =	ssyncadd.s32 $0xFFFFFD80  }
0x107: {  	s1 =	simm.s32 $0x40;
	v1 =	vld [tilespmem:s31+$0x3E80]  }
.LBB2_30:
0x108: {  	p0 =	sne.s32 s1, $0x9C0;
	v2 =	vld [tilespmem:s31+$0x3C00];
	_ =	sdelay $0x2  }
.Ltmp14:
0x109: {  	(pc) =	sbr.rel @p0 .LBB2_30-.Ltmp14, $4  }
0x10a: {  	_ = 	snop  }
0x10b: {  	v2 =	vadd.f32 v1, v2  }
0x10c: {  	s0 =	sshra.s32 s1, $0x2  }
0x10d: {  	s1 =	sadd.s32 $0x40, s1;
	v1 =	vld [tilespmem:s0+$0x3E80];
	[tilespmem:s31+$0x3C00] =	vst v2;
	s31 =	smov.u32 s0  }
0x10e: {  	v2 =	vld [tilespmem:s31+$0x3C00];
	_ =	sdelay $0x4  }
0x10f: {  	v1 =	vadd.f32 v1, v2;
	_ =	sdelay $0x1  }
0x110: {  	[tilespmem:s31+$0x3C00] =	vst v1  }
0x111: {  	[tilespmem:s28], [sflag:$0x1] =	stream.linear.gather [spmem:s18], $0x280, $0x38;
	[tilespmem:$0x6900] =	vst v63  }
0x112: {  	_ =	swait.ge [sflag:s25], $0x280  }
0x113: {  	[sflag:s25] =	ssyncset.done $0x0  }
0x114: {  	s31 =	simm.s32 $0x0;
	[sflag:s25] =	ssyncadd.s32 $0xFFFFFD80  }
0x115: {  	s1 =	simm.s32 $0x40;
	v1 =	vld [tilespmem:s31+$0x3E80]  }
.LBB2_32:
0x116: {  	p0 =	sne.s32 s1, $0x9C0;
	v2 =	vld [tilespmem:s31+$0x3C00];
	_ =	sdelay $0x2  }
.Ltmp15:
0x117: {  	(pc) =	sbr.rel @p0 .LBB2_32-.Ltmp15, $4  }
0x118: {  	_ = 	snop  }
0x119: {  	v2 =	vadd.f32 v1, v2  }
0x11a: {  	s0 =	sshra.s32 s1, $0x2  }
0x11b: {  	s1 =	sadd.s32 $0x40, s1;
	v1 =	vld [tilespmem:s0+$0x3E80];
	[tilespmem:s31+$0x3C00] =	vst v2;
	s31 =	smov.u32 s0  }
0x11c: {  	v2 =	vld [tilespmem:s31+$0x3C00];
	_ =	sdelay $0x4  }
0x11d: {  	v1 =	vadd.f32 v1, v2;
	_ =	sdelay $0x1  }
0x11e: {  	[tilespmem:s31+$0x3C00] =	vst v1  }
0x11f: {  	[tilespmem:s28], [sflag:$0x1] =	stream.linear.gather [spmem:s19], $0x280, $0x38;
	[tilespmem:$0x6900] =	vst v63  }
0x120: {  	_ =	swait.ge [sflag:s25], $0x280  }
0x121: {  	[sflag:s25] =	ssyncset.done $0x0  }
0x122: {  	s31 =	simm.s32 $0x0;
	[sflag:s25] =	ssyncadd.s32 $0xFFFFFD80  }
0x123: {  	s1 =	simm.s32 $0x40;
	v1 =	vld [tilespmem:s31+$0x3E80]  }
.LBB2_34:
0x124: {  	p0 =	sne.s32 s1, $0x9C0;
	v2 =	vld [tilespmem:s31+$0x3C00];
	_ =	sdelay $0x2  }
.Ltmp16:
0x125: {  	(pc) =	sbr.rel @p0 .LBB2_34-.Ltmp16, $4  }
0x126: {  	_ = 	snop  }
0x127: {  	v2 =	vadd.f32 v1, v2  }
0x128: {  	s0 =	sshra.s32 s1, $0x2  }
0x129: {  	s1 =	sadd.s32 $0x40, s1;
	v1 =	vld [tilespmem:s0+$0x3E80];
	[tilespmem:s31+$0x3C00] =	vst v2;
	s31 =	smov.u32 s0  }
0x12a: {  	v2 =	vld [tilespmem:s31+$0x3C00];
	_ =	sdelay $0x4  }
0x12b: {  	v1 =	vadd.f32 v1, v2;
	_ =	sdelay $0x1  }
0x12c: {  	[tilespmem:s31+$0x3C00] =	vst v1  }
0x12d: {  	[tilespmem:s28], [sflag:$0x1] =	stream.linear.gather [spmem:s21], $0x280, $0x38;
	[tilespmem:$0x6900] =	vst v63  }
0x12e: {  	_ =	swait.ge [sflag:s25], $0x280  }
0x12f: {  	[sflag:s25] =	ssyncset.done $0x0  }
0x130: {  	s31 =	simm.s32 $0x0;
	[sflag:s25] =	ssyncadd.s32 $0xFFFFFD80  }
0x131: {  	s1 =	simm.s32 $0x40;
	v1 =	vld [tilespmem:s31+$0x3E80]  }
.LBB2_36:
0x132: {  	p0 =	sne.s32 s1, $0x9C0;
	v2 =	vld [tilespmem:s31+$0x3C00];
	_ =	sdelay $0x2  }
.Ltmp17:
0x133: {  	(pc) =	sbr.rel @p0 .LBB2_36-.Ltmp17, $4  }
0x134: {  	_ = 	snop  }
0x135: {  	v2 =	vadd.f32 v1, v2  }
0x136: {  	s0 =	sshra.s32 s1, $0x2  }
0x137: {  	s1 =	sadd.s32 $0x40, s1;
	v1 =	vld [tilespmem:s0+$0x3E80];
	[tilespmem:s31+$0x3C00] =	vst v2;
	s31 =	smov.u32 s0  }
0x138: {  	v2 =	vld [tilespmem:s31+$0x3C00];
	_ =	sdelay $0x4  }
0x139: {  	v1 =	vadd.f32 v1, v2;
	_ =	sdelay $0x1  }
0x13a: {  	s0 =	simm.s32 $0x0;
	[tilespmem:s31+$0x3C00] =	vst v1  }
0x13b: {  	[hbm4b:s20+s0] =	stream.linear.scatter [tilespmem:s29], [sflag:$0x1], $0x280, $0x38;
	[tilespmem:$0x6900] =	vst v63  }
0x13c: {  	_ =	swait.ge [sflag:s25], $0x280  }
0x13d: {  	[sflag:s25] =	ssyncset.done $0x0  }
0x13e: {  	[sflag:s25] =	ssyncadd.s32 $0xFFFFFD80  }
0x13f: {  	[bflag:$0x0] =	sbarrier.arrive $0xFFFF  }
0x140: {  	[tilespmem:s0], [sflag:$0x1] =	stream.linear.gather [hbm4b:s22+s0], $0x1388, $0x38;
	[tilespmem:$0x6900] =	vst v63  }
0x141: {  	_ =	swait.ge [sflag:s25], $0x1388  }
0x142: {  	[sflag:s25] =	ssyncset.done $0x0  }
0x143: {  	s1 =	simm.s32 $0x40;
	s31 =	simm.s32 $0x0;
	[sflag:s25] =	ssyncadd.s32 $0xFFFFEC78  }
.LBB2_38:
0x144: {  	p0 =	sne.s32 s1, $0x9FC0;
	[tilespmem:s31+$0x1400] =	vst v0;
	s0 =	smov.u32 s1;
	s1 =	sadd.s32 $0x40, s1  }
.Ltmp18:
0x145: {  	(pc) =	sbr.rel @p0 .LBB2_38-.Ltmp18, $2  }
0x146: {  	_ =	sdelay $0x2  }
0x147: {  	s31 =	sshra.s32 s0, $0x2  }
0x148: {  	[tilespmem:s31+$0x1400] =	vst v0;
	s1 =	simm.s32 $0x0;
	s31 =	simm.s32 $0x40  }
.LBB2_40:
0x149: {  	p0 =	sne.s32 s31, $0x4DC0;
	v1 =	vld [tilespmem:s1+$0x0];
	_ =	sdelay $0x4  }
0x14a: {  	(xrf1) =	vunique.msk.u32 $0xffff, v1;
	_ =	sdelay $0xd  }
0x14b: {  	_, v2, vm1 =	vpop (xrf1);
	_ =	sdelay $0x1  }
.Ltmp19:
0x14c: {  	(pc) =	sbr.rel @p0 .LBB2_40-.Ltmp19, $3  }
0x14d: {  	_ = 	snop  }
0x14e: {  	v2 =	vcvt.s32.f32 v2;
	_ =	sdelay $0x1  }
0x14f: {  	s1 =	sshra.s32 s31, $0x2;
	s31 =	sadd.s32 $0x40, s31;
	[tilespmem:v1+s26+$0x0] =	vst.idx.add.f32.msk vm1, v2  }
0x150: {  	v1 =	vld [tilespmem:s1+$0x0];
	_ =	sdelay $0x4  }
0x151: {  	(xrf1) =	vunique.msk.u32 $0xffff, v1;
	_ =	sdelay $0xd  }
0x152: {  	_, v2, vm1 =	vpop (xrf1);
	_ =	sdelay $0x3  }
0x153: {  	v2 =	vcvt.s32.f32 v2;
	_ =	sdelay $0x1  }
0x154: {  	[tilespmem:v1+s26+$0x0] =	vst.idx.add.f32.msk vm1, v2  }
0x155: {  	v1 =	vld [tilespmem:$0x1378];
	_ =	sdelay $0x4  }
0x156: {  	(xrf1) =	vunique.msk.u32 vm0, v1;
	_ =	sdelay $0xd  }
0x157: {  	_, v2, vm1 =	vpop (xrf1)  }
0x158: {  	vm1 =	vmand vm1, vm0;
	_ =	sdelay $0x3  }
0x159: {  	v2 =	vcvt.s32.f32 v2;
	_ =	sdelay $0x1  }
0x15a: {  	[tilespmem:v1+s26+$0x0] =	vst.idx.add.f32.msk vm1, v2  }
0x15b: {  	[spmem:s4] =	stream.linear.scatter [tilespmem:s26], [sflag:$0x1], $0x2800, $0x38;
	[tilespmem:$0x6900] =	vst v63  }
0x15c: {  	_ =	swait.ge [sflag:s25], $0x2800  }
0x15d: {  	[sflag:s25] =	ssyncset.done $0x0  }
0x15e: {  	[sflag:s25] =	ssyncadd.s32 $0xFFFFD800  }
0x15f: {  	[bflag:$0x0] =	sbarrier.arrive $0xFFFF  }
0x160: {  	[tilespmem:$0x3C00] =	vst v0  }
0x161: {  	[tilespmem:$0x3C10] =	vst v0  }
0x162: {  	[tilespmem:$0x3C20] =	vst v0  }
0x163: {  	[tilespmem:$0x3C30] =	vst v0  }
0x164: {  	[tilespmem:$0x3C40] =	vst v0  }
0x165: {  	[tilespmem:$0x3C50] =	vst v0  }
0x166: {  	[tilespmem:$0x3C60] =	vst v0  }
0x167: {  	[tilespmem:$0x3C70] =	vst v0  }
0x168: {  	[tilespmem:$0x3C80] =	vst v0  }
0x169: {  	[tilespmem:$0x3C90] =	vst v0  }
0x16a: {  	[tilespmem:$0x3CA0] =	vst v0  }
0x16b: {  	[tilespmem:$0x3CB0] =	vst v0  }
0x16c: {  	[tilespmem:$0x3CC0] =	vst v0  }
0x16d: {  	[tilespmem:$0x3CD0] =	vst v0  }
0x16e: {  	[tilespmem:$0x3CE0] =	vst v0  }
0x16f: {  	[tilespmem:$0x3CF0] =	vst v0  }
0x170: {  	[tilespmem:$0x3D00] =	vst v0  }
0x171: {  	[tilespmem:$0x3D10] =	vst v0  }
0x172: {  	[tilespmem:$0x3D20] =	vst v0  }
0x173: {  	[tilespmem:$0x3D30] =	vst v0  }
0x174: {  	[tilespmem:$0x3D40] =	vst v0  }
0x175: {  	[tilespmem:$0x3D50] =	vst v0  }
0x176: {  	[tilespmem:$0x3D60] =	vst v0  }
0x177: {  	[tilespmem:$0x3D70] =	vst v0  }
0x178: {  	[tilespmem:$0x3D80] =	vst v0  }
0x179: {  	[tilespmem:$0x3D90] =	vst v0  }
0x17a: {  	[tilespmem:$0x3DA0] =	vst v0  }
0x17b: {  	[tilespmem:$0x3DB0] =	vst v0  }
0x17c: {  	[tilespmem:$0x3DC0] =	vst v0  }
0x17d: {  	[tilespmem:$0x3DD0] =	vst v0  }
0x17e: {  	[tilespmem:$0x3DE0] =	vst v0  }
0x17f: {  	[tilespmem:$0x3DF0] =	vst v0  }
0x180: {  	[tilespmem:$0x3E00] =	vst v0  }
0x181: {  	[tilespmem:$0x3E10] =	vst v0  }
0x182: {  	[tilespmem:$0x3E20] =	vst v0  }
0x183: {  	[tilespmem:$0x3E30] =	vst v0  }
0x184: {  	[tilespmem:$0x3E40] =	vst v0  }
0x185: {  	[tilespmem:$0x3E50] =	vst v0  }
0x186: {  	[tilespmem:$0x3E60] =	vst v0  }
0x187: {  	[tilespmem:$0x3E70] =	vst v0  }
0x188: {  	[tilespmem:s28], [sflag:$0x1] =	stream.linear.gather [spmem:s5], $0x280, $0x38;
	[tilespmem:$0x6900] =	vst v63  }
0x189: {  	_ =	swait.ge [sflag:s25], $0x280  }
0x18a: {  	[sflag:s25] =	ssyncset.done $0x0  }
0x18b: {  	s31 =	simm.s32 $0x0;
	[sflag:s25] =	ssyncadd.s32 $0xFFFFFD80  }
0x18c: {  	s1 =	simm.s32 $0x40;
	v1 =	vld [tilespmem:s31+$0x3E80]  }
.LBB2_42:
0x18d: {  	p0 =	sne.s32 s1, $0x9C0;
	v2 =	vld [tilespmem:s31+$0x3C00];
	_ =	sdelay $0x2  }
.Ltmp20:
0x18e: {  	(pc) =	sbr.rel @p0 .LBB2_42-.Ltmp20, $4  }
0x18f: {  	_ = 	snop  }
0x190: {  	v2 =	vadd.f32 v1, v2  }
0x191: {  	s0 =	sshra.s32 s1, $0x2  }
0x192: {  	s1 =	sadd.s32 $0x40, s1;
	v1 =	vld [tilespmem:s0+$0x3E80];
	[tilespmem:s31+$0x3C00] =	vst v2;
	s31 =	smov.u32 s0  }
0x193: {  	v2 =	vld [tilespmem:s31+$0x3C00];
	_ =	sdelay $0x4  }
0x194: {  	v1 =	vadd.f32 v1, v2;
	_ =	sdelay $0x1  }
0x195: {  	[tilespmem:s31+$0x3C00] =	vst v1  }
0x196: {  	[tilespmem:s28], [sflag:$0x1] =	stream.linear.gather [spmem:s6], $0x280, $0x38;
	[tilespmem:$0x6900] =	vst v63  }
0x197: {  	_ =	swait.ge [sflag:s25], $0x280  }
0x198: {  	[sflag:s25] =	ssyncset.done $0x0  }
0x199: {  	s31 =	simm.s32 $0x0;
	[sflag:s25] =	ssyncadd.s32 $0xFFFFFD80  }
0x19a: {  	s1 =	simm.s32 $0x40;
	v1 =	vld [tilespmem:s31+$0x3E80]  }
.LBB2_44:
0x19b: {  	p0 =	sne.s32 s1, $0x9C0;
	v2 =	vld [tilespmem:s31+$0x3C00];
	_ =	sdelay $0x2  }
.Ltmp21:
0x19c: {  	(pc) =	sbr.rel @p0 .LBB2_44-.Ltmp21, $4  }
0x19d: {  	_ = 	snop  }
0x19e: {  	v2 =	vadd.f32 v1, v2  }
0x19f: {  	s0 =	sshra.s32 s1, $0x2  }
0x1a0: {  	s1 =	sadd.s32 $0x40, s1;
	v1 =	vld [tilespmem:s0+$0x3E80];
	[tilespmem:s31+$0x3C00] =	vst v2;
	s31 =	smov.u32 s0  }
0x1a1: {  	v2 =	vld [tilespmem:s31+$0x3C00];
	_ =	sdelay $0x4  }
0x1a2: {  	v1 =	vadd.f32 v1, v2;
	_ =	sdelay $0x1  }
0x1a3: {  	[tilespmem:s31+$0x3C00] =	vst v1  }
0x1a4: {  	[tilespmem:s28], [sflag:$0x1] =	stream.linear.gather [spmem:s7], $0x280, $0x38;
	[tilespmem:$0x6900] =	vst v63  }
0x1a5: {  	_ =	swait.ge [sflag:s25], $0x280  }
0x1a6: {  	[sflag:s25] =	ssyncset.done $0x0  }
0x1a7: {  	s31 =	simm.s32 $0x0;
	[sflag:s25] =	ssyncadd.s32 $0xFFFFFD80  }
0x1a8: {  	s1 =	simm.s32 $0x40;
	v1 =	vld [tilespmem:s31+$0x3E80]  }
.LBB2_46:
0x1a9: {  	p0 =	sne.s32 s1, $0x9C0;
	v2 =	vld [tilespmem:s31+$0x3C00];
	_ =	sdelay $0x2  }
.Ltmp22:
0x1aa: {  	(pc) =	sbr.rel @p0 .LBB2_46-.Ltmp22, $4  }
0x1ab: {  	_ = 	snop  }
0x1ac: {  	v2 =	vadd.f32 v1, v2  }
0x1ad: {  	s0 =	sshra.s32 s1, $0x2  }
0x1ae: {  	s1 =	sadd.s32 $0x40, s1;
	v1 =	vld [tilespmem:s0+$0x3E80];
	[tilespmem:s31+$0x3C00] =	vst v2;
	s31 =	smov.u32 s0  }
0x1af: {  	v2 =	vld [tilespmem:s31+$0x3C00];
	_ =	sdelay $0x4  }
0x1b0: {  	v1 =	vadd.f32 v1, v2;
	_ =	sdelay $0x1  }
0x1b1: {  	[tilespmem:s31+$0x3C00] =	vst v1  }
0x1b2: {  	[tilespmem:s28], [sflag:$0x1] =	stream.linear.gather [spmem:s8], $0x280, $0x38;
	[tilespmem:$0x6900] =	vst v63  }
0x1b3: {  	_ =	swait.ge [sflag:s25], $0x280  }
0x1b4: {  	[sflag:s25] =	ssyncset.done $0x0  }
0x1b5: {  	s31 =	simm.s32 $0x0;
	[sflag:s25] =	ssyncadd.s32 $0xFFFFFD80  }
0x1b6: {  	s1 =	simm.s32 $0x40;
	v1 =	vld [tilespmem:s31+$0x3E80]  }
.LBB2_48:
0x1b7: {  	p0 =	sne.s32 s1, $0x9C0;
	v2 =	vld [tilespmem:s31+$0x3C00];
	_ =	sdelay $0x2  }
.Ltmp23:
0x1b8: {  	(pc) =	sbr.rel @p0 .LBB2_48-.Ltmp23, $4  }
0x1b9: {  	_ = 	snop  }
0x1ba: {  	v2 =	vadd.f32 v1, v2  }
0x1bb: {  	s0 =	sshra.s32 s1, $0x2  }
0x1bc: {  	s1 =	sadd.s32 $0x40, s1;
	v1 =	vld [tilespmem:s0+$0x3E80];
	[tilespmem:s31+$0x3C00] =	vst v2;
	s31 =	smov.u32 s0  }
0x1bd: {  	v2 =	vld [tilespmem:s31+$0x3C00];
	_ =	sdelay $0x4  }
0x1be: {  	v1 =	vadd.f32 v1, v2;
	_ =	sdelay $0x1  }
0x1bf: {  	[tilespmem:s31+$0x3C00] =	vst v1  }
0x1c0: {  	[tilespmem:s28], [sflag:$0x1] =	stream.linear.gather [spmem:s9], $0x280, $0x38;
	[tilespmem:$0x6900] =	vst v63  }
0x1c1: {  	_ =	swait.ge [sflag:s25], $0x280  }
0x1c2: {  	[sflag:s25] =	ssyncset.done $0x0  }
0x1c3: {  	s31 =	simm.s32 $0x0;
	[sflag:s25] =	ssyncadd.s32 $0xFFFFFD80  }
0x1c4: {  	s1 =	simm.s32 $0x40;
	v1 =	vld [tilespmem:s31+$0x3E80]  }
.LBB2_50:
0x1c5: {  	p0 =	sne.s32 s1, $0x9C0;
	v2 =	vld [tilespmem:s31+$0x3C00];
	_ =	sdelay $0x2  }
.Ltmp24:
0x1c6: {  	(pc) =	sbr.rel @p0 .LBB2_50-.Ltmp24, $4  }
0x1c7: {  	_ = 	snop  }
0x1c8: {  	v2 =	vadd.f32 v1, v2  }
0x1c9: {  	s0 =	sshra.s32 s1, $0x2  }
0x1ca: {  	s1 =	sadd.s32 $0x40, s1;
	v1 =	vld [tilespmem:s0+$0x3E80];
	[tilespmem:s31+$0x3C00] =	vst v2;
	s31 =	smov.u32 s0  }
0x1cb: {  	v2 =	vld [tilespmem:s31+$0x3C00];
	_ =	sdelay $0x4  }
0x1cc: {  	v1 =	vadd.f32 v1, v2;
	_ =	sdelay $0x1  }
0x1cd: {  	[tilespmem:s31+$0x3C00] =	vst v1  }
0x1ce: {  	[tilespmem:s28], [sflag:$0x1] =	stream.linear.gather [spmem:s10], $0x280, $0x38;
	[tilespmem:$0x6900] =	vst v63  }
0x1cf: {  	_ =	swait.ge [sflag:s25], $0x280  }
0x1d0: {  	[sflag:s25] =	ssyncset.done $0x0  }
0x1d1: {  	s31 =	simm.s32 $0x0;
	[sflag:s25] =	ssyncadd.s32 $0xFFFFFD80  }
0x1d2: {  	s1 =	simm.s32 $0x40;
	v1 =	vld [tilespmem:s31+$0x3E80]  }
.LBB2_52:
0x1d3: {  	p0 =	sne.s32 s1, $0x9C0;
	v2 =	vld [tilespmem:s31+$0x3C00];
	_ =	sdelay $0x2  }
.Ltmp25:
0x1d4: {  	(pc) =	sbr.rel @p0 .LBB2_52-.Ltmp25, $4  }
0x1d5: {  	_ = 	snop  }
0x1d6: {  	v2 =	vadd.f32 v1, v2  }
0x1d7: {  	s0 =	sshra.s32 s1, $0x2  }
0x1d8: {  	s1 =	sadd.s32 $0x40, s1;
	v1 =	vld [tilespmem:s0+$0x3E80];
	[tilespmem:s31+$0x3C00] =	vst v2;
	s31 =	smov.u32 s0  }
0x1d9: {  	v2 =	vld [tilespmem:s31+$0x3C00];
	_ =	sdelay $0x4  }
0x1da: {  	v1 =	vadd.f32 v1, v2;
	_ =	sdelay $0x1  }
0x1db: {  	[tilespmem:s31+$0x3C00] =	vst v1  }
0x1dc: {  	[tilespmem:s28], [sflag:$0x1] =	stream.linear.gather [spmem:s11], $0x280, $0x38;
	[tilespmem:$0x6900] =	vst v63  }
0x1dd: {  	_ =	swait.ge [sflag:s25], $0x280  }
0x1de: {  	[sflag:s25] =	ssyncset.done $0x0  }
0x1df: {  	s31 =	simm.s32 $0x0;
	[sflag:s25] =	ssyncadd.s32 $0xFFFFFD80  }
0x1e0: {  	s1 =	simm.s32 $0x40;
	v1 =	vld [tilespmem:s31+$0x3E80]  }
.LBB2_54:
0x1e1: {  	p0 =	sne.s32 s1, $0x9C0;
	v2 =	vld [tilespmem:s31+$0x3C00];
	_ =	sdelay $0x2  }
.Ltmp26:
0x1e2: {  	(pc) =	sbr.rel @p0 .LBB2_54-.Ltmp26, $4  }
0x1e3: {  	_ = 	snop  }
0x1e4: {  	v2 =	vadd.f32 v1, v2  }
0x1e5: {  	s0 =	sshra.s32 s1, $0x2  }
0x1e6: {  	s1 =	sadd.s32 $0x40, s1;
	v1 =	vld [tilespmem:s0+$0x3E80];
	[tilespmem:s31+$0x3C00] =	vst v2;
	s31 =	smov.u32 s0  }
0x1e7: {  	v2 =	vld [tilespmem:s31+$0x3C00];
	_ =	sdelay $0x4  }
0x1e8: {  	v1 =	vadd.f32 v1, v2;
	_ =	sdelay $0x1  }
0x1e9: {  	[tilespmem:s31+$0x3C00] =	vst v1  }
0x1ea: {  	[tilespmem:s28], [sflag:$0x1] =	stream.linear.gather [spmem:s12], $0x280, $0x38;
	[tilespmem:$0x6900] =	vst v63  }
0x1eb: {  	_ =	swait.ge [sflag:s25], $0x280  }
0x1ec: {  	[sflag:s25] =	ssyncset.done $0x0  }
0x1ed: {  	s31 =	simm.s32 $0x0;
	[sflag:s25] =	ssyncadd.s32 $0xFFFFFD80  }
0x1ee: {  	s1 =	simm.s32 $0x40;
	v1 =	vld [tilespmem:s31+$0x3E80]  }
.LBB2_56:
0x1ef: {  	p0 =	sne.s32 s1, $0x9C0;
	v2 =	vld [tilespmem:s31+$0x3C00];
	_ =	sdelay $0x2  }
.Ltmp27:
0x1f0: {  	(pc) =	sbr.rel @p0 .LBB2_56-.Ltmp27, $4  }
0x1f1: {  	_ = 	snop  }
0x1f2: {  	v2 =	vadd.f32 v1, v2  }
0x1f3: {  	s0 =	sshra.s32 s1, $0x2  }
0x1f4: {  	s1 =	sadd.s32 $0x40, s1;
	v1 =	vld [tilespmem:s0+$0x3E80];
	[tilespmem:s31+$0x3C00] =	vst v2;
	s31 =	smov.u32 s0  }
0x1f5: {  	v2 =	vld [tilespmem:s31+$0x3C00];
	_ =	sdelay $0x4  }
0x1f6: {  	v1 =	vadd.f32 v1, v2;
	_ =	sdelay $0x1  }
0x1f7: {  	[tilespmem:s31+$0x3C00] =	vst v1  }
0x1f8: {  	[tilespmem:s28], [sflag:$0x1] =	stream.linear.gather [spmem:s13], $0x280, $0x38;
	[tilespmem:$0x6900] =	vst v63  }
0x1f9: {  	_ =	swait.ge [sflag:s25], $0x280  }
0x1fa: {  	[sflag:s25] =	ssyncset.done $0x0  }
0x1fb: {  	s31 =	simm.s32 $0x0;
	[sflag:s25] =	ssyncadd.s32 $0xFFFFFD80  }
0x1fc: {  	s1 =	simm.s32 $0x40;
	v1 =	vld [tilespmem:s31+$0x3E80]  }
.LBB2_58:
0x1fd: {  	p0 =	sne.s32 s1, $0x9C0;
	v2 =	vld [tilespmem:s31+$0x3C00];
	_ =	sdelay $0x2  }
.Ltmp28:
0x1fe: {  	(pc) =	sbr.rel @p0 .LBB2_58-.Ltmp28, $4  }
0x1ff: {  	_ = 	snop  }
0x200: {  	v2 =	vadd.f32 v1, v2  }
0x201: {  	s0 =	sshra.s32 s1, $0x2  }
0x202: {  	s1 =	sadd.s32 $0x40, s1;
	v1 =	vld [tilespmem:s0+$0x3E80];
	[tilespmem:s31+$0x3C00] =	vst v2;
	s31 =	smov.u32 s0  }
0x203: {  	v2 =	vld [tilespmem:s31+$0x3C00];
	_ =	sdelay $0x4  }
0x204: {  	v1 =	vadd.f32 v1, v2;
	_ =	sdelay $0x1  }
0x205: {  	[tilespmem:s31+$0x3C00] =	vst v1  }
0x206: {  	[tilespmem:s28], [sflag:$0x1] =	stream.linear.gather [spmem:s14], $0x280, $0x38;
	[tilespmem:$0x6900] =	vst v63  }
0x207: {  	_ =	swait.ge [sflag:s25], $0x280  }
0x208: {  	[sflag:s25] =	ssyncset.done $0x0  }
0x209: {  	s31 =	simm.s32 $0x0;
	[sflag:s25] =	ssyncadd.s32 $0xFFFFFD80  }
0x20a: {  	s1 =	simm.s32 $0x40;
	v1 =	vld [tilespmem:s31+$0x3E80]  }
.LBB2_60:
0x20b: {  	p0 =	sne.s32 s1, $0x9C0;
	v2 =	vld [tilespmem:s31+$0x3C00];
	_ =	sdelay $0x2  }
.Ltmp29:
0x20c: {  	(pc) =	sbr.rel @p0 .LBB2_60-.Ltmp29, $4  }
0x20d: {  	_ = 	snop  }
0x20e: {  	v2 =	vadd.f32 v1, v2  }
0x20f: {  	s0 =	sshra.s32 s1, $0x2  }
0x210: {  	s1 =	sadd.s32 $0x40, s1;
	v1 =	vld [tilespmem:s0+$0x3E80];
	[tilespmem:s31+$0x3C00] =	vst v2;
	s31 =	smov.u32 s0  }
0x211: {  	v2 =	vld [tilespmem:s31+$0x3C00];
	_ =	sdelay $0x4  }
0x212: {  	v1 =	vadd.f32 v1, v2;
	_ =	sdelay $0x1  }
0x213: {  	[tilespmem:s31+$0x3C00] =	vst v1  }
0x214: {  	[tilespmem:s28], [sflag:$0x1] =	stream.linear.gather [spmem:s15], $0x280, $0x38;
	[tilespmem:$0x6900] =	vst v63  }
0x215: {  	_ =	swait.ge [sflag:s25], $0x280  }
0x216: {  	[sflag:s25] =	ssyncset.done $0x0  }
0x217: {  	s31 =	simm.s32 $0x0;
	[sflag:s25] =	ssyncadd.s32 $0xFFFFFD80  }
0x218: {  	s1 =	simm.s32 $0x40;
	v1 =	vld [tilespmem:s31+$0x3E80]  }
.LBB2_62:
0x219: {  	p0 =	sne.s32 s1, $0x9C0;
	v2 =	vld [tilespmem:s31+$0x3C00];
	_ =	sdelay $0x2  }
.Ltmp30:
0x21a: {  	(pc) =	sbr.rel @p0 .LBB2_62-.Ltmp30, $4  }
0x21b: {  	_ = 	snop  }
0x21c: {  	v2 =	vadd.f32 v1, v2  }
0x21d: {  	s0 =	sshra.s32 s1, $0x2  }
0x21e: {  	s1 =	sadd.s32 $0x40, s1;
	v1 =	vld [tilespmem:s0+$0x3E80];
	[tilespmem:s31+$0x3C00] =	vst v2;
	s31 =	smov.u32 s0  }
0x21f: {  	v2 =	vld [tilespmem:s31+$0x3C00];
	_ =	sdelay $0x4  }
0x220: {  	v1 =	vadd.f32 v1, v2;
	_ =	sdelay $0x1  }
0x221: {  	[tilespmem:s31+$0x3C00] =	vst v1  }
0x222: {  	[tilespmem:s28], [sflag:$0x1] =	stream.linear.gather [spmem:s16], $0x280, $0x38;
	[tilespmem:$0x6900] =	vst v63  }
0x223: {  	_ =	swait.ge [sflag:s25], $0x280  }
0x224: {  	[sflag:s25] =	ssyncset.done $0x0  }
0x225: {  	s31 =	simm.s32 $0x0;
	[sflag:s25] =	ssyncadd.s32 $0xFFFFFD80  }
0x226: {  	s1 =	simm.s32 $0x40;
	v1 =	vld [tilespmem:s31+$0x3E80]  }
.LBB2_64:
0x227: {  	p0 =	sne.s32 s1, $0x9C0;
	v2 =	vld [tilespmem:s31+$0x3C00];
	_ =	sdelay $0x2  }
.Ltmp31:
0x228: {  	(pc) =	sbr.rel @p0 .LBB2_64-.Ltmp31, $4  }
0x229: {  	_ = 	snop  }
0x22a: {  	v2 =	vadd.f32 v1, v2  }
0x22b: {  	s0 =	sshra.s32 s1, $0x2  }
0x22c: {  	s1 =	sadd.s32 $0x40, s1;
	v1 =	vld [tilespmem:s0+$0x3E80];
	[tilespmem:s31+$0x3C00] =	vst v2;
	s31 =	smov.u32 s0  }
0x22d: {  	v2 =	vld [tilespmem:s31+$0x3C00];
	_ =	sdelay $0x4  }
0x22e: {  	v1 =	vadd.f32 v1, v2;
	_ =	sdelay $0x1  }
0x22f: {  	[tilespmem:s31+$0x3C00] =	vst v1  }
0x230: {  	[tilespmem:s28], [sflag:$0x1] =	stream.linear.gather [spmem:s17], $0x280, $0x38;
	[tilespmem:$0x6900] =	vst v63  }
0x231: {  	_ =	swait.ge [sflag:s25], $0x280  }
0x232: {  	[sflag:s25] =	ssyncset.done $0x0  }
0x233: {  	s31 =	simm.s32 $0x0;
	[sflag:s25] =	ssyncadd.s32 $0xFFFFFD80  }
0x234: {  	s1 =	simm.s32 $0x40;
	v1 =	vld [tilespmem:s31+$0x3E80]  }
.LBB2_66:
0x235: {  	p0 =	sne.s32 s1, $0x9C0;
	v2 =	vld [tilespmem:s31+$0x3C00];
	_ =	sdelay $0x2  }
.Ltmp32:
0x236: {  	(pc) =	sbr.rel @p0 .LBB2_66-.Ltmp32, $4  }
0x237: {  	_ = 	snop  }
0x238: {  	v2 =	vadd.f32 v1, v2  }
0x239: {  	s0 =	sshra.s32 s1, $0x2  }
0x23a: {  	s1 =	sadd.s32 $0x40, s1;
	v1 =	vld [tilespmem:s0+$0x3E80];
	[tilespmem:s31+$0x3C00] =	vst v2;
	s31 =	smov.u32 s0  }
0x23b: {  	v2 =	vld [tilespmem:s31+$0x3C00];
	_ =	sdelay $0x4  }
0x23c: {  	v1 =	vadd.f32 v1, v2;
	_ =	sdelay $0x1  }
0x23d: {  	[tilespmem:s31+$0x3C00] =	vst v1  }
0x23e: {  	[tilespmem:s28], [sflag:$0x1] =	stream.linear.gather [spmem:s18], $0x280, $0x38;
	[tilespmem:$0x6900] =	vst v63  }
0x23f: {  	_ =	swait.ge [sflag:s25], $0x280  }
0x240: {  	[sflag:s25] =	ssyncset.done $0x0  }
0x241: {  	s31 =	simm.s32 $0x0;
	[sflag:s25] =	ssyncadd.s32 $0xFFFFFD80  }
0x242: {  	s1 =	simm.s32 $0x40;
	v1 =	vld [tilespmem:s31+$0x3E80]  }
.LBB2_68:
0x243: {  	p0 =	sne.s32 s1, $0x9C0;
	v2 =	vld [tilespmem:s31+$0x3C00];
	_ =	sdelay $0x2  }
.Ltmp33:
0x244: {  	(pc) =	sbr.rel @p0 .LBB2_68-.Ltmp33, $4  }
0x245: {  	_ = 	snop  }
0x246: {  	v2 =	vadd.f32 v1, v2  }
0x247: {  	s0 =	sshra.s32 s1, $0x2  }
0x248: {  	s1 =	sadd.s32 $0x40, s1;
	v1 =	vld [tilespmem:s0+$0x3E80];
	[tilespmem:s31+$0x3C00] =	vst v2;
	s31 =	smov.u32 s0  }
0x249: {  	v2 =	vld [tilespmem:s31+$0x3C00];
	_ =	sdelay $0x4  }
0x24a: {  	v1 =	vadd.f32 v1, v2;
	_ =	sdelay $0x1  }
0x24b: {  	[tilespmem:s31+$0x3C00] =	vst v1  }
0x24c: {  	[tilespmem:s28], [sflag:$0x1] =	stream.linear.gather [spmem:s19], $0x280, $0x38;
	[tilespmem:$0x6900] =	vst v63  }
0x24d: {  	_ =	swait.ge [sflag:s25], $0x280  }
0x24e: {  	[sflag:s25] =	ssyncset.done $0x0  }
0x24f: {  	s31 =	simm.s32 $0x0;
	[sflag:s25] =	ssyncadd.s32 $0xFFFFFD80  }
0x250: {  	s1 =	simm.s32 $0x40;
	v1 =	vld [tilespmem:s31+$0x3E80]  }
.LBB2_70:
0x251: {  	p0 =	sne.s32 s1, $0x9C0;
	v2 =	vld [tilespmem:s31+$0x3C00];
	_ =	sdelay $0x2  }
.Ltmp34:
0x252: {  	(pc) =	sbr.rel @p0 .LBB2_70-.Ltmp34, $4  }
0x253: {  	_ = 	snop  }
0x254: {  	v2 =	vadd.f32 v1, v2  }
0x255: {  	s0 =	sshra.s32 s1, $0x2  }
0x256: {  	s1 =	sadd.s32 $0x40, s1;
	v1 =	vld [tilespmem:s0+$0x3E80];
	[tilespmem:s31+$0x3C00] =	vst v2;
	s31 =	smov.u32 s0  }
0x257: {  	v2 =	vld [tilespmem:s31+$0x3C00];
	_ =	sdelay $0x4  }
0x258: {  	v1 =	vadd.f32 v1, v2;
	_ =	sdelay $0x1  }
0x259: {  	[tilespmem:s31+$0x3C00] =	vst v1  }
0x25a: {  	[tilespmem:s28], [sflag:$0x1] =	stream.linear.gather [spmem:s21], $0x280, $0x38;
	[tilespmem:$0x6900] =	vst v63  }
0x25b: {  	_ =	swait.ge [sflag:s25], $0x280  }
0x25c: {  	[sflag:s25] =	ssyncset.done $0x0  }
0x25d: {  	s31 =	simm.s32 $0x0;
	[sflag:s25] =	ssyncadd.s32 $0xFFFFFD80  }
0x25e: {  	s1 =	simm.s32 $0x40;
	v1 =	vld [tilespmem:s31+$0x3E80]  }
.LBB2_72:
0x25f: {  	p0 =	sne.s32 s1, $0x9C0;
	v2 =	vld [tilespmem:s31+$0x3C00];
	_ =	sdelay $0x2  }
.Ltmp35:
0x260: {  	(pc) =	sbr.rel @p0 .LBB2_72-.Ltmp35, $4  }
0x261: {  	_ = 	snop  }
0x262: {  	v2 =	vadd.f32 v1, v2  }
0x263: {  	s0 =	sshra.s32 s1, $0x2  }
0x264: {  	s1 =	sadd.s32 $0x40, s1;
	v1 =	vld [tilespmem:s0+$0x3E80];
	[tilespmem:s31+$0x3C00] =	vst v2;
	s31 =	smov.u32 s0  }
0x265: {  	v2 =	vld [tilespmem:s31+$0x3C00];
	_ =	sdelay $0x4  }
0x266: {  	v1 =	vadd.f32 v1, v2  }
0x267: {  	s30 =	sadd.s32 $0x1, s30  }
0x268: {  	p0 =	sne.s32 s30, s24;
	[tilespmem:s31+$0x3C00] =	vst v1  }
0x269: {  	[hbm4b:s23+s2] =	stream.linear.scatter [tilespmem:s29], [sflag:$0x1], $0x280, $0x38;
	[tilespmem:$0x6900] =	vst v63  }
.Ltmp36:
0x26a: {  	_ =	swait.ge [sflag:s25], $0x280;
	(pc) =	sbr.rel @p0 .LBB2_1-.Ltmp36, $3  }
0x26b: {  	[sflag:s25] =	ssyncset.done $0x0  }
0x26c: {  	[sflag:s25] =	ssyncadd.s32 $0xFFFFFD80  }
0x26d: {  	[bflag:$0x0] =	sbarrier.arrive $0xFFFF;
	_ =	sdelay $0x1  }
0x26e: {  	_ =	sfence.sel $0x180000  }
0x26f: {  	[bflag:$0x0] =	sbarrier.arrive $0xFFFF  }
0x270: {  	_ =	strace $0x90000047  }
0x271: {  	s0 =	stileid.u32;
	[bflag:$0x2] =	sbarrier.arrive $0xFFFF  }
0x272: {  	p0 =	sne.s32 s0, $0x0;
	s0 =	rddreg [dreg:$0x3]  }
0x273: {  	s0 =	sadd.s32 @!p0 $0x100000, s0  }
0x274: {  	[sflag:s0] =	ssyncadd.tile.s32 @!p0 $0x1;
	_ =	shalt  }
.Lfunc_end2:
_tile_overlayer_lowered:
.L_overlay_start_2:
0x275: {  	(tag) =	ssettag $0x2  }
0x276: {  	s0 =	rddreg [dreg:$0x0];
	s2 =	stileid.u32  }
0x277: {  	s1 =	rddreg [dreg:$0x1];
	p0 =	sne.s32 s2, $0x0  }
0x278: {  	s3 =	rddreg [dreg:$0x2];
	[bflag:$0x3] =	sbarrier.arrive $0xFFFF;
	s2 =	simm.s32 @!p0 $0x1C01  }
0x279: {  	[timem:s3], [sflag:s2] =	dma.local @!p0 [hbm:s0], s1  }
0x27a: {  	s0 =	simm.s32 @!p0 $0x1  }
0x27b: {  	_ =	swait.ge @!p0 [sflag:s0], s1  }
0x27c: {  	s1 =	ssub.s32 @!p0 $0x0, s1;
	[sflag:s0] =	ssyncset.done @!p0 $0x0  }
0x27d: {  	[sflag:s0] =	ssyncadd.s32 @!p0 s1  }
0x27e: {  	[bflag:$0x3] =	sbarrier.arrive $0xFFFF  }
0x27f: {  	_ =	shalt  }

// kernel: scatter_offload_async_start
scs
__scs_entry_jumppad:
0x0: {  	(pc) =	sbr.rel $0x88, $3  }
0x1: {  	(tag) =	ssettag $0x0;
	lr =	simm.s32 $0x1  }
0x2: {  	[smem:$0x3F9D] =	sst lr;
	_ =	strace $0xD0000000  }
0x3: {  	_ = 	snop  }
0x4: {  	_ = 	snop  }
0x5: {  	_ = 	snop  }
0x6: {  	_ = 	snop  }
0x7: {  	_ = 	snop  }
__scs_overlays_trampoline_lowered:
0x8: {  	[smem:$0x3FAC] =	sst s0  }
0x9: {  	[smem:$0x3FAD] =	sst s1  }
0xa: {  	[smem:$0x3FAE] =	sst s2  }
0xb: {  	[smem:$0x3FAF] =	sst s3  }
0xc: {  	[smem:$0x3FB0] =	sst s4  }
0xd: {  	[smem:$0x3FB1] =	sst s5  }
0xe: {  	[smem:$0x3FB2] =	sst s6  }
0xf: {  	[smem:$0x3FB3] =	sst s7  }
0x10: {  	[smem:$0x3FB4] =	sst s8  }
0x11: {  	[smem:$0x3FB5] =	sst s9;
	s0 =	simm.s32 @!p0 $0x0  }
0x12: {  	s1 =	sld [smem:$0x3F9B];
	s0 =	simm.s32 @p0 $0x1  }
0x13: {  	[smem:$0x3FB6] =	sst s0;
	s0 =	simm.s32 @!p1 $0x0  }
0x14: {  	s2 =	sld [smem:$0x3F9A];
	s0 =	simm.s32 @p1 $0x1  }
0x15: {  	[smem:$0x3FB7] =	sst s0;
	s0 =	simm.s32 @!p2 $0x0  }
0x16: {  	s3 =	sld [smem:$0x3FDB];
	s0 =	simm.s32 @p2 $0x1  }
0x17: {  	s4 =	simm.s32 $0x1BF5;
	[smem:$0x3FB9] =	sst s0  }
0x18: {  	s0 =	sld [smem:$0x3F9C];
	_ =	swait.ge [sflag:s4], $0x0  }
0x19: {  	s7 =	sld [smem:$0x3F9D]  }
0x1a: {  	s8 =	sadd.s32 $0xFFFFE003, lr  }
0x1b: {  	s9 =	sadd.s32 $0xFFFFFEF7, lr;
	s5 =	simm.s32 $0xFFFFFFFF;
	p2 =	slt.u32 s8, $0xFFFFF086  }
0x1c: {  	p1 =	slt.u32 s9, $0xF7A;
	s5 =	simm.s32 @!p2 $0x0  }
0x1d: {  	s5 =	simm.s32 @p1 $0x1;
	p0 =	seq.s32 s7, s2  }
0x1e: {  	s7 =	smul.u32 @!p0 $0xF7A, s2;
	p2 =	seq.s32 @!p0 s5, $0x0  }
0x1f: {  	s9 =	smul.u32 $0xF7A, s1;
	s8 =	simm.s32 @!p0 $0x1BF5;
	p2 =	por !p2, p0  }
0x20: {  	[sflag:s8] =	ssyncset.s32 @!p0 $0xFFFFF086;
	s6 =	sadd.s32 @!p0 s3, s7;
	s7 =	simm.s32 @!p0 $0x108  }
0x21: {  	s3 =	sadd.s32 s3, s9;
	s6 =	sadd.s32 @!p0 $0x88, s6;
	s7 =	simm.s32 @p2 $0x1082  }
0x22: {  	[simem:s7], [sflag:s8] =	dma.local @!p0 [hbm:s6], $0xF7A  }
0x23: {  	s9 =	sor.u32 $0xD0000000, s2;
	s6 =	simm.s32 $0x108;
	_ =	swait.ge @!p0 [sflag:s8], $0x0  }
0x24: {  	s3 =	sadd.s32 $0x88, s3;
	s6 =	simm.s32 @!p1 $0x1082;
	[sflag:s4] =	ssyncset.s32 $0xFFFFF086  }
0x25: {  	[simem:s6], [sflag:s4] =	dma.local [hbm:s3], $0xF7A  }
0x26: {  	[smem:$0x3F9D] =	sst s1;
	(tag) =	ssettag s2;
	_ =	strace s9  }
0x27: {  	s1 =	sld [smem:$0x3FAD]  }
0x28: {  	s2 =	sld [smem:$0x3FAE]  }
0x29: {  	s4 =	sld [smem:$0x3FB0]  }
0x2a: {  	p0 =	seq.s32 s5, $0x0;
	s5 =	sld [smem:$0x3FB1]  }
0x2b: {  	s6 =	sld [smem:$0x3FB2]  }
0x2c: {  	s7 =	sld [smem:$0x3FB3]  }
0x2d: {  	s3 =	simm.s32 $0x108;
	s8 =	sld [smem:$0x3FB4]  }
0x2e: {  	s3 =	simm.s32 @!p0 $0x1082;
	s9 =	sld [smem:$0x3FB5]  }
0x2f: {  	lr =	sadd.s32 s0, s3;
	s0 =	sld [smem:$0x3FAC]  }
0x30: {  	s3 =	sld [smem:$0x3FAF]  }
0x31: {  	[smem:$0x3FB8] =	sst s10  }
0x32: {  	s10 =	sld [smem:$0x3FB6];
	_ =	sdelay $0x3  }
0x33: {  	p0 =	seq.s32 s10, $0x1;
	s10 =	sld [smem:$0x3FB8];
	_ =	sdelay $0x3  }
0x34: {  	[smem:$0x3FB8] =	sst s10  }
0x35: {  	s10 =	sld [smem:$0x3FB7];
	_ =	sdelay $0x3  }
0x36: {  	p1 =	seq.s32 s10, $0x1;
	s10 =	sld [smem:$0x3FB8];
	_ =	sdelay $0x3  }
0x37: {  	[smem:$0x3FB8] =	sst s10  }
0x38: {  	s10 =	sld [smem:$0x3FB9]  }
0x39: {  	_ = 	snop;
	(pc) =	sbr.ind lr, $3  }
0x3a: {  	_ = 	snop  }
0x3b: {  	_ = 	snop  }
0x3c: {  	p2 =	seq.s32 s10, $0x1;
	s10 =	sld [smem:$0x3FB8]  }
0x3d: {  	_ =	shalt  }
0x3e: {  	_ =	shalt  }
0x3f: {  	_ =	shalt  }
0x40: {  	_ =	shalt  }
0x41: {  	_ =	shalt  }
0x42: {  	_ =	shalt  }
0x43: {  	_ =	shalt  }
0x44: {  	_ =	shalt  }
0x45: {  	_ =	shalt  }
0x46: {  	_ =	shalt  }
0x47: {  	_ =	shalt  }
0x48: {  	_ =	shalt  }
0x49: {  	_ =	shalt  }
0x4a: {  	_ =	shalt  }
0x4b: {  	_ =	shalt  }
0x4c: {  	_ =	shalt  }
0x4d: {  	_ =	shalt  }
0x4e: {  	_ =	shalt  }
0x4f: {  	_ =	shalt  }
0x50: {  	_ =	shalt  }
0x51: {  	_ =	shalt  }
0x52: {  	_ =	shalt  }
0x53: {  	_ =	shalt  }
0x54: {  	_ =	shalt  }
0x55: {  	_ =	shalt  }
0x56: {  	_ =	shalt  }
0x57: {  	_ =	shalt  }
0x58: {  	_ =	shalt  }
0x59: {  	_ =	shalt  }
0x5a: {  	_ =	shalt  }
0x5b: {  	_ =	shalt  }
0x5c: {  	_ =	shalt  }
0x5d: {  	_ =	shalt  }
0x5e: {  	_ =	shalt  }
0x5f: {  	_ =	shalt  }
0x60: {  	_ =	shalt  }
0x61: {  	_ =	shalt  }
0x62: {  	_ =	shalt  }
0x63: {  	_ =	shalt  }
0x64: {  	_ =	shalt  }
0x65: {  	_ =	shalt  }
0x66: {  	_ =	shalt  }
0x67: {  	_ =	shalt  }
0x68: {  	_ =	shalt  }
0x69: {  	_ =	shalt  }
0x6a: {  	_ =	shalt  }
0x6b: {  	_ =	shalt  }
0x6c: {  	_ =	shalt  }
0x6d: {  	_ =	shalt  }
0x6e: {  	_ =	shalt  }
0x6f: {  	_ =	shalt  }
0x70: {  	_ =	shalt  }
0x71: {  	_ =	shalt  }
0x72: {  	_ =	shalt  }
0x73: {  	_ =	shalt  }
0x74: {  	_ =	shalt  }
0x75: {  	_ =	shalt  }
0x76: {  	_ =	shalt  }
0x77: {  	_ =	shalt  }
0x78: {  	_ =	shalt  }
0x79: {  	_ =	shalt  }
0x7a: {  	_ =	shalt  }
0x7b: {  	_ =	shalt  }
0x7c: {  	_ =	shalt  }
0x7d: {  	_ =	shalt  }
0x7e: {  	_ =	shalt  }
0x7f: {  	_ =	shalt  }
0x80: {  	_ =	shalt  }
0x81: {  	_ =	shalt  }
0x82: {  	_ =	shalt  }
0x83: {  	_ =	shalt  }
0x84: {  	_ =	shalt  }
0x85: {  	_ =	shalt  }
0x86: {  	_ =	shalt  }
0x87: {  	_ =	shalt  }
.Lfunc_end0:
.L_simem_size_0:
called_computation_lowered:
.L_overlay_start_0:
0x88: {  	s0 =	sld [smem:$0x3FD9]  }
0x89: {  	s1 =	sld [smem:$0x3FFE];
	_ =	sdelay $0x3  }
0x8a: {  	s0 =	sadd.s32 s1, s0  }
0x8b: {  	[smem:$0x3FC4] =	sst s0  }
0x8c: {  	_ = 	snop  }
0x8d: {  	s0 =	sld [smem:$0x3FD0];
	_ =	sdelay $0x2  }
0x8e: {  	s13 =	simm.s32 $0xA;
	s2 =	simm.s32 $0x10  }
0x8f: {  	[smem:s2], [sflag:s13] =	dma.local [hbm:s0], $0x1  }
0x90: {  	_ =	swait.eq [sflag:s13], $0x1  }
0x91: {  	[sflag:s13] =	ssyncset.done $0x0  }
0x92: {  	[sflag:s13] =	ssyncadd.s32 $0xFFFFFFFF  }
0x93: {  	s14 =	sld [smem:$0x10];
	(tm) =	ssettm $0x1  }
0x94: {  	s15 =	sld [smem:$0x3FFB];
	_ =	sdelay $0x3  }
0x95: {  	_ =	strace s15  }
0x96: {  	s1 =	sld [smem:$0x3FFC];
	_ =	sdelay $0x3  }
0x97: {  	_ =	strace s1  }
0x98: {  	s1 =	sld [smem:$0x3FFD];
	_ =	sdelay $0x3  }
0x99: {  	_ =	strace s1  }
0x9a: {  	_ =	strace $0x8FFFFFFF  }
0x9b: {  	s16 =	sld [smem:$0x3FDB];
	_ =	sdelay $0x1  }
0x9c: {  	s17 =	simm.s32 $_scs_section_size  }
0x9d: {  	s3 =	simm.s32 $_size__tile_overlayer_lowered;
	s4 =	simm.s32 $_tile_overlayer_lowered  }
0x9e: {  	s20 =	simm.s32 $0x1BFF;
	s19 =	sshll.u32 s4, $0x1;
	s1 =	sadd.s32 s17, s16  }
0x9f: {  	s5 =	simm.s32 $0x0;
	s18 =	sshll.u32 s3, $0x1;
	s3 =	sadd.s32 s19, s1  }
0xa0: {  	[timem:s5], [sflag:s20] =	dma.local [hbm:s3], s18  }
0xa1: {  	_ =	swait.ge [sflag:s20], s18  }
0xa2: {  	s2 =	ssub.s32 $0x0, s18;
	[sflag:s20] =	ssyncset.done $0x0  }
0xa3: {  	[sflag:s20] =	ssyncadd.s32 s2;
	_ =	sdelay $0x1  }
0xa4: {  	s21 =	simm.s32 $0x1B8B  }
0xa5: {  	_ =	swait.ge [sflag:s21], $0x1  }
0xa6: {  	[sflag:s21] =	ssyncset.done $0x0  }
0xa7: {  	s23 =	simm.s32 $0x1B8E;
	s22 =	sld [smem:$0x3FFE];
	[sflag:s21] =	ssyncadd.s32 $0xFFFFFFFF  }
0xa8: {  	s24 =	simm.s32 $execute0_lowered;
	[smem:$0x3FD2] =	sst s23  }
0xa9: {  	s3 =	sshll.u32 s24, $0x1;
	_ =	strace $0x80000049;
	[dreg:$0x1] =	wrdreg $0xFFFFFFFF  }
0xaa: {  	s25 =	simm.s32 $_size_execute0_lowered;
	s1 =	sadd.s32 s1, s3;
	[dreg:$0x0] =	wrdreg $0x0  }
0xab: {  	s3 =	sshll.u32 s25, $0x1;
	[dreg:$0x2] =	wrdreg s1  }
0xac: {  	[dreg:$0x3] =	wrdreg s3  }
0xad: {  	[dreg:$0x4] =	wrdreg $0xC0  }
0xae: {  	_ =	task [dreg:s5], $0x5FFFF  }
0xaf: {  	[dreg:$0x1] =	wrdreg $0xFFFFFFFF  }
0xb0: {  	[dreg:$0x0] =	wrdreg $0x60  }
0xb1: {  	[dreg:$0x2] =	wrdreg s22  }
0xb2: {  	[dreg:$0x3] =	wrdreg s14  }
0xb3: {  	[dreg:$0x4] =	wrdreg $0x9  }
0xb4: {  	_ =	task.clear_ibuf [dreg:s5], $0x5FFFF;
	_ =	strace $0x90000049  }
0xb5: {  	s26 =	simm.s32 $0x9;
	_ =	strace $0x8000004B  }
0xb6: {  	_ =	swait.ge [sflag:s26], $0x1  }
0xb7: {  	[sflag:s26] =	ssyncadd.s32 $0xFFFFFFFF  }
0xb8: {  	_ =	strace $0x9000004B  }
0xb9: {  	_ =	sfence  }
0xba: {  	s28 =	sld [smem:$0x0];
	_ =	sdelay $0x1  }
0xbb: {  	s29 =	srdreg.scid  }
0xbc: {  	s30 =	sshll.u32 s29, $0xD;
	s31 =	sshrl.u32 s29, $0x2  }
0xbd: {  	s2 =	sand.u32 $0x4000, s30;
	s1 =	sand.u32 $0x1, s29;
	s0 =	sadd.s32 s31, s28  }
0xbe: {  	s1 =	sor.u32 s2, s1;
	s0 =	sshll.u32 s0, $0x11  }
0xbf: {  	s0 =	sor.u32 s0, s1  }
0xc0: {  	s0 =	sadd.s32 $0x8F2B, s0  }
0xc1: {  	[sflag:s0] =	ssyncadd.remote.s32 $0x1  }
0xc2: {  	_ =	sfence.sel $0xFFFF  }
0xc3: {  	[dreg:$0x0] =	wrdreg $0xFFFFFFFF;
	(pc) =	sbr.abs _section_cstart, $3  }
0xc4: {  	[dreg:$0x1] =	wrdreg $0xFFFFFFFF  }
0xc5: {  	_ =	task.clear_ibuf [dreg:s5], $0x2FFFF;
	_ =	strace $0x9FFFFFFF  }
0xc6: {  	(tm) =	ssettm $0x7FFFFFFF  }
0xc7: {  	_ =	shalt  }
tec
execute0_lowered:
.L_overlay_start_1:
0x0: {  	(tag) =	ssettag $0x1  }
0x1: {  	s0 =	rddreg [dreg:$0x0]  }
0x2: {  	s3 =	rddreg [dreg:$0x1];
	s14 =	stileid.u32  }
0x3: {  	_ =	strace $0x8000004A;
	s2 =	simm.s32 $0x1;
	s1 =	smin.u32 s14, $0x4  }
0x4: {  	v1 =	vimm.s32 $0xFFFFFFFF;
	[sflag:s2] =	ssyncpa.u1 $0x0;
	s1 =	sadd.s32 s14, s1  }
0x5: {  	p0 =	slt.u32 s14, $0x4;
	[tilespmem:$0x10] =	vst v1;
	s4 =	smul.u32 $0x1F40, s1;
	s1 =	simm.s32 $0x3E80  }
0x6: {  	v0 =	vimm.f32 $0.0e+00;
	[tilespmem:$0x20] =	vst v1;
	s1 =	simm.s32 @!p0 $0x1F40  }
0x7: {  	[tilespmem:$0x30] =	vst v0;
	s1 =	sadd.s32 s1, s4  }
0x8: {  	[tilespmem:$0x40] =	vst v0;
	s5 =	smin.u32 s1, $0x27100  }
0x9: {  	[tilespmem:$0x50] =	vst v0;
	s9 =	ssub.s32 s5, s4  }
0xa: {  	s7 =	simm.s32 $0x2;
	[tilespmem:$0x60] =	vst v1;
	p0 =	sgt.s32 s9, $0x0  }
0xb: {  	s8 =	simm.s32 $0x8;
	s31 =	simm.s32 $0x9;
	[tilespmem:$0x70] =	vst v1;
	s9 =	simm.s32 @!p0 $0x0  }
0xc: {  	s16 =	simm.s32 $0x0;
	s17 =	simm.s32 $0xF0;
	[tilespmem:$0x80] =	vst v1;
	s30 =	smulhi.u32 $0x10624DD3, s9  }
0xd: {  	s18 =	simm.s32 $0xFFFFFFFF;
	s19 =	simm.s32 $0xFFFFC280;
	s20 =	simm.s32 $0xFFFFFFFE;
	v1 =	vimm.s32 $0x0;
	[tilespmem:$0xB0] =	vst v0  }
0xe: {  	s21 =	simm.s32 $0xF;
	s25 =	simm.s32 $0x0;
	[tilespmem:$0x90] =	vst v1;
	s10 =	sshrl.u32 s30, $0x9  }
0xf: {  	[tilespmem:$0xA0] =	vst v1;
	[sflag:s7] =	ssyncpa.u1 $0x0;
	s7 =	simm.s32 $0x7;
	s11 =	smul.u32 $0x1F40, s10  }
0x10: {  	s24 =	simm.s32 $0x0;
	s6 =	sadd.s32 $0xC00, s0;
	[sflag:s7] =	ssyncpa.u1 $0x0  }
.Ltmp0:
0x11: {  	[sflag:s8] =	ssyncpa.u1 $0x0;
	p0 =	sne.s32 s9, s11;
	(pc) =	sbr.rel .LBB2_1-.Ltmp0, $4  }
0x12: {  	s23 =	smov.u32 s4;
	s1 =	sadd.s32 $0x5C00, s0;
	s2 =	simm.s32 @!p0 $0x0  }
0x13: {  	[sflag:s31] =	ssyncpa.u1 $0x0;
	p0 =	por $0x0, $0x0;
	s9 =	sadd.s32 s2, s10  }
0x14: {  	vm0 =	vmmov $0xffff;
	v2 =	vlaneseq.u32;
	s10 =	sshll.u32 s14, $0x1;
	s14 =	sshllo.u32 s14, $0x1;
	s11 =	sadd.s32 $0x1, s9  }
0x15: {  	vm1 =	vmxor vm1, vm1;
	vm2 =	vmmov $0x1;
	vm3 =	vcmask $0x3F3C;
	s12 =	sadd.s32 $0x2, s9;
	s13 =	sor.u32 $0x81, s10;
	s15 =	sor.u32 $0x80, s10  }
.LBB2_9:
0x16: {  	p1 =	slt.u32 s24, $0x3  }
0x17: {  	s0 =	simm.s32 @!p1 $0x2  }
0x18: {  	_ =	swait.ge @!p1 [sflag:s0], $0x1F40  }
0x19: {  	[sflag:s0] =	ssyncset.done @!p1 $0x0  }
0x1a: {  	[sflag:s0] =	ssyncadd.s32 @!p1 $0xFFFFE0C0;
	s0 =	simm.s32 @!p1 $0x9  }
0x1b: {  	_ =	swait.ge @!p1 [sflag:s0], $0x10  }
0x1c: {  	[sflag:s0] =	ssyncset.done @!p1 $0x0  }
0x1d: {  	[sflag:s0] =	ssyncadd.s32 @!p1 $0xFFFFFFF0;
	p1 =	sne.s32 s24, s12  }
.Ltmp1:
0x1e: {  	s2 =	sadd.s32 $0x1F40, s23;
	(pc) =	sbr.rel @!p1 .LBB2_10-.Ltmp1, $4  }
0x1f: {  	s22 =	smov.u32 s4;
	s31 =	sadd.s32 $0x1, s24;
	s17 =	sadd.s32 $0x1F40, s17  }
0x20: {  	s18 =	sadd.s32 $0x1, s18;
	s25 =	smov.u32 s23;
	p2 =	slt.s32 s2, s5  }
0x21: {  	p0 =	por !p0, !p0;
	s19 =	sadd.s32 $0x1F40, s19;
	s22 =	smov.u32 @p2 s2  }
0x22: {  	s20 =	sadd.s32 $0x1, s20;
	s23 =	smov.u32 s22;
	s24 =	smov.u32 s31  }
.LBB2_1:
0x23: {  	p1 =	sge.u32 s24, s9  }
0x24: {  	s0 =	smulhi.u32 @!p1 $0xAAAAAAAB, s24;
	_ =	sdelay $0x1  }
0x25: {  	s0 =	sshrl.u32 @!p1 s0, $0x1  }
0x26: {  	s0 =	smul.u32 @!p1 $0x3, s0;
	_ =	sdelay $0x1  }
0x27: {  	s0 =	ssub.s32 @!p1 s24, s0  }
0x28: {  	s0 =	smul.u32 @!p1 $0x7D00, s0;
	_ =	sdelay $0x1  }
0x29: {  	s2 =	sshrl.u32 @!p1 s23, $0x3;
	s0 =	sshrl.u32 @!p1 s0, $0x2  }
0x2a: {  	s22 =	sand.u32 @!p1 $0x7, s23;
	s2 =	sadd.s32 @!p1 s3, s2;
	s0 =	sadd.s32 @!p1 $0x100, s0  }
0x2b: {  	[tilespmem:s0], [sflag:$0x7] =	stream.linear.gather @!p1 [hbm4b:s2+s22], $0x1F40, $0x38;
	[tilespmem:$0x11A60] =	vst v63  }
0x2c: {  	s0 =	sadd.s32 $0xFFFFFFFF, s24  }
0x2d: {  	p1 =	sge.u32 s0, s9  }
.Ltmp2:
0x2e: {  	_ = 	snop;
	(pc) =	sbr.rel @p1 .LBB2_5-.Ltmp2, $1  }
0x2f: {  	_ =	sdelay $0x3  }
0x30: {  	s2 =	smulhi.u32 $0xAAAAAAAB, s0;
	_ =	sdelay $0x1  }
0x31: {  	s2 =	sshrl.u32 s2, $0x1  }
0x32: {  	s2 =	smul.u32 $0x3, s2;
	_ =	sdelay $0x1  }
0x33: {  	s2 =	ssub.s32 s0, s2  }
0x34: {  	s2 =	smul.u32 $0x7D00, s2  }
0x35: {  	_ =	swait.ge [sflag:s7], $0x1F40  }
0x36: {  	[sflag:s7] =	ssyncset.done $0x0;
	s2 =	sshrl.u32 s2, $0x2  }
0x37: {  	[sflag:s7] =	ssyncadd.s32 $0xFFFFE0C0;
	(ifvalue) =	ssetifvalue $0xFFFFFFFF;
	v3 =	vld.msk [tilespmem:s2+$0x100 ss:$0x1], $0xffff;
	_ =	sdelay $0x2  }
0x38: {  	s30 =	smulhi.u32 $0xAAAAAAAB, s18;
	p1 =	sne.s32 s24, $0x1  }
0x39: {  	v4 =	vimm.s32 @!p1 $0x0  }
0x3a: {  	s2 =	sshrl.u32 s30, $0x1;
	v4 =	vperm.xlane @!p1 v3, v4  }
0x3b: {  	s22 =	sshll.u32 s24, $0x4;
	s2 =	smul.u32 $0xFFFE8900, s2;
	vm4 =	vlt.u32 v3, $0x2800  }
0x3c: {  	s22 =	sand.u32 $0x10, s22;
	v3 =	vnsel vm4, $0xFFFFFFFE, v3;
	vm4 =	vlt.u32 @!p1 v4, $0x2800  }
0x3d: {  	s2 =	sshra.s32 s2, $0x2;
	[tilespmem:s22+$0x60] =	vst v3;
	v3 =	vnsel @!p1 vm4, $0xFFFFFFFE, v4  }
0x3e: {  	s28 =	sadd.s32 s2, s17;
	[tilespmem:$0x80] =	vst @!p1 v3  }
0x3f: {  	v3 =	vld.msk [tilespmem:s28+$0x0 ss:$0x1], $0xffff;
	_ =	sdelay $0x4  }
0x40: {  	(xrf1) =	vunique.msk.u32 $0xffff, v3;
	_ =	sdelay $0xd  }
0x41: {  	v4 =	vimm.s32 $0xFFFFFFFF;
	v5, _, _ =	vpop (xrf1)  }
0x42: {  	vm5 =	vne.s32 v3, v4;
	vm4 =	veq.s32 v5, v2  }
0x43: {  	vm6 =	vlt.u32 v3, $0x2800;
	vm4 =	vmand vm5, vm4  }
0x44: {  	vm4 =	vmand vm6, vm4  }
0x45: {  	v4 =	vnsel vm4, $0xFFFFFFFF, v3  }
0x46: {  	s31 =	sand.u32 $0x1, s0  }
0x47: {  	s0 =	simm.s32 $0x1F40;
	p1 =	seq.s32 s31, $0x1  }
0x48: {  	s0 =	simm.s32 @!p1 $0x0  }
0x49: {  	s26 =	sadd.s32 $0x7DF0, s0;
	(ifvalue) =	ssetifvalue $0xFFFFFFFF  }
0x4a: {  	v3 =	vperm.xlane v3, v1;
	[tilespmem:s26], [sflag:$0x8] =	stream.indirect_vreg.gather [hbm4b:s1+s16], $0x1, v4, vm0, $0x4038;
	v4 =	vnsel vm6, $0xFFFFFFFE, v4;
	[tilespmem:$0x11A60] =	vst v63  }
0x4b: {  	s2 =	simm.s32 $0x0;
	s22 =	sadd.s32 $0xFFFFFFF0, s28;
	[tilespmem:s28+$0x0] =	vst v4  }
.LBB2_3:
0x4c: {  	v4 =	vld.msk [tilespmem:s22+$0x0 ss:$0x1], $0xffff;
	s2 =	sadd.s32 $0x10, s2;
	v5 =	vmov v3;
	s28 =	smov.u32 s22  }
0x4d: {  	p1 =	slt.u32 s2, $0x1F30;
	_ =	sdelay $0x4  }
0x4e: {  	v3 =	vperm.xlane v4, v1;
	(xrf1) =	vunique.msk.u32 $0xffff, v4;
	_ =	sdelay $0xd  }
0x4f: {  	v6, _, _ =	vpop (xrf1)  }
0x50: {  	vm5 =	vne.s32 v4, v5;
	vm4 =	veq.s32 v6, v2  }
0x51: {  	vm6 =	vlt.u32 v4, $0x2800;
	vm4 =	vmand vm5, vm4  }
0x52: {  	vm4 =	vmand vm6, vm4  }
0x53: {  	v4 =	vnsel vm4, $0xFFFFFFFF, v4  }
.Ltmp3:
0x54: {  	v5 =	vnsel vm6, $0xFFFFFFFE, v4;
	(pc) =	sbr.rel @p1 .LBB2_3-.Ltmp3, $3  }
0x55: {  	_ =	sdelay $0x1  }
0x56: {  	s22 =	sadd.s32 $0xFFFFFFF0, s22;
	s26 =	sadd.s32 $0xFFFFFFF0, s26;
	(ifvalue) =	ssetifvalue $0xFFFFFFFF  }
0x57: {  	[tilespmem:s26], [sflag:$0x8] =	stream.indirect_vreg.gather [hbm4b:s1+s16], $0x1, v4, vm0, $0x4038;
	[tilespmem:s28+$0x0] =	vst v5  }
0x58: {  	s2 =	sshrl.u32 s25, $0x3  }
0x59: {  	s0 =	sadd.s32 $0x9D40, s0;
	s2 =	sadd.s32 s6, s2  }
0x5a: {  	[tilespmem:s0], [sflag:$0x8] =	stream.linear.gather [hbm:s2], $0x1F40, $0x38;
	[tilespmem:$0x11A60] =	vst v63  }
.LBB2_5:
0x5b: {  	p1 =	slt.u32 s24, $0x2  }
0x5c: {  	p2 =	sge.u32 @!p1 s24, s12  }
0x5d: {  	p1 =	por p1, p2  }
.Ltmp4:
0x5e: {  	_ = 	snop;
	(pc) =	sbr.rel @p1 .LBB2_9-.Ltmp4, $1  }
0x5f: {  	_ =	sdelay $0x3  }
0x60: {  	s0 =	sadd.s32 $0xFFFFFFFE, s24  }
0x61: {  	s2 =	smulhi.u32 $0xAAAAAAAB, s0;
	_ =	sdelay $0x1  }
0x62: {  	s2 =	sshrl.u32 s2, $0x1  }
0x63: {  	s2 =	smul.u32 $0x3, s2;
	_ =	sdelay $0x1  }
0x64: {  	s0 =	ssub.s32 s0, s2  }
0x65: {  	_ =	swait.ge [sflag:s8], $0x3E80;
	s0 =	smul.u32 $0x1F40, s0  }
0x66: {  	p1 =	sne.s32 s24, s11;
	[sflag:s8] =	ssyncset.done $0x0  }
0x67: {  	[sflag:s8] =	ssyncadd.s32 $0xFFFFC180;
	s2 =	sadd.s32 @!p1 $0x203F, s0  }
0x68: {  	[spmem:s13] =	stream.linear.scatter @!p1 [tilespmem:s2], [sflag:$0x1], $0x1, $0x38;
	[tilespmem:$0x11A60] =	vst v63  }
0x69: {  	s2 =	simm.s32 @!p1 $0x1  }
0x6a: {  	_ =	swait.ge @!p1 [sflag:s2], $0x1  }
0x6b: {  	s22 =	sshll.u32 s24, $0x4;
	[sflag:s2] =	ssyncset.done @!p1 $0x0  }
0x6c: {  	s25 =	sand.u32 $0x10, s22;
	[sflag:s2] =	ssyncadd.s32 @!p1 $0xFFFFFFFF  }
0x6d: {  	s2 =	sxor.u32 $0x10, s25;
	v4 =	vld [tilespmem:s25+$0x10]  }
0x6e: {  	v5 =	vld [tilespmem:s2+$0x60]  }
0x6f: {  	v3 =	vld [tilespmem:$0x80];
	_ =	sdelay $0x2  }
0x70: {  	(v2sf) =	vpush v4, $0x0  }
0x71: {  	(v2sf) =	vpush v5, $0x0  }
0x72: {  	(v2sf) =	vpush v3, $0x0;
	_ =	sdelay $0xc  }
0x73: {  	s22 =	spop (v2sf)  }
0x74: {  	s26 =	spop (v2sf)  }
0x75: {  	s28 =	spop (v2sf)  }
0x76: {  	p2 =	seq.s32 s22, s26;
	p3 =	seq.s32 s28, s22  }
0x77: {  	p3 =	por p2, p3  }
0x78: {  	s26 =	sand.u32 $0x1, s24;
	v4 =	vpsel p3, $0xFFFFFFFF, v4  }
0x79: {  	s29 =	smul.u32 $0x1F40, s26;
	[tilespmem:s25+$0x10] =	vst.msk $0x1, v4  }
0x7a: {  	v4 =	vld [tilespmem:$0x30]  }
0x7b: {  	v5 =	vld [tilespmem:s29+$0x9D40]  }
0x7c: {  	v6 =	vld [tilespmem:s25+$0x40];
	_ =	sdelay $0x3  }
0x7d: {  	vm4 =	vmmov vm1;
	v5 =	vadd.f32 v5, v4  }
0x7e: {  	vm5 =	vmmov vm2;
	vm4 =	vmmov @p2 vm2;
	s22 =	sshll.u32 s26, $0x4;
	v4 =	vadd.f32 v6, v4  }
0x7f: {  	s26 =	sor.u32 $0x11A40, s22;
	vm5 =	vmmov @p3 vm1;
	[tilespmem:s29+$0x9D40] =	vst.msk vm4, v5  }
0x80: {  	[tilespmem:s26+$0x0] =	vst.msk vm5, v4  }
0x81: {  	v4 =	vld [tilespmem:s29+$0x7DF0];
	_ =	sdelay $0x3  }
0x82: {  	v5 =	vimm.f32 $0.0e+00  }
0x83: {  	v4 =	vshift.insert v4, v5, s21  }
0x84: {  	s22 =	sor.u32 $0x40, s2  }
0x85: {  	[tilespmem:s22+$0x0] =	vst.msk $0x1, v4  }
0x86: {  	[tilespmem:s29+$0x7DFF] =	vst.msk $0x1, v5  }
0x87: {  	v4 =	vld [tilespmem:s0+$0x2030];
	_ =	sdelay $0x1  }
0x88: {  	s22 =	smulhi.u32 $0xAAAAAAAB, s20;
	s0 =	simm.s32 $0x1  }
0x89: {  	s0 =	simm.s32 @!p0 $0x0  }
0x8a: {  	s22 =	sshrl.u32 s22, $0x1;
	s0 =	smul.u32 $0x7D00, s0  }
0x8b: {  	s22 =	smul.u32 $0xFFFE8900, s22;
	v4 =	vshift.insert v4, v1, s21  }
0x8c: {  	s0 =	sshrl.u32 s0, $0x2  }
0x8d: {  	s22 =	sshra.s32 s22, $0x2;
	s30 =	sadd.s32 $0x9D40, s0;
	[tilespmem:s2+$0x10] =	vst.msk $0x1, v4  }
0x8e: {  	s22 =	sadd.s32 s22, s19;
	v6 =	vld [tilespmem:s30+$0x0]  }
0x8f: {  	v7 =	vld [tilespmem:s22+$0x0];
	_ =	sdelay $0x3  }
0x90: {  	v5 =	vadd.f32 v6, v5  }
0x91: {  	vm4 =	vne.s32 v7, $0xFFFFFFFF  }
0x92: {  	(xrf2) =	vadd.seg.scan.f32 vm4, v5;
	_ =	sdelay $0x3  }
0x93: {  	s31 =	sadd.s32 $0x5EC0, s0;
	v5 =	vperm.xlane v4, v1  }
0x94: {  	v6 =	vld [tilespmem:s31+$0x0]  }
0x95: {  	vm5 =	veq.s32 v7, v3;
	vm6 =	veq.s32 v7, v5  }
0x96: {  	vm7 =	vgt.u32 v7, $0xFFFFFFFD;
	vm6 =	vmor vm6, vm5  }
0x97: {  	vm6 =	vmor vm6, vm7  }
0x98: {  	v9 =	vld [tilespmem:$0xA0];
	v7 =	vsel vm6, $0xFFFFFFFF, v7  }
0x99: {  	v10 =	vld [tilespmem:$0x90];
	v6 =	vsel vm5, $0x0, v6;
	v8, _, _ =	vpop (xrf2)  }
0x9a: {  	v6 =	vadd.f32 v8, v6  }
0x9b: {  	s0 =	sadd.s32 $0xDBC0, s0  }
0x9c: {  	vm4 =	vmand vm4, vm3;
	[tilespmem:s0+$0x0] =	vst v6;
	(ifvalue) =	ssetifvalue $0xFFFFFFFF  }
0x9d: {  	vm6 =	veq.s32 v9, $0x1;
	[hbm4b:s1+s16] =	stream.indirect_vreg.scatter [tilespmem:s0], [sflag:$0x2], $0x1, v7, vm0, $0x4038;
	v7 =	vsel vm4, $0x0, v8;
	[tilespmem:$0x11A60] =	vst v63  }
0x9e: {  	s2 =	simm.s32 $0x0;
	s22 =	sadd.s32 $0x10, s22;
	vm4 =	vmor vm6, vm5;
	v6 =	vsel vm5, v8, v10;
	v7 =	vshift.insert v7, v0, s21  }
.LBB2_7:
0x9f: {  	v8 =	vld [tilespmem:s22+$0x0];
	s30 =	sadd.s32 $0x10, s30  }
0xa0: {  	s31 =	sadd.s32 $0x10, s31;
	v9 =	vld [tilespmem:s30+$0x0]  }
0xa1: {  	s2 =	sadd.s32 $0x10, s2;
	v10 =	vld [tilespmem:s31+$0x0]  }
0xa2: {  	p2 =	slt.u32 s2, $0x1F30;
	_ =	sdelay $0x2  }
0xa3: {  	v7 =	vadd.f32 v9, v7  }
0xa4: {  	vm5 =	vne.s32 v8, $0xFFFFFFFF  }
0xa5: {  	vm6 =	vmand vm5, vm3;
	(xrf2) =	vadd.seg.scan.f32 vm5, v7;
	_ =	sdelay $0x5  }
0xa6: {  	vm7 =	veq.s32 v8, v5;
	vm5 =	veq.s32 v8, v3  }
0xa7: {  	vm8 =	vgt.u32 v8, $0xFFFFFFFD;
	vm4 =	vmor vm4, vm5;
	vm7 =	vmor vm7, vm5  }
0xa8: {  	vm7 =	vmor vm7, vm8  }
0xa9: {  	v8 =	vsel vm7, $0xFFFFFFFF, v8  }
.Ltmp5:
0xaa: {  	v7 =	vsel vm5, $0x0, v10;
	v9, _, _ =	vpop (xrf2);
	(pc) =	sbr.rel @p2 .LBB2_7-.Ltmp5, $4  }
0xab: {  	v6 =	vsel vm5, v9, v6;
	v10 =	vadd.f32 v9, v7;
	v7 =	vsel vm6, $0x0, v9  }
0xac: {  	s0 =	sadd.s32 $0x10, s0;
	v7 =	vshift.insert v7, v0, s21  }
0xad: {  	s22 =	sadd.s32 $0x10, s22;
	[tilespmem:s0+$0x0] =	vst v10;
	(ifvalue) =	ssetifvalue $0xFFFFFFFF  }
0xae: {  	[hbm4b:s1+s16] =	stream.indirect_vreg.scatter [tilespmem:s0], [sflag:$0x2], $0x1, v8, vm0, $0x4038;
	[tilespmem:$0x11A60] =	vst v63  }
0xaf: {  	v3 =	vld [tilespmem:s29+$0xFAF0];
	_ =	sdelay $0x4  }
0xb0: {  	v3 =	vshift.insert v3, v0, s21  }
0xb1: {  	s0 =	simm.s32 $0x30  }
0xb2: {  	[tilespmem:s0+$0x0] =	vst.msk $0x1, v3  }
0xb3: {  	v3 =	vsel vm4, $0x1, v1;
	[tilespmem:$0x90] =	vst v6  }
0xb4: {  	s0 =	sadd.s32 @!p1 $0xFAFF, s29;
	[tilespmem:$0xA0] =	vst v3  }
0xb5: {  	[spmem:s14] =	stream.linear.scatter @!p1 [tilespmem:s0], [sflag:$0x1], $0x1, $0x38;
	[tilespmem:$0x11A60] =	vst v63  }
0xb6: {  	s0 =	simm.s32 @!p1 $0x1  }
0xb7: {  	v3 =	vmctz.xlane @!p1 vm4;
	_ =	swait.ge @!p1 [sflag:s0], $0x1  }
0xb8: {  	(v2sf) =	vpush @!p1 v4, $0x0  }
0xb9: {  	(v2sf) =	vpush @!p1 v3, $0x0;
	_ =	sdelay $0xd  }
0xba: {  	s2 =	spop @!p1 (v2sf)  }
0xbb: {  	s22 =	spop @!p1 (v2sf)  }
0xbc: {  	p2 =	sne.s32 @!p1 s28, s2;
	p3 =	slt.s32 @!p1 s22, $0xF  }
0xbd: {  	[sflag:s0] =	ssyncset.done @!p1 $0x0;
	p2 =	por p2, p1;
	p3 =	por !p3, p1  }
0xbe: {  	[sflag:s0] =	ssyncadd.s32 @!p1 $0xFFFFFFFF;
	v3 =	vimm.s32 @!p2 $0xFFFFFFFF;
	s22 =	simm.s32 @p3 $0xF  }
0xbf: {  	[tilespmem:$0x80] =	vst @!p2 v3;
	s2 =	sadd.s32 @!p1 $0x90, s22  }
0xc0: {  	[spmem:s10] =	stream.linear.scatter @!p1 [tilespmem:s2], [sflag:$0x1], $0x1, $0x38;
	[tilespmem:$0x11A60] =	vst v63  }
0xc1: {  	_ =	swait.ge @!p1 [sflag:s0], $0x1  }
0xc2: {  	[sflag:s0] =	ssyncset.done @!p1 $0x0  }
0xc3: {  	s2 =	simm.s32 @!p1 $0x80;
	[sflag:s0] =	ssyncadd.s32 @!p1 $0xFFFFFFFF  }
0xc4: {  	[spmem:s15] =	stream.linear.scatter @!p1 [tilespmem:s2], [sflag:$0x1], $0x1, $0x38;
	[tilespmem:$0x11A60] =	vst v63  }
0xc5: {  	_ =	swait.ge @!p1 [sflag:s0], $0x1  }
0xc6: {  	[sflag:s0] =	ssyncset.done @!p1 $0x0  }
0xc7: {  	[sflag:s0] =	ssyncadd.s32 @!p1 $0xFFFFFFFF;
	(ifvalue) =	ssetifvalue $0xFFFFFFFF;
	v3 =	vld [tilespmem:s25+$0x10];
	_ =	sdelay $0x3  }
.Ltmp6:
0xc8: {  	_ = 	snop;
	(pc) =	sbr.rel .LBB2_9-.Ltmp6, $3  }
0xc9: {  	_ =	sdelay $0x1  }
0xca: {  	(ifvalue) =	ssetifvalue $0xFFFFFFFF  }
0xcb: {  	[hbm4b:s1+s16] =	stream.indirect_vreg.scatter [tilespmem:s26], [sflag:$0x9], $0x1, v3, vm0, $0x4038;
	[tilespmem:$0x11A60] =	vst v63  }
.LBB2_10:
0xcc: {  	_ =	sfence.sel $0x180000  }
0xcd: {  	s0 =	simm.s32 $0x7;
	[bflag:$0x0] =	sbarrier.arrive $0xFFFF  }
0xce: {  	s26 =	simm.s32 $0x8;
	[sflag:s0] =	ssyncpa.u1 $0x1  }
0xcf: {  	s28 =	simm.s32 $0x9;
	[sflag:s26] =	ssyncpa.u1 $0x1  }
0xd0: {  	[sflag:s28] =	ssyncpa.u1 $0x1  }
0xd1: {  	_ =	sfence.stream.spmem  }
0xd2: {  	s29 =	simm.s32 $0x3;
	[bflag:$0x0] =	sbarrier.arrive $0xFFFF  }
0xd3: {  	s30 =	simm.s32 $0x4;
	[sflag:s29] =	ssyncpa.u1 $0x1  }
0xd4: {  	s31 =	simm.s32 $0x3C;
	s2 =	stileid.u32;
	[sflag:s30] =	ssyncpa.u1 $0x1  }
0xd5: {  	p0 =	sne.s32 s2, $0x0;
	[sflag:s31] =	ssyncpa.u1 $0x1  }
0xd6: {  	s0 =	simm.s32 @p0 $0x1;
	_ =	sfence @p0  }
0xd7: {  	[sflag:s0] =	ssyncpa.u1 @p0 $0x1;
	s0 =	simm.s32 @p0 $0x2  }
0xd8: {  	[sflag:s0] =	ssyncpa.u1 @p0 $0x1  }
0xd9: {  	_ =	strace @p0 $0x9000004A  }
0xda: {  	[bflag:$0x2] =	sbarrier.arrive @p0 $0xFFFF  }
0xdb: {  	_ =	shalt @p0  }
.LBB2_11:
0xdc: {  	_ =	sfence.stream.spmem;
	s0 =	simm.s32 $0x5  }
0xdd: {  	s2 =	simm.s32 $0x80;
	s3 =	simm.s32 $0xC0;
	[sflag:s0] =	ssyncpa.u1 $0x0  }
0xde: {  	[tilespmem:s3], [sflag:$0x5] =	stream.linear.gather [spmem:s2], $0x20, $0x38;
	[tilespmem:$0x11A60] =	vst v63  }
0xdf: {  	s2 =	simm.s32 $0x0;
	s3 =	simm.s32 $0xE0  }
0xe0: {  	[tilespmem:s3], [sflag:$0x5] =	stream.linear.gather [spmem:s2], $0x20, $0x38;
	[tilespmem:$0x11A60] =	vst v63  }
.Ltmp7:
0xe1: {  	_ = 	snop;
	(pc) =	sbr.rel .LBB2_12-.Ltmp7, $4  }
0xe2: {  	_ =	swait.ge [sflag:s0], $0x40  }
0xe3: {  	[sflag:s0] =	ssyncset.done $0x0  }
0xe4: {  	s31 =	simm.s32 $0x6;
	[sflag:s0] =	ssyncadd.s32 $0xFFFFFFC0  }
0xe5: {  	s4 =	simm.s32 $0x0;
	[sflag:s31] =	ssyncpa.u1 $0x0  }
.LBB2_17:
0xe6: {  	p0 =	sgt.u32 s5, $0x27FF  }
0xe7: {  	s0 =	sshrl.u32 @!p0 s5, $0x3  }
0xe8: {  	s5 =	sand.u32 @!p0 $0x7, s5;
	s6 =	simm.s32 @!p0 $0xB0;
	s0 =	sadd.s32 @!p0 s1, s0  }
0xe9: {  	[tilespmem:s6], [sflag:$0x6] =	stream.linear.gather @!p0 [hbm4b:s0+s5], $0x1, $0x38;
	[tilespmem:$0x11A60] =	vst v63  }
0xea: {  	s0 =	simm.s32 @!p0 $0x6  }
0xeb: {  	_ =	swait.ge @!p0 [sflag:s0], $0x1  }
0xec: {  	[sflag:s0] =	ssyncset.done @!p0 $0x0  }
0xed: {  	[sflag:s0] =	ssyncadd.s32 @!p0 $0xFFFFFFFF  }
0xee: {  	v2 =	vmov @!p0 s4;
	v1 =	vld.msk @!p0 [tilespmem:$0xB0], $0x1;
	_ =	sdelay $0x3  }
0xef: {  	s0 =	simm.s32 @!p0 $0xE0  }
0xf0: {  	[tilespmem:v2+s0+$0x0], v1 =	vst.idx.ret.add.f32.msk @!p0 $0x1, v1  }
0xf1: {  	[tilespmem:s2+$0xC0] =	vst.msk $0x1, v0  }
0xf2: {  	v0 =	vld.msk [tilespmem:s4+$0xE0], $0x1;
	_ =	sdelay $0x4  }
0xf3: {  	[tilespmem:s2+$0xE0] =	vst.msk $0x1, v0;
	s2 =	sadd.s32 $0x1, s2  }
.LBB2_19:
0xf4: {  	s4 =	sadd.s32 $0x1, s4  }
0xf5: {  	p0 =	sne.s32 s4, $0x20  }
.Ltmp8:
0xf6: {  	_ = 	snop;
	(pc) =	sbr.rel @!p0 .LBB2_20-.Ltmp8, $1  }
0xf7: {  	_ =	sdelay $0x3  }
.LBB2_12:
0xf8: {  	v0 =	vld.msk [tilespmem:s4+$0xC0], $0x1;
	_ =	sdelay $0x4  }
0xf9: {  	(v2sf) =	vpush v0, $0x0;
	_ =	sdelay $0xe  }
0xfa: {  	s5 =	spop (v2sf)  }
0xfb: {  	p0 =	seq.s32 s5, $0xFFFFFFFF  }
.Ltmp9:
0xfc: {  	_ = 	snop;
	(pc) =	sbr.rel @p0 .LBB2_19-.Ltmp9, $1  }
0xfd: {  	_ =	sdelay $0x3  }
0xfe: {  	p0 =	slt.s32 s2, $0x1  }
.Ltmp10:
0xff: {  	_ = 	snop;
	(pc) =	sbr.rel @p0 .LBB2_17-.Ltmp10, $1  }
0x100: {  	_ =	sdelay $0x3  }
0x101: {  	s0 =	simm.s32 $0xC0;
	p0 =	por $0x0, $0x0  }
0x102: {  	v1 =	vld.msk @!p0 [tilespmem:s0+$0x0], $0x1;
	_ =	sdelay $0x4  }
0x103: {  	(v2sf) =	vpush @!p0 v1, $0x0;
	_ =	sdelay $0xd  }
0x104: {  	p2 =	sne.s32 s2, $0x1  }
.Ltmp11:
0x105: {  	s6 =	spop @!p0 (v2sf);
	(pc) =	sbr.rel @!p2 .LBB2_16-.Ltmp11, $4  }
0x106: {  	p1 =	seq.s32 @!p0 s5, s6  }
0x107: {  	s6 =	simm.s32 $0x0;
	p1 =	por !p1, p0  }
0x108: {  	s8 =	simm.s32 $0xFFFFFFFF;
	s6 =	simm.s32 @p1 $0xFFFFFFFF  }
0x109: {  	s7 =	simm.s32 $0x1;
	s6 =	smov.u32 @p0 s8  }
.LBB2_15:
0x10a: {  	s8 =	smov.u32 s6;
	p0 =	sne.s32 s6, $0xFFFFFFFF  }
0x10b: {  	s0 =	sadd.s32 $0x1, s0;
	s6 =	smov.u32 s7;
	s7 =	sadd.s32 $0x1, s7  }
0x10c: {  	p1 =	sne.s32 s2, s7;
	v1 =	vld.msk @!p0 [tilespmem:s0+$0x0], $0x1;
	_ =	sdelay $0x4  }
0x10d: {  	(v2sf) =	vpush @!p0 v1, $0x0;
	_ =	sdelay $0xe  }
.Ltmp12:
0x10e: {  	s9 =	spop @!p0 (v2sf);
	(pc) =	sbr.rel @p1 .LBB2_15-.Ltmp12, $4  }
0x10f: {  	p2 =	seq.s32 @!p0 s5, s9  }
0x110: {  	p2 =	por !p2, p0  }
0x111: {  	s6 =	simm.s32 @p2 $0xFFFFFFFF  }
0x112: {  	s6 =	smov.u32 @p0 s8  }
.LBB2_16:
0x113: {  	p0 =	sne.s32 s6, $0xFFFFFFFF  }
.Ltmp13:
0x114: {  	_ = 	snop;
	(pc) =	sbr.rel @!p0 .LBB2_17-.Ltmp13, $1  }
0x115: {  	_ =	sdelay $0x3  }
0x116: {  	v0 =	vld.msk [tilespmem:s4+$0xE0], $0x1;
	v1 =	vmov s6  }
.Ltmp14:
0x117: {  	_ = 	snop;
	(pc) =	sbr.rel .LBB2_19-.Ltmp14, $2  }
0x118: {  	_ =	sdelay $0x2  }
0x119: {  	[tilespmem:v1+s3+$0x0], v0 =	vst.idx.ret.add.f32.msk $0x1, v0  }
.LBB2_20:
0x11a: {  	p0 =	slt.s32 s2, $0x1  }
.Ltmp15:
0x11b: {  	_ = 	snop;
	(pc) =	sbr.rel @p0 .LBB2_24-.Ltmp15, $3  }
0x11c: {  	_ =	sdelay $0x1  }
0x11d: {  	s0 =	simm.s32 $0x6  }
0x11e: {  	s3 =	simm.s32 $0x0;
	[sflag:s0] =	ssyncpa.u1 $0x1  }
0x11f: {  	s0 =	simm.s32 $0xC0  }
0x120: {  	v0 =	vld.msk [tilespmem:s0+$0x0], $0x1;
	_ =	sdelay $0x4  }
0x121: {  	(v2sf) =	vpush v0, $0x0;
	_ =	sdelay $0xe  }
0x122: {  	s2 =	sadd.s32 $0xFFFFFFFF, s2;
	s4 =	spop (v2sf)  }
0x123: {  	p1 =	sne.s32 s2, $0x0;
	p0 =	sgt.u32 s4, $0x27FF  }
.Ltmp16:
0x124: {  	s5 =	sshrl.u32 @!p0 s4, $0x3;
	(pc) =	sbr.rel @!p1 .LBB2_23-.Ltmp16, $4  }
0x125: {  	s0 =	simm.s32 $0xE0;
	s4 =	sand.u32 @!p0 $0x7, s4;
	s5 =	sadd.s32 @!p0 s1, s5  }
0x126: {  	[hbm4b:s5+s4] =	stream.linear.scatter @!p0 [tilespmem:s0], [sflag:$0x5], $0x1, $0x38;
	[tilespmem:$0x11A60] =	vst v63  }
0x127: {  	s5 =	simm.s32 $0x0  }
0x128: {  	s4 =	simm.s32 $0xC1;
	s5 =	simm.s32 @!p0 $0x4  }
.LBB2_22:
0x129: {  	v0 =	vld.msk [tilespmem:s4+$0x0], $0x1;
	s2 =	sadd.s32 $0xFFFFFFFF, s2;
	s3 =	sadd.s32 s3, s5  }
0x12a: {  	p0 =	sne.s32 s2, $0x0;
	_ =	sdelay $0x3  }
0x12b: {  	(v2sf) =	vpush v0, $0x0;
	_ =	sdelay $0xe  }
.Ltmp17:
0x12c: {  	s6 =	spop (v2sf);
	(pc) =	sbr.rel @p0 .LBB2_22-.Ltmp17, $4  }
0x12d: {  	s5 =	simm.s32 $0x0;
	p1 =	sgt.u32 s6, $0x27FF  }
0x12e: {  	s0 =	sadd.s32 $0x1, s0;
	s5 =	simm.s32 @!p1 $0x4;
	s7 =	sshrl.u32 @!p1 s6, $0x3  }
0x12f: {  	s4 =	sadd.s32 $0x1, s4;
	s6 =	sand.u32 @!p1 $0x7, s6;
	s7 =	sadd.s32 @!p1 s1, s7  }
0x130: {  	[hbm4b:s7+s6] =	stream.linear.scatter @!p1 [tilespmem:s0], [sflag:$0x5], $0x1, $0x38;
	[tilespmem:$0x11A60] =	vst v63  }
.LBB2_23:
0x131: {  	s0 =	sadd.s32 s3, s5  }
0x132: {  	s3 =	sshrl.u32 s0, $0x2  }
.LBB2_24:
0x133: {  	s0 =	simm.s32 $0x5  }
0x134: {  	_ =	swait.ge [sflag:s0], s3  }
0x135: {  	s1 =	ssub.s32 $0x0, s3;
	[sflag:s0] =	ssyncset.done $0x0  }
0x136: {  	[sflag:s0] =	ssyncadd.s32 s1  }
0x137: {  	[sflag:s0] =	ssyncpa.u1 $0x1  }
0x138: {  	s29 =	simm.s32 $0x1;
	_ =	sfence  }
0x139: {  	s30 =	simm.s32 $0x2;
	[sflag:s29] =	ssyncpa.u1 $0x1  }
0x13a: {  	[sflag:s30] =	ssyncpa.u1 $0x1  }
0x13b: {  	_ =	strace $0x9000004A  }
0x13c: {  	[bflag:$0x2] =	sbarrier.arrive $0xFFFF  }
0x13d: {  	s31 =	rddreg [dreg:$0x2]  }
0x13e: {  	s0 =	sadd.s32 $0x100000, s31  }
0x13f: {  	[sflag:s0] =	ssyncadd.tile.s32 $0x1;
	_ =	shalt  }
.Lfunc_end2:
_tile_overlayer_lowered:
.L_overlay_start_2:
0x140: {  	(tag) =	ssettag $0x2  }
0x141: {  	s0 =	rddreg [dreg:$0x0];
	s2 =	stileid.u32  }
0x142: {  	s1 =	rddreg [dreg:$0x1];
	p0 =	sne.s32 s2, $0x0  }
0x143: {  	s3 =	rddreg [dreg:$0x2];
	[bflag:$0x3] =	sbarrier.arrive $0xFFFF;
	s2 =	simm.s32 @!p0 $0x1C01  }
0x144: {  	[timem:s3], [sflag:s2] =	dma.local @!p0 [hbm:s0], s1  }
0x145: {  	s0 =	simm.s32 @!p0 $0x1  }
0x146: {  	_ =	swait.ge @!p0 [sflag:s0], s1  }
0x147: {  	s1 =	ssub.s32 @!p0 $0x0, s1;
	[sflag:s0] =	ssyncset.done @!p0 $0x0  }
0x148: {  	[sflag:s0] =	ssyncadd.s32 @!p0 s1  }
0x149: {  	[bflag:$0x3] =	sbarrier.arrive $0xFFFF  }
0x14a: {  	_ =	shalt  }

</sc_bundles>
